<compile_context>
chip_gen: v7x
topology: tpu7x:2x2x1
jax: 0.10.2.dev20260603
libtpu: 0.0.44.dev20260713+nightly
codegen_flags: <defaults>
</compile_context>

<pallas_src>
import jax
import jax.numpy as jnp
from jax import lax
from jax.experimental import pallas as pl
from jax.experimental.pallas import tpu as pltpu
from jax.experimental.pallas import tpu_sc as plsc

N = 10000
E = 320000
IN_DIM = 128
H1, D1 = 8, 16

NC, NS, LANES = 2, 16, 16
NT = NC * NS
EPT = E // NT
C = 80
NCHUNK = 126
EPT_P = C * NCHUNK
NTRIP = NCHUNK // 3
C2 = 120
NCHUNK2 = EPT_P // C2
NTRIP2 = NCHUNK2 // 3
NP = 10112
ROWS = NP // NS
ACC_W = 144
TAB_W = 144

_BLK = 1000


def _proj_kernel(x_ref, w_ref, tab_ref, er_ref):
    o = jnp.dot(x_ref[...], w_ref[...], preferred_element_type=jnp.float32)
    tab_ref[...] = o[:, :TAB_W]
    er_ref[...] = o[:, TAB_W:]


def _proj(x, Wcat):
    n = x.shape[0]
    k = Wcat.shape[1]
    return pl.pallas_call(
        _proj_kernel,
        grid=(n // _BLK,),
        in_specs=[
            pl.BlockSpec((_BLK, IN_DIM), lambda i: (i, 0)),
            pl.BlockSpec((IN_DIM, k), lambda i: (0, 0)),
        ],
        out_specs=[
            pl.BlockSpec((_BLK, TAB_W), lambda i: (i, 0)),
            pl.BlockSpec((_BLK, 16), lambda i: (i, 0)),
        ],
        out_shape=[
            jax.ShapeDtypeStruct((n, TAB_W), jnp.float32),
            jax.ShapeDtypeStruct((n, 16), jnp.float32),
        ],
    )(x, Wcat)


def _edge1_body(tab_hbm, er_hbm, src_hbm, dst_hbm, z_hbm, acc_out,
                srcA, dstA, feA, erA,
                srcB, dstB, feB, erB,
                srcC, dstC, feC, erC,
                acc_sh, gsA, gsB, gsC, ssA, ssB, ssC):
    cid = lax.axis_index("c")
    sid = lax.axis_index("s")
    wid = sid * NC + cid
    pltpu.sync_copy(z_hbm.at[pl.ds(sid * ROWS, ROWS)],
                    acc_sh.at[pl.ds(sid * ROWS, ROWS)])
    plsc.subcore_barrier()
    base0 = wid * EPT_P

    def load_idx(g, sv, dv, sem):
        a = pltpu.async_copy(src_hbm.at[pl.ds(base0 + g * C, C)], sv, sem)
        b = pltpu.async_copy(dst_hbm.at[pl.ds(base0 + g * C, C)], dv, sem)
        a.wait()
        b.wait()

    def issue_gather(sv, dv, fe, er, sem):
        pltpu.async_copy(tab_hbm.at[sv], fe, sem)
        pltpu.async_copy(er_hbm.at[dv], er, sem)

    def wait_gather(sv, dv, fe, er, sem):
        pltpu.make_async_copy(tab_hbm.at[sv], fe, sem).wait()
        pltpu.make_async_copy(er_hbm.at[dv], er, sem).wait()

    def compute(fe, er):
        @pl.loop(0, C)
        def _edge(j):
            e = fe[j, pl.ds(128, 16)] + er[j, :]
            w = jnp.exp(jnp.maximum(e, 0.2 * e))
            fe[j, pl.ds(128, 16)] = w
            for h in range(H1):
                fe[j, pl.ds(h * D1, D1)] = fe[j, pl.ds(h * D1, D1)] * w[h]

    def issue_scatter(msg, dv, sem):
        pltpu.async_copy(msg, acc_sh.at[dv], sem, add=True)

    def wait_scatter(msg, dv, sem):
        pltpu.make_async_copy(msg, acc_sh.at[dv], sem).wait()

    load_idx(0, srcA, dstA, gsA)
    issue_gather(srcA, dstA, feA, erA, gsA)
    load_idx(1, srcB, dstB, gsB)
    issue_gather(srcB, dstB, feB, erB, gsB)

    @pl.loop(0, NTRIP)
    def _trip(k):
        g = 3 * k

        wait_gather(srcA, dstA, feA, erA, gsA)
        compute(feA, erA)
        issue_scatter(feA, dstA, ssA)

        @pl.when(k > 0)
        def _():
            wait_scatter(feC, dstC, ssC)
        load_idx(g + 2, srcC, dstC, gsC)
        issue_gather(srcC, dstC, feC, erC, gsC)

        wait_gather(srcB, dstB, feB, erB, gsB)
        compute(feB, erB)
        issue_scatter(feB, dstB, ssB)

        wait_scatter(feA, dstA, ssA)
        load_idx(g + 3, srcA, dstA, gsA)
        issue_gather(srcA, dstA, feA, erA, gsA)

        wait_gather(srcC, dstC, feC, erC, gsC)
        compute(feC, erC)
        issue_scatter(feC, dstC, ssC)

        wait_scatter(feB, dstB, ssB)
        load_idx(g + 4, srcB, dstB, gsB)
        issue_gather(srcB, dstB, feB, erB, gsB)

    wait_scatter(feC, dstC, ssC)
    wait_gather(srcA, dstA, feA, erA, gsA)
    wait_gather(srcB, dstB, feB, erB, gsB)
    plsc.subcore_barrier()
    pltpu.sync_copy(acc_sh.at[pl.ds(sid * ROWS, ROWS)],
                    acc_out.at[cid].at[pl.ds(sid * ROWS, ROWS)])


def _edge1(tab, er16p, src, dst, zeros144):
    mesh = plsc.VectorSubcoreMesh(core_axis_name="c", subcore_axis_name="s")
    return pl.kernel(
        _edge1_body,
        out_type=jax.ShapeDtypeStruct((NC, NP, ACC_W), jnp.float32),
        mesh=mesh,
        compiler_params=pltpu.CompilerParams(use_tc_tiling_on_sc=False),
        scratch_types=[
            pltpu.VMEM((C,), jnp.int32),
            pltpu.VMEM((C,), jnp.int32),
            pltpu.VMEM((C, TAB_W), jnp.float32),
            pltpu.VMEM((C, 16), jnp.float32),
            pltpu.VMEM((C,), jnp.int32),
            pltpu.VMEM((C,), jnp.int32),
            pltpu.VMEM((C, TAB_W), jnp.float32),
            pltpu.VMEM((C, 16), jnp.float32),
            pltpu.VMEM((C,), jnp.int32),
            pltpu.VMEM((C,), jnp.int32),
            pltpu.VMEM((C, TAB_W), jnp.float32),
            pltpu.VMEM((C, 16), jnp.float32),
            pltpu.VMEM_SHARED((NP, ACC_W), jnp.float32),
            pltpu.SemaphoreType.DMA,
            pltpu.SemaphoreType.DMA,
            pltpu.SemaphoreType.DMA,
            pltpu.SemaphoreType.DMA,
            pltpu.SemaphoreType.DMA,
            pltpu.SemaphoreType.DMA,
        ],
    )(tab, er16p, src, dst, zeros144)


def _fin1_kernel(acc_ref, rep_ref, b1_ref, w2_ref, rw2_ref, f2_ref, hr_ref):
    acc = acc_ref[0] + acc_ref[1]
    numer = acc[:, :128]
    den = jnp.dot(acc[:, 128:144], rep_ref[...],
                  preferred_element_type=jnp.float32)
    rst = numer / (den + 1e-9) + b1_ref[...]
    h = jnp.where(rst > 0, rst, jnp.exp(rst) - 1.0)
    f2_ref[...] = jnp.dot(h, w2_ref[...], preferred_element_type=jnp.float32)
    hr_ref[...] = jnp.dot(h, rw2_ref[...], preferred_element_type=jnp.float32)


def _fin1(acc, REP, b1r, W2_16, RW2_16):
    return pl.pallas_call(
        _fin1_kernel,
        grid=(N // _BLK,),
        in_specs=[
            pl.BlockSpec((NC, _BLK, ACC_W), lambda i: (0, i, 0)),
            pl.BlockSpec((16, 128), lambda i: (0, 0)),
            pl.BlockSpec((1, 128), lambda i: (0, 0)),
            pl.BlockSpec((128, 16), lambda i: (0, 0)),
            pl.BlockSpec((128, 16), lambda i: (0, 0)),
        ],
        out_specs=[
            pl.BlockSpec((_BLK, 16), lambda i: (i, 0)),
            pl.BlockSpec((_BLK, 16), lambda i: (i, 0)),
        ],
        out_shape=[
            jax.ShapeDtypeStruct((N, 16), jnp.float32),
            jax.ShapeDtypeStruct((N, 16), jnp.float32),
        ],
    )(acc, REP, b1r, W2_16, RW2_16)


def _edge2_body(f2_hbm, src_hbm, dst_hbm, z_hbm, al2_hbm, ar2_hbm, acc_out,
                srcA, dstA, gsA_v, gdA_v, outA,
                srcB, dstB, gsB_v, gdB_v, outB,
                srcC, dstC, gsC_v, gdC_v, outC,
                al2_v, ar2_v, acc_sh, gsA, gsB, gsC, ssA, ssB, ssC):
    cid = lax.axis_index("c")
    sid = lax.axis_index("s")
    wid = sid * NC + cid
    pltpu.sync_copy(al2_hbm, al2_v)
    pltpu.sync_copy(ar2_hbm, ar2_v)
    pltpu.sync_copy(z_hbm.at[pl.ds(sid * ROWS, ROWS)],
                    acc_sh.at[pl.ds(sid * ROWS, ROWS)])
    plsc.subcore_barrier()
    base0 = wid * EPT_P
    iota = lax.iota(jnp.int32, LANES)
    m0 = jnp.where(iota == 0, 1.0, 0.0)
    m1 = jnp.where(iota == 1, 1.0, 0.0)
    al2v = al2_v[...]
    ar2v = ar2_v[...]

    def load_idx(g, sv, dv, sem):
        a = pltpu.async_copy(src_hbm.at[pl.ds(base0 + g * C2, C2)], sv, sem)
        b = pltpu.async_copy(dst_hbm.at[pl.ds(base0 + g * C2, C2)], dv, sem)
        a.wait()
        b.wait()

    def issue_gather(sv, dv, gs_v, gd_v, sem):
        pltpu.async_copy(f2_hbm.at[sv], gs_v, sem)
        pltpu.async_copy(f2_hbm.at[dv], gd_v, sem)

    def wait_gather(sv, dv, gs_v, gd_v, sem):
        pltpu.make_async_copy(f2_hbm.at[sv], gs_v, sem).wait()
        pltpu.make_async_copy(f2_hbm.at[dv], gd_v, sem).wait()

    def compute(gs_v, gd_v, out_v):
        @pl.loop(0, C2)
        def _edge(j):
            gs = gs_v[j, :]
            gd = gd_v[j, :]
            e = gs * al2v + gd * ar2v
            w = jnp.exp(jnp.maximum(e, 0.2 * e))
            out_v[j, :] = w * (gs * m0 + m1)

    def issue_scatter(out_v, dv, sem):
        pltpu.async_copy(out_v, acc_sh.at[dv], sem, add=True)

    def wait_scatter(out_v, dv, sem):
        pltpu.make_async_copy(out_v, acc_sh.at[dv], sem).wait()

    load_idx(0, srcA, dstA, gsA)
    issue_gather(srcA, dstA, gsA_v, gdA_v, gsA)
    load_idx(1, srcB, dstB, gsB)
    issue_gather(srcB, dstB, gsB_v, gdB_v, gsB)

    @pl.loop(0, NTRIP2)
    def _trip(k):
        g = 3 * k

        wait_gather(srcA, dstA, gsA_v, gdA_v, gsA)
        compute(gsA_v, gdA_v, outA)
        issue_scatter(outA, dstA, ssA)

        @pl.when(k > 0)
        def _():
            wait_scatter(outC, dstC, ssC)
        load_idx(g + 2, srcC, dstC, gsC)
        issue_gather(srcC, dstC, gsC_v, gdC_v, gsC)

        wait_gather(srcB, dstB, gsB_v, gdB_v, gsB)
        compute(gsB_v, gdB_v, outB)
        issue_scatter(outB, dstB, ssB)

        wait_scatter(outA, dstA, ssA)
        load_idx(g + 3, srcA, dstA, gsA)
        issue_gather(srcA, dstA, gsA_v, gdA_v, gsA)

        wait_gather(srcC, dstC, gsC_v, gdC_v, gsC)
        compute(gsC_v, gdC_v, outC)
        issue_scatter(outC, dstC, ssC)

        wait_scatter(outB, dstB, ssB)
        load_idx(g + 4, srcB, dstB, gsB)
        issue_gather(srcB, dstB, gsB_v, gdB_v, gsB)

    wait_scatter(outC, dstC, ssC)
    wait_gather(srcA, dstA, gsA_v, gdA_v, gsA)
    wait_gather(srcB, dstB, gsB_v, gdB_v, gsB)
    plsc.subcore_barrier()
    pltpu.sync_copy(acc_sh.at[pl.ds(sid * ROWS, ROWS)],
                    acc_out.at[cid].at[pl.ds(sid * ROWS, ROWS)])


def _edge2(f2p, src, dst, zeros16, al2b, ar2b):
    mesh = plsc.VectorSubcoreMesh(core_axis_name="c", subcore_axis_name="s")
    return pl.kernel(
        _edge2_body,
        out_type=jax.ShapeDtypeStruct((NC, NP, 16), jnp.float32),
        mesh=mesh,
        compiler_params=pltpu.CompilerParams(use_tc_tiling_on_sc=False),
        scratch_types=[
            pltpu.VMEM((C2,), jnp.int32),
            pltpu.VMEM((C2,), jnp.int32),
            pltpu.VMEM((C2, 16), jnp.float32),
            pltpu.VMEM((C2, 16), jnp.float32),
            pltpu.VMEM((C2, 16), jnp.float32),
            pltpu.VMEM((C2,), jnp.int32),
            pltpu.VMEM((C2,), jnp.int32),
            pltpu.VMEM((C2, 16), jnp.float32),
            pltpu.VMEM((C2, 16), jnp.float32),
            pltpu.VMEM((C2, 16), jnp.float32),
            pltpu.VMEM((C2,), jnp.int32),
            pltpu.VMEM((C2,), jnp.int32),
            pltpu.VMEM((C2, 16), jnp.float32),
            pltpu.VMEM((C2, 16), jnp.float32),
            pltpu.VMEM((C2, 16), jnp.float32),
            pltpu.VMEM((LANES,), jnp.float32),
            pltpu.VMEM((LANES,), jnp.float32),
            pltpu.VMEM_SHARED((NP, 16), jnp.float32),
            pltpu.SemaphoreType.DMA,
            pltpu.SemaphoreType.DMA,
            pltpu.SemaphoreType.DMA,
            pltpu.SemaphoreType.DMA,
            pltpu.SemaphoreType.DMA,
            pltpu.SemaphoreType.DMA,
        ],
    )(f2p, src, dst, zeros16, al2b, ar2b)


def _fin2_kernel(acc_ref, hr_ref, b2_ref, o_ref):
    acc = acc_ref[0] + acc_ref[1]
    numer = acc[:, 0:1]
    den = acc[:, 1:2]
    o_ref[...] = numer / (den + 1e-9) + hr_ref[:, 0:1] + b2_ref[0, 0]


def _fin2(acc2, hr, b2r):
    return pl.pallas_call(
        _fin2_kernel,
        grid=(N // _BLK,),
        in_specs=[
            pl.BlockSpec((NC, _BLK, 16), lambda i: (0, i, 0)),
            pl.BlockSpec((_BLK, 16), lambda i: (i, 0)),
            pl.BlockSpec((1, 1), lambda i: (0, 0)),
        ],
        out_specs=pl.BlockSpec((_BLK, 1), lambda i: (i, 0)),
        out_shape=jax.ShapeDtypeStruct((N, 1), jnp.float32),
    )(acc2, hr, b2r)


def _head_matrix(a):
    k = jnp.arange(H1 * D1)
    M = jnp.zeros((H1 * D1, 16), jnp.float32)
    return M.at[k, k // D1].set(a.reshape(H1 * D1))


def _pad_edges(v, fill):
    v2 = v.reshape(NT, EPT)
    v2 = jnp.pad(v2, ((0, 0), (0, EPT_P - EPT)), constant_values=fill)
    return jnp.pad(v2.reshape(-1), (0, 2 * C2), constant_values=fill)


def kernel(features, edge_index, W1, al1, ar1, b1, W2, al2, ar2, rw2, b2):
    src = edge_index[0]
    dst = edge_index[1]

    Wcat = jnp.concatenate(
        [W1, W1 @ _head_matrix(al1), W1 @ _head_matrix(ar1)], axis=1)
    k128 = jnp.arange(128)
    REP = jnp.zeros((16, 128), jnp.float32).at[k128 // D1, k128].set(1.0)
    b1r = b1.reshape(1, 128)
    W2_16 = jnp.tile(W2, (1, 16))
    RW2_16 = jnp.tile(rw2, (1, 16))
    al2b = jnp.broadcast_to(al2.reshape(1), (LANES,))
    ar2b = jnp.broadcast_to(ar2.reshape(1), (LANES,))
    zeros144 = jnp.zeros((NP, ACC_W), jnp.float32)
    zeros16 = jnp.zeros((NP, 16), jnp.float32)
    b2r = b2.reshape(1, 1)
    src_p = _pad_edges(src, 0)
    dst_p = _pad_edges(dst, N)

    tab, er16 = _proj(features, Wcat)
    er16p = jnp.concatenate([er16, jnp.zeros((NP - N, 16), jnp.float32)])
    acc = _edge1(tab, er16p, src_p, dst_p, zeros144)
    f2, hr = _fin1(acc, REP, b1r, W2_16, RW2_16)

    f2p = jnp.concatenate([f2, jnp.zeros((NP - N, 16), jnp.float32)])
    acc2 = _edge2(f2p, src_p, dst_p, zeros16, al2b, ar2b)
    return _fin2(acc2, hr, b2r)

# --- scband reference (transcript-rebuilt; emitter-appended) ---
"""Pipeline reference for scband-gnnmodel-dgl-72421738545330 (READ-ONLY COPY).

The authoritative reference and input builder live on the scoring server;
editing this copy changes nothing except your own understanding.
"""

import jax, jax.numpy as jnp
import numpy as np

N = 10000
E = 320000
IN_DIM = 128
HID = 128
OUT_DIM = 1
H1, D1 = 8, 16  # layer-1: 8 heads x 16 dims = 128
H2, D2 = 1, 1   # layer-2: 1 head x 1 dim


def setup_inputs(seed: int = 0) -> dict:
    key = jax.random.key(seed)
    ks = jax.random.split(key, 12)
    x = jax.random.normal(ks[0], (N, IN_DIM), dtype=jnp.float32)
    edge_index = jax.random.randint(ks[1], (2, E), 0, N, dtype=jnp.int32)
    # GATConv layer 1 params (in=128 -> 8 heads x 16)
    W1 = jax.random.normal(ks[2], (IN_DIM, H1 * D1), dtype=jnp.float32) * (1.0 / np.sqrt(IN_DIM))
    al1 = jax.random.normal(ks[3], (1, H1, D1), dtype=jnp.float32) * 0.1
    ar1 = jax.random.normal(ks[4], (1, H1, D1), dtype=jnp.float32) * 0.1
    b1 = jnp.zeros((H1 * D1,), dtype=jnp.float32)
    # GATConv layer 2 params (in=128 -> 1 head x 1, with residual projection)
    W2 = jax.random.normal(ks[5], (HID, H2 * D2), dtype=jnp.float32) * (1.0 / np.sqrt(HID))
    al2 = jax.random.normal(ks[6], (1, H2, D2), dtype=jnp.float32) * 0.1
    ar2 = jax.random.normal(ks[7], (1, H2, D2), dtype=jnp.float32) * 0.1
    rw2 = jax.random.normal(ks[8], (HID, H2 * D2), dtype=jnp.float32) * (1.0 / np.sqrt(HID))
    b2 = jnp.zeros((H2 * D2,), dtype=jnp.float32)
    return {"features": x, "edge_index": edge_index,
            "W1": W1, "al1": al1, "ar1": ar1, "b1": b1,
            "W2": W2, "al2": al2, "ar2": ar2, "rw2": rw2, "b2": b2}


def _gat_layer(h_in, src, dst, W, al, ar, b, res_W, heads, out_dim, activation):
    n = h_in.shape[0]
    feat = (h_in @ W).reshape(n, heads, out_dim)
    el = jnp.sum(feat * al, axis=-1)  # [N, H]
    er = jnp.sum(feat * ar, axis=-1)  # [N, H]
    e = jax.nn.leaky_relu(el[src] + er[dst], negative_slope=0.2)  # [E, H]
    # edge softmax over incoming edges per dst node, per head
    emax = jax.ops.segment_max(e, dst, num_segments=n)
    emax = jnp.where(jnp.isfinite(emax), emax, 0.0)
    ee = jnp.exp(e - emax[dst])
    esum = jax.ops.segment_sum(ee, dst, num_segments=n)
    a = ee / (esum[dst] + 1e-9)  # [E, H]
    msg = feat[src] * a[..., None]  # [E, H, D]
    rst = jax.ops.segment_sum(msg, dst, num_segments=n)  # [N, H, D]
    if res_W is not None:
        rst = rst + (h_in @ res_W).reshape(n, heads, out_dim)
    rst = rst + b.reshape(1, heads, out_dim)
    if activation is not None:
        rst = activation(rst)
    return rst


def reference(features, edge_index, W1, al1, ar1, b1, W2, al2, ar2, rw2, b2):
    src = edge_index[0]
    dst = edge_index[1]
    # layer 1: GATConv(128 -> 16, 8 heads), elu activation, no residual; then flatten(1)
    h = _gat_layer(features, src, dst, W1, al1, ar1, b1, None, H1, D1, jax.nn.elu)
    h = h.reshape(N, H1 * D1)
    # layer 2: GATConv(128 -> 1, 1 head), residual (projected), no activation; then mean over heads
    out = _gat_layer(h, src, dst, W2, al2, ar2, b2, rw2, H2, D2, None)
    logits = out.mean(axis=1)  # [N, 1]
    return logits

if __name__ == "__main__":
    import jax
    _d = setup_inputs()
    print(jax.jit(kernel)(*tuple(_d.values())))

</pallas_src>

<mosaic_0001>
#map = affine_map<(d0, d1) -> (0, 0)>
#map1 = affine_map<(d0, d1) -> (0)>
#map2 = affine_map<(d0, d1) -> (0, 0, 0)>
module attributes {stable_mosaic.version = 14 : i64} {
  func.func @_edge2_body(%arg0: i32, %arg1: i32, %arg2: memref<10112x16xf32, #tpu.memory_space<hbm>>, %arg3: memref<322800xi32, #tpu.memory_space<hbm>>, %arg4: memref<322800xi32, #tpu.memory_space<hbm>>, %arg5: memref<10112x16xf32, #tpu.memory_space<hbm>>, %arg6: memref<16xf32, #tpu.memory_space<hbm>>, %arg7: memref<16xf32, #tpu.memory_space<hbm>>, %arg8: memref<2x10112x16xf32, #tpu.memory_space<hbm>>, %arg9: memref<120xi32, #tpu.memory_space<vmem>>, %arg10: memref<120xi32, #tpu.memory_space<vmem>>, %arg11: memref<120x16xf32, #tpu.memory_space<vmem>>, %arg12: memref<120x16xf32, #tpu.memory_space<vmem>>, %arg13: memref<120x16xf32, #tpu.memory_space<vmem>>, %arg14: memref<120xi32, #tpu.memory_space<vmem>>, %arg15: memref<120xi32, #tpu.memory_space<vmem>>, %arg16: memref<120x16xf32, #tpu.memory_space<vmem>>, %arg17: memref<120x16xf32, #tpu.memory_space<vmem>>, %arg18: memref<120x16xf32, #tpu.memory_space<vmem>>, %arg19: memref<120xi32, #tpu.memory_space<vmem>>, %arg20: memref<120xi32, #tpu.memory_space<vmem>>, %arg21: memref<120x16xf32, #tpu.memory_space<vmem>>, %arg22: memref<120x16xf32, #tpu.memory_space<vmem>>, %arg23: memref<120x16xf32, #tpu.memory_space<vmem>>, %arg24: memref<16xf32, #tpu.memory_space<vmem>>, %arg25: memref<16xf32, #tpu.memory_space<vmem>>, %arg26: memref<10112x16xf32, #tpu.memory_space<vmem_shared>>, %arg27: memref<!tpu.dma_semaphore, #tpu.memory_space<semaphore_mem>>, %arg28: memref<!tpu.dma_semaphore, #tpu.memory_space<semaphore_mem>>, %arg29: memref<!tpu.dma_semaphore, #tpu.memory_space<semaphore_mem>>, %arg30: memref<!tpu.dma_semaphore, #tpu.memory_space<semaphore_mem>>, %arg31: memref<!tpu.dma_semaphore, #tpu.memory_space<semaphore_mem>>, %arg32: memref<!tpu.dma_semaphore, #tpu.memory_space<semaphore_mem>>) attributes {dimension_semantics = [#tpu.dimension_semantics<core_parallel>, #tpu.dimension_semantics<subcore_parallel>], iteration_bounds = array<i64: 2, 16>, scalar_prefetch = 0 : i64, scratch_operands = 24 : i64, tpu.core_type = #tpu.core_type<sc_vector_subcore>, window_params = [{transform_indices = #map}, {transform_indices = #map1}, {transform_indices = #map1}, {transform_indices = #map}, {transform_indices = #map1}, {transform_indices = #map1}, {transform_indices = #map2}]} {
    %mul3A = arith.constant 2 : i32
    %mul3A_0 = arith.muli %arg1, %mul3A : i32
    %add3A = arith.addi %mul3A_0, %arg0 : i32
    "tpu.region"() ({
      %run_scoped3A = tpu.sem_alloc : memref<!tpu.dma_semaphore, #tpu.memory_space<semaphore_mem>>
      tpu.enqueue_dma source(%arg6 : memref<16xf32, #tpu.memory_space<hbm>>) target(%arg24 : memref<16xf32, #tpu.memory_space<vmem>>) target_semaphore(%run_scoped3A : memref<!tpu.dma_semaphore, #tpu.memory_space<semaphore_mem>>)
      tpu.wait_dma2 semaphore(%run_scoped3A : memref<!tpu.dma_semaphore, #tpu.memory_space<semaphore_mem>>) src(%arg6 : memref<16xf32, #tpu.memory_space<hbm>>) dst(%arg24 : memref<16xf32, #tpu.memory_space<vmem>>)
      tpu.yield
    }) : () -> ()
    "tpu.region"() ({
      %run_scoped3A = tpu.sem_alloc : memref<!tpu.dma_semaphore, #tpu.memory_space<semaphore_mem>>
      tpu.enqueue_dma source(%arg7 : memref<16xf32, #tpu.memory_space<hbm>>) target(%arg25 : memref<16xf32, #tpu.memory_space<vmem>>) target_semaphore(%run_scoped3A : memref<!tpu.dma_semaphore, #tpu.memory_space<semaphore_mem>>)
      tpu.wait_dma2 semaphore(%run_scoped3A : memref<!tpu.dma_semaphore, #tpu.memory_space<semaphore_mem>>) src(%arg7 : memref<16xf32, #tpu.memory_space<hbm>>) dst(%arg25 : memref<16xf32, #tpu.memory_space<vmem>>)
      tpu.yield
    }) : () -> ()
    %mul3A_1 = arith.constant 632 : i32
    %mul3A_2 = arith.muli %arg1, %mul3A_1 : i32
    %mul3A_3 = arith.constant 632 : i32
    %mul3A_4 = arith.muli %arg1, %mul3A_3 : i32
    "tpu.region"() ({
      %run_scoped3A = tpu.sem_alloc : memref<!tpu.dma_semaphore, #tpu.memory_space<semaphore_mem>>
      %dma_start3A_82 = arith.constant 0 : i32
      %dma_start3A_83 = tpu.memref_slice %arg26[%mul3A_4, %dma_start3A_82] : memref<10112x16xf32, #tpu.memory_space<vmem_shared>> -> memref<632x16xf32, #tpu.memory_space<vmem_shared>>
      %dma_start3A_84 = arith.constant 0 : i32
      %dma_start3A_85 = tpu.memref_slice %arg5[%mul3A_2, %dma_start3A_84] : memref<10112x16xf32, #tpu.memory_space<hbm>> -> memref<632x16xf32, #tpu.memory_space<hbm>>
      tpu.enqueue_dma source(%dma_start3A_85 : memref<632x16xf32, #tpu.memory_space<hbm>>) target(%dma_start3A_83 : memref<632x16xf32, #tpu.memory_space<vmem_shared>>) target_semaphore(%run_scoped3A : memref<!tpu.dma_semaphore, #tpu.memory_space<semaphore_mem>>)
      %dma_wait3A_86 = arith.constant 0 : i32
      %dma_wait3A_87 = tpu.memref_slice %arg26[%mul3A_4, %dma_wait3A_86] : memref<10112x16xf32, #tpu.memory_space<vmem_shared>> -> memref<632x16xf32, #tpu.memory_space<vmem_shared>>
      %dma_wait3A_88 = arith.constant 0 : i32
      %dma_wait3A_89 = tpu.memref_slice %arg5[%mul3A_2, %dma_wait3A_88] : memref<10112x16xf32, #tpu.memory_space<hbm>> -> memref<632x16xf32, #tpu.memory_space<hbm>>
      tpu.wait_dma2 semaphore(%run_scoped3A : memref<!tpu.dma_semaphore, #tpu.memory_space<semaphore_mem>>) src(%dma_wait3A_89 : memref<632x16xf32, #tpu.memory_space<hbm>>) dst(%dma_wait3A_87 : memref<632x16xf32, #tpu.memory_space<vmem_shared>>)
      tpu.yield
    }) : () -> ()
    %barrier3A = arith.constant 0 : index
    tpu.barrier barrier_id(%barrier3A)
    %mul3A_5 = arith.constant 10080 : i32
    %mul3A_6 = arith.muli %add3A, %mul3A_5 : i32
    %iota3A = tpu.iota {dimensions = array<i32: 0>} : vector<16xi32>
    %eq3A = arith.constant 0 : i32
    %eq3A_7 = vector.broadcast %eq3A : i32 to vector<16xi32>
    %eq3A_8 = arith.cmpi eq, %iota3A, %eq3A_7 : vector<16xi32>
    %jit3A = arith.constant 1.000000e+00 : f32
    %jit3A_9 = arith.constant 0.000000e+00 : f32
    %broadcast_in_dim3A = vector.broadcast %jit3A : f32 to vector<16xf32>
    %broadcast_in_dim3A_10 = vector.broadcast %jit3A_9 : f32 to vector<16xf32>
    %select_n3A = arith.select %eq3A_8, %broadcast_in_dim3A, %broadcast_in_dim3A_10 : vector<16xi1>, vector<16xf32>
    %eq3A_11 = arith.constant 1 : i32
    %eq3A_12 = vector.broadcast %eq3A_11 : i32 to vector<16xi32>
    %eq3A_13 = arith.cmpi eq, %iota3A, %eq3A_12 : vector<16xi32>
    %jit3A_14 = arith.constant 1.000000e+00 : f32
    %jit3A_15 = arith.constant 0.000000e+00 : f32
    %broadcast_in_dim3A_16 = vector.broadcast %jit3A_14 : f32 to vector<16xf32>
    %broadcast_in_dim3A_17 = vector.broadcast %jit3A_15 : f32 to vector<16xf32>
    %select_n3A_18 = arith.select %eq3A_13, %broadcast_in_dim3A_16, %broadcast_in_dim3A_17 : vector<16xi1>, vector<16xf32>
    %get3A = arith.constant 0 : index
    %get3A_19 = tpu.vector_load %arg24[%get3A] {strides = array<i32>} : memref<16xf32, #tpu.memory_space<vmem>>, vector<16xf32>,
    %get3A_20 = vector.shape_cast %get3A_19 : vector<16xf32> to vector<16xf32>
    %get3A_21 = arith.constant 0 : index
    %get3A_22 = tpu.vector_load %arg25[%get3A_21] {strides = array<i32>} : memref<16xf32, #tpu.memory_space<vmem>>, vector<16xf32>,
    %get3A_23 = vector.shape_cast %get3A_22 : vector<16xf32> to vector<16xf32>
    %add3A_24 = arith.constant 0 : i32
    %add3A_25 = arith.addi %mul3A_6, %add3A_24 : i32
    %dma_start3A = tpu.memref_slice %arg3[%add3A_25] : memref<322800xi32, #tpu.memory_space<hbm>> -> memref<120xi32, #tpu.memory_space<hbm>>
    %dma_start3A_26 = tpu.memref_slice %arg3[%add3A_25] : memref<322800xi32, #tpu.memory_space<hbm>> -> memref<120xi32, #tpu.memory_space<hbm>>
    tpu.enqueue_dma source(%dma_start3A_26 : memref<120xi32, #tpu.memory_space<hbm>>) target(%arg9 : memref<120xi32, #tpu.memory_space<vmem>>) target_semaphore(%arg27 : memref<!tpu.dma_semaphore, #tpu.memory_space<semaphore_mem>>)
    %add3A_27 = arith.constant 0 : i32
    %add3A_28 = arith.addi %mul3A_6, %add3A_27 : i32
    %dma_start3A_29 = tpu.memref_slice %arg4[%add3A_28] : memref<322800xi32, #tpu.memory_space<hbm>> -> memref<120xi32, #tpu.memory_space<hbm>>
    %dma_start3A_30 = tpu.memref_slice %arg4[%add3A_28] : memref<322800xi32, #tpu.memory_space<hbm>> -> memref<120xi32, #tpu.memory_space<hbm>>
    tpu.enqueue_dma source(%dma_start3A_30 : memref<120xi32, #tpu.memory_space<hbm>>) target(%arg10 : memref<120xi32, #tpu.memory_space<vmem>>) target_semaphore(%arg27 : memref<!tpu.dma_semaphore, #tpu.memory_space<semaphore_mem>>)
    %dma_wait3A = tpu.memref_slice %arg3[%add3A_25] : memref<322800xi32, #tpu.memory_space<hbm>> -> memref<120xi32, #tpu.memory_space<hbm>>
    %dma_wait3A_31 = tpu.memref_slice %arg3[%add3A_25] : memref<322800xi32, #tpu.memory_space<hbm>> -> memref<120xi32, #tpu.memory_space<hbm>>
    tpu.wait_dma2 semaphore(%arg27 : memref<!tpu.dma_semaphore, #tpu.memory_space<semaphore_mem>>) src(%dma_wait3A_31 : memref<120xi32, #tpu.memory_space<hbm>>) dst(%arg9 : memref<120xi32, #tpu.memory_space<vmem>>)
    %dma_wait3A_32 = tpu.memref_slice %arg4[%add3A_28] : memref<322800xi32, #tpu.memory_space<hbm>> -> memref<120xi32, #tpu.memory_space<hbm>>
    %dma_wait3A_33 = tpu.memref_slice %arg4[%add3A_28] : memref<322800xi32, #tpu.memory_space<hbm>> -> memref<120xi32, #tpu.memory_space<hbm>>
    tpu.wait_dma2 semaphore(%arg27 : memref<!tpu.dma_semaphore, #tpu.memory_space<semaphore_mem>>) src(%dma_wait3A_33 : memref<120xi32, #tpu.memory_space<hbm>>) dst(%arg10 : memref<120xi32, #tpu.memory_space<vmem>>)
    %dma_start3A_34 = arith.constant 0 : i32
    %dma_start3A_35 = arith.constant 0 : i32
    %dma_start3A_36 = tpu.memref_slice %arg2[%dma_start3A_34, %dma_start3A_35] : memref<10112x16xf32, #tpu.memory_space<hbm>> -> memref<10112x16xf32, #tpu.memory_space<hbm>>
    tpu.enqueue_indirect_dma source(%dma_start3A_36 : memref<10112x16xf32, #tpu.memory_space<hbm>>) target(%arg11 : memref<120x16xf32, #tpu.memory_space<vmem>>) offsets(%arg9 : memref<120xi32, #tpu.memory_space<vmem>>) semaphore(%arg27 : memref<!tpu.dma_semaphore, #tpu.memory_space<semaphore_mem>>)
    %dma_start3A_37 = arith.constant 0 : i32
    %dma_start3A_38 = arith.constant 0 : i32
    %dma_start3A_39 = tpu.memref_slice %arg2[%dma_start3A_37, %dma_start3A_38] : memref<10112x16xf32, #tpu.memory_space<hbm>> -> memref<10112x16xf32, #tpu.memory_space<hbm>>
    tpu.enqueue_indirect_dma source(%dma_start3A_39 : memref<10112x16xf32, #tpu.memory_space<hbm>>) target(%arg12 : memref<120x16xf32, #tpu.memory_space<vmem>>) offsets(%arg10 : memref<120xi32, #tpu.memory_space<vmem>>) semaphore(%arg27 : memref<!tpu.dma_semaphore, #tpu.memory_space<semaphore_mem>>)
    %add3A_40 = arith.constant 120 : i32
    %add3A_41 = arith.addi %mul3A_6, %add3A_40 : i32
    %dma_start3A_42 = tpu.memref_slice %arg3[%add3A_41] : memref<322800xi32, #tpu.memory_space<hbm>> -> memref<120xi32, #tpu.memory_space<hbm>>
    %dma_start3A_43 = tpu.memref_slice %arg3[%add3A_41] : memref<322800xi32, #tpu.memory_space<hbm>> -> memref<120xi32, #tpu.memory_space<hbm>>
    tpu.enqueue_dma source(%dma_start3A_43 : memref<120xi32, #tpu.memory_space<hbm>>) target(%arg14 : memref<120xi32, #tpu.memory_space<vmem>>) target_semaphore(%arg28 : memref<!tpu.dma_semaphore, #tpu.memory_space<semaphore_mem>>)
    %add3A_44 = arith.constant 120 : i32
    %add3A_45 = arith.addi %mul3A_6, %add3A_44 : i32
    %dma_start3A_46 = tpu.memref_slice %arg4[%add3A_45] : memref<322800xi32, #tpu.memory_space<hbm>> -> memref<120xi32, #tpu.memory_space<hbm>>
    %dma_start3A_47 = tpu.memref_slice %arg4[%add3A_45] : memref<322800xi32, #tpu.memory_space<hbm>> -> memref<120xi32, #tpu.memory_space<hbm>>
    tpu.enqueue_dma source(%dma_start3A_47 : memref<120xi32, #tpu.memory_space<hbm>>) target(%arg15 : memref<120xi32, #tpu.memory_space<vmem>>) target_semaphore(%arg28 : memref<!tpu.dma_semaphore, #tpu.memory_space<semaphore_mem>>)
    %dma_wait3A_48 = tpu.memref_slice %arg3[%add3A_41] : memref<322800xi32, #tpu.memory_space<hbm>> -> memref<120xi32, #tpu.memory_space<hbm>>
    %dma_wait3A_49 = tpu.memref_slice %arg3[%add3A_41] : memref<322800xi32, #tpu.memory_space<hbm>> -> memref<120xi32, #tpu.memory_space<hbm>>
    tpu.wait_dma2 semaphore(%arg28 : memref<!tpu.dma_semaphore, #tpu.memory_space<semaphore_mem>>) src(%dma_wait3A_49 : memref<120xi32, #tpu.memory_space<hbm>>) dst(%arg14 : memref<120xi32, #tpu.memory_space<vmem>>)
    %dma_wait3A_50 = tpu.memref_slice %arg4[%add3A_45] : memref<322800xi32, #tpu.memory_space<hbm>> -> memref<120xi32, #tpu.memory_space<hbm>>
    %dma_wait3A_51 = tpu.memref_slice %arg4[%add3A_45] : memref<322800xi32, #tpu.memory_space<hbm>> -> memref<120xi32, #tpu.memory_space<hbm>>
    tpu.wait_dma2 semaphore(%arg28 : memref<!tpu.dma_semaphore, #tpu.memory_space<semaphore_mem>>) src(%dma_wait3A_51 : memref<120xi32, #tpu.memory_space<hbm>>) dst(%arg15 : memref<120xi32, #tpu.memory_space<vmem>>)
    %dma_start3A_52 = arith.constant 0 : i32
    %dma_start3A_53 = arith.constant 0 : i32
    %dma_start3A_54 = tpu.memref_slice %arg2[%dma_start3A_52, %dma_start3A_53] : memref<10112x16xf32, #tpu.memory_space<hbm>> -> memref<10112x16xf32, #tpu.memory_space<hbm>>
    tpu.enqueue_indirect_dma source(%dma_start3A_54 : memref<10112x16xf32, #tpu.memory_space<hbm>>) target(%arg16 : memref<120x16xf32, #tpu.memory_space<vmem>>) offsets(%arg14 : memref<120xi32, #tpu.memory_space<vmem>>) semaphore(%arg28 : memref<!tpu.dma_semaphore, #tpu.memory_space<semaphore_mem>>)
    %dma_start3A_55 = arith.constant 0 : i32
    %dma_start3A_56 = arith.constant 0 : i32
    %dma_start3A_57 = tpu.memref_slice %arg2[%dma_start3A_55, %dma_start3A_56] : memref<10112x16xf32, #tpu.memory_space<hbm>> -> memref<10112x16xf32, #tpu.memory_space<hbm>>
    tpu.enqueue_indirect_dma source(%dma_start3A_57 : memref<10112x16xf32, #tpu.memory_space<hbm>>) target(%arg17 : memref<120x16xf32, #tpu.memory_space<vmem>>) offsets(%arg15 : memref<120xi32, #tpu.memory_space<vmem>>) semaphore(%arg28 : memref<!tpu.dma_semaphore, #tpu.memory_space<semaphore_mem>>)
    %scan3A = arith.constant 0 : i32
    %scan3A_58 = arith.constant 28 : i32
    %scan3A_59 = arith.addi %scan3A, %scan3A_58 : i32
    %scan3A_60 = arith.constant 1 : i32
    scf.for %scan3A_82 = %scan3A to %scan3A_59 step %scan3A_60  : i32 {
      %mul3A_83 = arith.constant 1 : i32
      %mul3A_84 = arith.muli %scan3A_82, %mul3A_83 : i32
      %add3A_85 = arith.constant 0 : i32
      %add3A_86 = arith.addi %add3A_85, %mul3A_84 : i32
      %mul3A_87 = arith.constant 3 : i32
      %mul3A_88 = arith.muli %mul3A_87, %add3A_86 : i32
      %dma_wait3A_89 = arith.constant 0 : i32
      %dma_wait3A_90 = arith.constant 0 : i32
      %dma_wait3A_91 = tpu.memref_slice %arg2[%dma_wait3A_89, %dma_wait3A_90] : memref<10112x16xf32, #tpu.memory_space<hbm>> -> memref<10112x16xf32, #tpu.memory_space<hbm>>
      tpu.wait_indirect_dma semaphore(%arg27 : memref<!tpu.dma_semaphore, #tpu.memory_space<semaphore_mem>>) src(%dma_wait3A_91 : memref<10112x16xf32, #tpu.memory_space<hbm>>) dst(%arg11 : memref<120x16xf32, #tpu.memory_space<vmem>>)
      %dma_wait3A_92 = arith.constant 0 : i32
      %dma_wait3A_93 = arith.constant 0 : i32
      %dma_wait3A_94 = tpu.memref_slice %arg2[%dma_wait3A_92, %dma_wait3A_93] : memref<10112x16xf32, #tpu.memory_space<hbm>> -> memref<10112x16xf32, #tpu.memory_space<hbm>>
      tpu.wait_indirect_dma semaphore(%arg27 : memref<!tpu.dma_semaphore, #tpu.memory_space<semaphore_mem>>) src(%dma_wait3A_94 : memref<10112x16xf32, #tpu.memory_space<hbm>>) dst(%arg12 : memref<120x16xf32, #tpu.memory_space<vmem>>)
      %scan3A_95 = arith.constant 0 : i32
      %scan3A_96 = arith.constant 120 : i32
      %scan3A_97 = arith.addi %scan3A_95, %scan3A_96 : i32
      %scan3A_98 = arith.constant 1 : i32
      scf.for %scan3A_205 = %scan3A_95 to %scan3A_97 step %scan3A_98  : i32 {
        %mul3A_206 = arith.constant 1 : i32
        %mul3A_207 = arith.muli %scan3A_205, %mul3A_206 : i32
        %add3A_208 = arith.constant 0 : i32
        %add3A_209 = arith.addi %add3A_208, %mul3A_207 : i32
        %get3A_210 = arith.index_cast %add3A_209 : i32 to index
        %get3A_211 = arith.constant 0 : index
        %get3A_212 = tpu.vector_load %arg11[%get3A_210, %get3A_211] {strides = array<i32>} : memref<120x16xf32, #tpu.memory_space<vmem>>, vector<1x16xf32>,
        %get3A_213 = vector.shape_cast %get3A_212 : vector<1x16xf32> to vector<16xf32>
        %get3A_214 = arith.index_cast %add3A_209 : i32 to index
        %get3A_215 = arith.constant 0 : index
        %get3A_216 = tpu.vector_load %arg12[%get3A_214, %get3A_215] {strides = array<i32>} : memref<120x16xf32, #tpu.memory_space<vmem>>, vector<1x16xf32>,
        %get3A_217 = vector.shape_cast %get3A_216 : vector<1x16xf32> to vector<16xf32>
        %mul3A_218 = arith.mulf %get3A_213, %get3A_20 : vector<16xf32>
        %mul3A_219 = arith.mulf %get3A_217, %get3A_23 : vector<16xf32>
        %add3A_220 = arith.addf %mul3A_218, %mul3A_219 : vector<16xf32>
        %mul3A_221 = arith.constant 2.000000e-01 : f32
        %mul3A_222 = vector.broadcast %mul3A_221 : f32 to vector<16xf32>
        %mul3A_223 = arith.mulf %mul3A_222, %add3A_220 : vector<16xf32>
        %max3A = arith.maximumf %add3A_220, %mul3A_223 : vector<16xf32>
        %exp3A = math.exp %max3A : vector<16xf32>
        %mul3A_224 = arith.mulf %get3A_213, %select_n3A : vector<16xf32>
        %add3A_225 = arith.addf %mul3A_224, %select_n3A_18 : vector<16xf32>
        %mul3A_226 = arith.mulf %exp3A, %add3A_225 : vector<16xf32>
        %swap3A = arith.index_cast %add3A_209 : i32 to index
        %swap3A_227 = arith.constant 0 : index
        %swap3A_228 = tpu.vector_load %arg13[%swap3A, %swap3A_227] {strides = array<i32>} : memref<120x16xf32, #tpu.memory_space<vmem>>, vector<1x16xf32>,
        %swap3A_229 = vector.shape_cast %swap3A_228 : vector<1x16xf32> to vector<16xf32>
        %swap3A_230 = vector.shape_cast %mul3A_226 : vector<16xf32> to vector<1x16xf32>
        tpu.vector_store %arg13[%swap3A, %swap3A_227], %swap3A_230 {strides = array<i32>} : memref<120x16xf32, #tpu.memory_space<vmem>>, vector<1x16xf32>,
      }
      %scan3A_99 = arith.constant 120 : i32
      %dma_start3A_100 = arith.constant 0 : i32
      %dma_start3A_101 = arith.constant 0 : i32
      %dma_start3A_102 = tpu.memref_slice %arg26[%dma_start3A_100, %dma_start3A_101] : memref<10112x16xf32, #tpu.memory_space<vmem_shared>> -> memref<10112x16xf32, #tpu.memory_space<vmem_shared>>
      tpu.enqueue_indirect_dma source(%arg13 : memref<120x16xf32, #tpu.memory_space<vmem>>) target(%dma_start3A_102 : memref<10112x16xf32, #tpu.memory_space<vmem_shared>>) offsets(%arg10 : memref<120xi32, #tpu.memory_space<vmem>>) semaphore(%arg30 : memref<!tpu.dma_semaphore, #tpu.memory_space<semaphore_mem>>) {add = true}
      %gt3A = arith.constant 0 : i32
      %gt3A_103 = arith.cmpi sgt, %add3A_86, %gt3A : i32
      %convert_element_type3A = arith.extui %gt3A_103 : i1 to i32
      %cond3A = arith.constant 0 : i32
      %cond3A_104 = arith.cmpi ne, %convert_element_type3A, %cond3A : i32
      scf.if %cond3A_104 {
        %dma_wait3A_205 = arith.constant 0 : i32
        %dma_wait3A_206 = arith.constant 0 : i32
        %dma_wait3A_207 = tpu.memref_slice %arg26[%dma_wait3A_205, %dma_wait3A_206] : memref<10112x16xf32, #tpu.memory_space<vmem_shared>> -> memref<10112x16xf32, #tpu.memory_space<vmem_shared>>
        tpu.wait_indirect_dma semaphore(%arg32 : memref<!tpu.dma_semaphore, #tpu.memory_space<semaphore_mem>>) src(%arg23 : memref<120x16xf32, #tpu.memory_space<vmem>>) dst(%dma_wait3A_207 : memref<10112x16xf32, #tpu.memory_space<vmem_shared>>)
      } else {
      }
      %add3A_105 = arith.constant 2 : i32
      %add3A_106 = arith.addi %mul3A_88, %add3A_105 : i32
      %mul3A_107 = arith.constant 120 : i32
      %mul3A_108 = arith.muli %add3A_106, %mul3A_107 : i32
      %add3A_109 = arith.addi %mul3A_6, %mul3A_108 : i32
      %dma_start3A_110 = tpu.memref_slice %arg3[%add3A_109] : memref<322800xi32, #tpu.memory_space<hbm>> -> memref<120xi32, #tpu.memory_space<hbm>>
      %dma_start3A_111 = tpu.memref_slice %arg3[%add3A_109] : memref<322800xi32, #tpu.memory_space<hbm>> -> memref<120xi32, #tpu.memory_space<hbm>>
      tpu.enqueue_dma source(%dma_start3A_111 : memref<120xi32, #tpu.memory_space<hbm>>) target(%arg19 : memref<120xi32, #tpu.memory_space<vmem>>) target_semaphore(%arg29 : memref<!tpu.dma_semaphore, #tpu.memory_space<semaphore_mem>>)
      %mul3A_112 = arith.constant 120 : i32
      %mul3A_113 = arith.muli %add3A_106, %mul3A_112 : i32
      %add3A_114 = arith.addi %mul3A_6, %mul3A_113 : i32
      %dma_start3A_115 = tpu.memref_slice %arg4[%add3A_114] : memref<322800xi32, #tpu.memory_space<hbm>> -> memref<120xi32, #tpu.memory_space<hbm>>
      %dma_start3A_116 = tpu.memref_slice %arg4[%add3A_114] : memref<322800xi32, #tpu.memory_space<hbm>> -> memref<120xi32, #tpu.memory_space<hbm>>
      tpu.enqueue_dma source(%dma_start3A_116 : memref<120xi32, #tpu.memory_space<hbm>>) target(%arg20 : memref<120xi32, #tpu.memory_space<vmem>>) target_semaphore(%arg29 : memref<!tpu.dma_semaphore, #tpu.memory_space<semaphore_mem>>)
      %dma_wait3A_117 = tpu.memref_slice %arg3[%add3A_109] : memref<322800xi32, #tpu.memory_space<hbm>> -> memref<120xi32, #tpu.memory_space<hbm>>
      %dma_wait3A_118 = tpu.memref_slice %arg3[%add3A_109] : memref<322800xi32, #tpu.memory_space<hbm>> -> memref<120xi32, #tpu.memory_space<hbm>>
      tpu.wait_dma2 semaphore(%arg29 : memref<!tpu.dma_semaphore, #tpu.memory_space<semaphore_mem>>) src(%dma_wait3A_118 : memref<120xi32, #tpu.memory_space<hbm>>) dst(%arg19 : memref<120xi32, #tpu.memory_space<vmem>>)
      %dma_wait3A_119 = tpu.memref_slice %arg4[%add3A_114] : memref<322800xi32, #tpu.memory_space<hbm>> -> memref<120xi32, #tpu.memory_space<hbm>>
      %dma_wait3A_120 = tpu.memref_slice %arg4[%add3A_114] : memref<322800xi32, #tpu.memory_space<hbm>> -> memref<120xi32, #tpu.memory_space<hbm>>
      tpu.wait_dma2 semaphore(%arg29 : memref<!tpu.dma_semaphore, #tpu.memory_space<semaphore_mem>>) src(%dma_wait3A_120 : memref<120xi32, #tpu.memory_space<hbm>>) dst(%arg20 : memref<120xi32, #tpu.memory_space<vmem>>)
      %dma_start3A_121 = arith.constant 0 : i32
      %dma_start3A_122 = arith.constant 0 : i32
      %dma_start3A_123 = tpu.memref_slice %arg2[%dma_start3A_121, %dma_start3A_122] : memref<10112x16xf32, #tpu.memory_space<hbm>> -> memref<10112x16xf32, #tpu.memory_space<hbm>>
      tpu.enqueue_indirect_dma source(%dma_start3A_123 : memref<10112x16xf32, #tpu.memory_space<hbm>>) target(%arg21 : memref<120x16xf32, #tpu.memory_space<vmem>>) offsets(%arg19 : memref<120xi32, #tpu.memory_space<vmem>>) semaphore(%arg29 : memref<!tpu.dma_semaphore, #tpu.memory_space<semaphore_mem>>)
      %dma_start3A_124 = arith.constant 0 : i32
      %dma_start3A_125 = arith.constant 0 : i32
      %dma_start3A_126 = tpu.memref_slice %arg2[%dma_start3A_124, %dma_start3A_125] : memref<10112x16xf32, #tpu.memory_space<hbm>> -> memref<10112x16xf32, #tpu.memory_space<hbm>>
      tpu.enqueue_indirect_dma source(%dma_start3A_126 : memref<10112x16xf32, #tpu.memory_space<hbm>>) target(%arg22 : memref<120x16xf32, #tpu.memory_space<vmem>>) offsets(%arg20 : memref<120xi32, #tpu.memory_space<vmem>>) semaphore(%arg29 : memref<!tpu.dma_semaphore, #tpu.memory_space<semaphore_mem>>)
      %dma_wait3A_127 = arith.constant 0 : i32
      %dma_wait3A_128 = arith.constant 0 : i32
      %dma_wait3A_129 = tpu.memref_slice %arg2[%dma_wait3A_127, %dma_wait3A_128] : memref<10112x16xf32, #tpu.memory_space<hbm>> -> memref<10112x16xf32, #tpu.memory_space<hbm>>
      tpu.wait_indirect_dma semaphore(%arg28 : memref<!tpu.dma_semaphore, #tpu.memory_space<semaphore_mem>>) src(%dma_wait3A_129 : memref<10112x16xf32, #tpu.memory_space<hbm>>) dst(%arg16 : memref<120x16xf32, #tpu.memory_space<vmem>>)
      %dma_wait3A_130 = arith.constant 0 : i32
      %dma_wait3A_131 = arith.constant 0 : i32
      %dma_wait3A_132 = tpu.memref_slice %arg2[%dma_wait3A_130, %dma_wait3A_131] : memref<10112x16xf32, #tpu.memory_space<hbm>> -> memref<10112x16xf32, #tpu.memory_space<hbm>>
      tpu.wait_indirect_dma semaphore(%arg28 : memref<!tpu.dma_semaphore, #tpu.memory_space<semaphore_mem>>) src(%dma_wait3A_132 : memref<10112x16xf32, #tpu.memory_space<hbm>>) dst(%arg17 : memref<120x16xf32, #tpu.memory_space<vmem>>)
      %scan3A_133 = arith.constant 0 : i32
      %scan3A_134 = arith.constant 120 : i32
      %scan3A_135 = arith.addi %scan3A_133, %scan3A_134 : i32
      %scan3A_136 = arith.constant 1 : i32
      scf.for %scan3A_205 = %scan3A_133 to %scan3A_135 step %scan3A_136  : i32 {
        %mul3A_206 = arith.constant 1 : i32
        %mul3A_207 = arith.muli %scan3A_205, %mul3A_206 : i32
        %add3A_208 = arith.constant 0 : i32
        %add3A_209 = arith.addi %add3A_208, %mul3A_207 : i32
        %get3A_210 = arith.index_cast %add3A_209 : i32 to index
        %get3A_211 = arith.constant 0 : index
        %get3A_212 = tpu.vector_load %arg16[%get3A_210, %get3A_211] {strides = array<i32>} : memref<120x16xf32, #tpu.memory_space<vmem>>, vector<1x16xf32>,
        %get3A_213 = vector.shape_cast %get3A_212 : vector<1x16xf32> to vector<16xf32>
        %get3A_214 = arith.index_cast %add3A_209 : i32 to index
        %get3A_215 = arith.constant 0 : index
        %get3A_216 = tpu.vector_load %arg17[%get3A_214, %get3A_215] {strides = array<i32>} : memref<120x16xf32, #tpu.memory_space<vmem>>, vector<1x16xf32>,
        %get3A_217 = vector.shape_cast %get3A_216 : vector<1x16xf32> to vector<16xf32>
        %mul3A_218 = arith.mulf %get3A_213, %get3A_20 : vector<16xf32>
        %mul3A_219 = arith.mulf %get3A_217, %get3A_23 : vector<16xf32>
        %add3A_220 = arith.addf %mul3A_218, %mul3A_219 : vector<16xf32>
        %mul3A_221 = arith.constant 2.000000e-01 : f32
        %mul3A_222 = vector.broadcast %mul3A_221 : f32 to vector<16xf32>
        %mul3A_223 = arith.mulf %mul3A_222, %add3A_220 : vector<16xf32>
        %max3A = arith.maximumf %add3A_220, %mul3A_223 : vector<16xf32>
        %exp3A = math.exp %max3A : vector<16xf32>
        %mul3A_224 = arith.mulf %get3A_213, %select_n3A : vector<16xf32>
        %add3A_225 = arith.addf %mul3A_224, %select_n3A_18 : vector<16xf32>
        %mul3A_226 = arith.mulf %exp3A, %add3A_225 : vector<16xf32>
        %swap3A = arith.index_cast %add3A_209 : i32 to index
        %swap3A_227 = arith.constant 0 : index
        %swap3A_228 = tpu.vector_load %arg18[%swap3A, %swap3A_227] {strides = array<i32>} : memref<120x16xf32, #tpu.memory_space<vmem>>, vector<1x16xf32>,
        %swap3A_229 = vector.shape_cast %swap3A_228 : vector<1x16xf32> to vector<16xf32>
        %swap3A_230 = vector.shape_cast %mul3A_226 : vector<16xf32> to vector<1x16xf32>
        tpu.vector_store %arg18[%swap3A, %swap3A_227], %swap3A_230 {strides = array<i32>} : memref<120x16xf32, #tpu.memory_space<vmem>>, vector<1x16xf32>,
      }
      %scan3A_137 = arith.constant 120 : i32
      %dma_start3A_138 = arith.constant 0 : i32
      %dma_start3A_139 = arith.constant 0 : i32
      %dma_start3A_140 = tpu.memref_slice %arg26[%dma_start3A_138, %dma_start3A_139] : memref<10112x16xf32, #tpu.memory_space<vmem_shared>> -> memref<10112x16xf32, #tpu.memory_space<vmem_shared>>
      tpu.enqueue_indirect_dma source(%arg18 : memref<120x16xf32, #tpu.memory_space<vmem>>) target(%dma_start3A_140 : memref<10112x16xf32, #tpu.memory_space<vmem_shared>>) offsets(%arg15 : memref<120xi32, #tpu.memory_space<vmem>>) semaphore(%arg31 : memref<!tpu.dma_semaphore, #tpu.memory_space<semaphore_mem>>) {add = true}
      %dma_wait3A_141 = arith.constant 0 : i32
      %dma_wait3A_142 = arith.constant 0 : i32
      %dma_wait3A_143 = tpu.memref_slice %arg26[%dma_wait3A_141, %dma_wait3A_142] : memref<10112x16xf32, #tpu.memory_space<vmem_shared>> -> memref<10112x16xf32, #tpu.memory_space<vmem_shared>>
      tpu.wait_indirect_dma semaphore(%arg30 : memref<!tpu.dma_semaphore, #tpu.memory_space<semaphore_mem>>) src(%arg13 : memref<120x16xf32, #tpu.memory_space<vmem>>) dst(%dma_wait3A_143 : memref<10112x16xf32, #tpu.memory_space<vmem_shared>>)
      %add3A_144 = arith.constant 3 : i32
      %add3A_145 = arith.addi %mul3A_88, %add3A_144 : i32
      %mul3A_146 = arith.constant 120 : i32
      %mul3A_147 = arith.muli %add3A_145, %mul3A_146 : i32
      %add3A_148 = arith.addi %mul3A_6, %mul3A_147 : i32
      %dma_start3A_149 = tpu.memref_slice %arg3[%add3A_148] : memref<322800xi32, #tpu.memory_space<hbm>> -> memref<120xi32, #tpu.memory_space<hbm>>
      %dma_start3A_150 = tpu.memref_slice %arg3[%add3A_148] : memref<322800xi32, #tpu.memory_space<hbm>> -> memref<120xi32, #tpu.memory_space<hbm>>
      tpu.enqueue_dma source(%dma_start3A_150 : memref<120xi32, #tpu.memory_space<hbm>>) target(%arg9 : memref<120xi32, #tpu.memory_space<vmem>>) target_semaphore(%arg27 : memref<!tpu.dma_semaphore, #tpu.memory_space<semaphore_mem>>)
      %mul3A_151 = arith.constant 120 : i32
      %mul3A_152 = arith.muli %add3A_145, %mul3A_151 : i32
      %add3A_153 = arith.addi %mul3A_6, %mul3A_152 : i32
      %dma_start3A_154 = tpu.memref_slice %arg4[%add3A_153] : memref<322800xi32, #tpu.memory_space<hbm>> -> memref<120xi32, #tpu.memory_space<hbm>>
      %dma_start3A_155 = tpu.memref_slice %arg4[%add3A_153] : memref<322800xi32, #tpu.memory_space<hbm>> -> memref<120xi32, #tpu.memory_space<hbm>>
      tpu.enqueue_dma source(%dma_start3A_155 : memref<120xi32, #tpu.memory_space<hbm>>) target(%arg10 : memref<120xi32, #tpu.memory_space<vmem>>) target_semaphore(%arg27 : memref<!tpu.dma_semaphore, #tpu.memory_space<semaphore_mem>>)
      %dma_wait3A_156 = tpu.memref_slice %arg3[%add3A_148] : memref<322800xi32, #tpu.memory_space<hbm>> -> memref<120xi32, #tpu.memory_space<hbm>>
      %dma_wait3A_157 = tpu.memref_slice %arg3[%add3A_148] : memref<322800xi32, #tpu.memory_space<hbm>> -> memref<120xi32, #tpu.memory_space<hbm>>
      tpu.wait_dma2 semaphore(%arg27 : memref<!tpu.dma_semaphore, #tpu.memory_space<semaphore_mem>>) src(%dma_wait3A_157 : memref<120xi32, #tpu.memory_space<hbm>>) dst(%arg9 : memref<120xi32, #tpu.memory_space<vmem>>)
      %dma_wait3A_158 = tpu.memref_slice %arg4[%add3A_153] : memref<322800xi32, #tpu.memory_space<hbm>> -> memref<120xi32, #tpu.memory_space<hbm>>
      %dma_wait3A_159 = tpu.memref_slice %arg4[%add3A_153] : memref<322800xi32, #tpu.memory_space<hbm>> -> memref<120xi32, #tpu.memory_space<hbm>>
      tpu.wait_dma2 semaphore(%arg27 : memref<!tpu.dma_semaphore, #tpu.memory_space<semaphore_mem>>) src(%dma_wait3A_159 : memref<120xi32, #tpu.memory_space<hbm>>) dst(%arg10 : memref<120xi32, #tpu.memory_space<vmem>>)
      %dma_start3A_160 = arith.constant 0 : i32
      %dma_start3A_161 = arith.constant 0 : i32
      %dma_start3A_162 = tpu.memref_slice %arg2[%dma_start3A_160, %dma_start3A_161] : memref<10112x16xf32, #tpu.memory_space<hbm>> -> memref<10112x16xf32, #tpu.memory_space<hbm>>
      tpu.enqueue_indirect_dma source(%dma_start3A_162 : memref<10112x16xf32, #tpu.memory_space<hbm>>) target(%arg11 : memref<120x16xf32, #tpu.memory_space<vmem>>) offsets(%arg9 : memref<120xi32, #tpu.memory_space<vmem>>) semaphore(%arg27 : memref<!tpu.dma_semaphore, #tpu.memory_space<semaphore_mem>>)
      %dma_start3A_163 = arith.constant 0 : i32
      %dma_start3A_164 = arith.constant 0 : i32
      %dma_start3A_165 = tpu.memref_slice %arg2[%dma_start3A_163, %dma_start3A_164] : memref<10112x16xf32, #tpu.memory_space<hbm>> -> memref<10112x16xf32, #tpu.memory_space<hbm>>
      tpu.enqueue_indirect_dma source(%dma_start3A_165 : memref<10112x16xf32, #tpu.memory_space<hbm>>) target(%arg12 : memref<120x16xf32, #tpu.memory_space<vmem>>) offsets(%arg10 : memref<120xi32, #tpu.memory_space<vmem>>) semaphore(%arg27 : memref<!tpu.dma_semaphore, #tpu.memory_space<semaphore_mem>>)
      %dma_wait3A_166 = arith.constant 0 : i32
      %dma_wait3A_167 = arith.constant 0 : i32
      %dma_wait3A_168 = tpu.memref_slice %arg2[%dma_wait3A_166, %dma_wait3A_167] : memref<10112x16xf32, #tpu.memory_space<hbm>> -> memref<10112x16xf32, #tpu.memory_space<hbm>>
      tpu.wait_indirect_dma semaphore(%arg29 : memref<!tpu.dma_semaphore, #tpu.memory_space<semaphore_mem>>) src(%dma_wait3A_168 : memref<10112x16xf32, #tpu.memory_space<hbm>>) dst(%arg21 : memref<120x16xf32, #tpu.memory_space<vmem>>)
      %dma_wait3A_169 = arith.constant 0 : i32
      %dma_wait3A_170 = arith.constant 0 : i32
      %dma_wait3A_171 = tpu.memref_slice %arg2[%dma_wait3A_169, %dma_wait3A_170] : memref<10112x16xf32, #tpu.memory_space<hbm>> -> memref<10112x16xf32, #tpu.memory_space<hbm>>
      tpu.wait_indirect_dma semaphore(%arg29 : memref<!tpu.dma_semaphore, #tpu.memory_space<semaphore_mem>>) src(%dma_wait3A_171 : memref<10112x16xf32, #tpu.memory_space<hbm>>) dst(%arg22 : memref<120x16xf32, #tpu.memory_space<vmem>>)
      %scan3A_172 = arith.constant 0 : i32
      %scan3A_173 = arith.constant 120 : i32
      %scan3A_174 = arith.addi %scan3A_172, %scan3A_173 : i32
      %scan3A_175 = arith.constant 1 : i32
      scf.for %scan3A_205 = %scan3A_172 to %scan3A_174 step %scan3A_175  : i32 {
        %mul3A_206 = arith.constant 1 : i32
        %mul3A_207 = arith.muli %scan3A_205, %mul3A_206 : i32
        %add3A_208 = arith.constant 0 : i32
        %add3A_209 = arith.addi %add3A_208, %mul3A_207 : i32
        %get3A_210 = arith.index_cast %add3A_209 : i32 to index
        %get3A_211 = arith.constant 0 : index
        %get3A_212 = tpu.vector_load %arg21[%get3A_210, %get3A_211] {strides = array<i32>} : memref<120x16xf32, #tpu.memory_space<vmem>>, vector<1x16xf32>,
        %get3A_213 = vector.shape_cast %get3A_212 : vector<1x16xf32> to vector<16xf32>
        %get3A_214 = arith.index_cast %add3A_209 : i32 to index
        %get3A_215 = arith.constant 0 : index
        %get3A_216 = tpu.vector_load %arg22[%get3A_214, %get3A_215] {strides = array<i32>} : memref<120x16xf32, #tpu.memory_space<vmem>>, vector<1x16xf32>,
        %get3A_217 = vector.shape_cast %get3A_216 : vector<1x16xf32> to vector<16xf32>
        %mul3A_218 = arith.mulf %get3A_213, %get3A_20 : vector<16xf32>
        %mul3A_219 = arith.mulf %get3A_217, %get3A_23 : vector<16xf32>
        %add3A_220 = arith.addf %mul3A_218, %mul3A_219 : vector<16xf32>
        %mul3A_221 = arith.constant 2.000000e-01 : f32
        %mul3A_222 = vector.broadcast %mul3A_221 : f32 to vector<16xf32>
        %mul3A_223 = arith.mulf %mul3A_222, %add3A_220 : vector<16xf32>
        %max3A = arith.maximumf %add3A_220, %mul3A_223 : vector<16xf32>
        %exp3A = math.exp %max3A : vector<16xf32>
        %mul3A_224 = arith.mulf %get3A_213, %select_n3A : vector<16xf32>
        %add3A_225 = arith.addf %mul3A_224, %select_n3A_18 : vector<16xf32>
        %mul3A_226 = arith.mulf %exp3A, %add3A_225 : vector<16xf32>
        %swap3A = arith.index_cast %add3A_209 : i32 to index
        %swap3A_227 = arith.constant 0 : index
        %swap3A_228 = tpu.vector_load %arg23[%swap3A, %swap3A_227] {strides = array<i32>} : memref<120x16xf32, #tpu.memory_space<vmem>>, vector<1x16xf32>,
        %swap3A_229 = vector.shape_cast %swap3A_228 : vector<1x16xf32> to vector<16xf32>
        %swap3A_230 = vector.shape_cast %mul3A_226 : vector<16xf32> to vector<1x16xf32>
        tpu.vector_store %arg23[%swap3A, %swap3A_227], %swap3A_230 {strides = array<i32>} : memref<120x16xf32, #tpu.memory_space<vmem>>, vector<1x16xf32>,
      }
      %scan3A_176 = arith.constant 120 : i32
      %dma_start3A_177 = arith.constant 0 : i32
      %dma_start3A_178 = arith.constant 0 : i32
      %dma_start3A_179 = tpu.memref_slice %arg26[%dma_start3A_177, %dma_start3A_178] : memref<10112x16xf32, #tpu.memory_space<vmem_shared>> -> memref<10112x16xf32, #tpu.memory_space<vmem_shared>>
      tpu.enqueue_indirect_dma source(%arg23 : memref<120x16xf32, #tpu.memory_space<vmem>>) target(%dma_start3A_179 : memref<10112x16xf32, #tpu.memory_space<vmem_shared>>) offsets(%arg20 : memref<120xi32, #tpu.memory_space<vmem>>) semaphore(%arg32 : memref<!tpu.dma_semaphore, #tpu.memory_space<semaphore_mem>>) {add = true}
      %dma_wait3A_180 = arith.constant 0 : i32
      %dma_wait3A_181 = arith.constant 0 : i32
      %dma_wait3A_182 = tpu.memref_slice %arg26[%dma_wait3A_180, %dma_wait3A_181] : memref<10112x16xf32, #tpu.memory_space<vmem_shared>> -> memref<10112x16xf32, #tpu.memory_space<vmem_shared>>
      tpu.wait_indirect_dma semaphore(%arg31 : memref<!tpu.dma_semaphore, #tpu.memory_space<semaphore_mem>>) src(%arg18 : memref<120x16xf32, #tpu.memory_space<vmem>>) dst(%dma_wait3A_182 : memref<10112x16xf32, #tpu.memory_space<vmem_shared>>)
      %add3A_183 = arith.constant 4 : i32
      %add3A_184 = arith.addi %mul3A_88, %add3A_183 : i32
      %mul3A_185 = arith.constant 120 : i32
      %mul3A_186 = arith.muli %add3A_184, %mul3A_185 : i32
      %add3A_187 = arith.addi %mul3A_6, %mul3A_186 : i32
      %dma_start3A_188 = tpu.memref_slice %arg3[%add3A_187] : memref<322800xi32, #tpu.memory_space<hbm>> -> memref<120xi32, #tpu.memory_space<hbm>>
      %dma_start3A_189 = tpu.memref_slice %arg3[%add3A_187] : memref<322800xi32, #tpu.memory_space<hbm>> -> memref<120xi32, #tpu.memory_space<hbm>>
      tpu.enqueue_dma source(%dma_start3A_189 : memref<120xi32, #tpu.memory_space<hbm>>) target(%arg14 : memref<120xi32, #tpu.memory_space<vmem>>) target_semaphore(%arg28 : memref<!tpu.dma_semaphore, #tpu.memory_space<semaphore_mem>>)
      %mul3A_190 = arith.constant 120 : i32
      %mul3A_191 = arith.muli %add3A_184, %mul3A_190 : i32
      %add3A_192 = arith.addi %mul3A_6, %mul3A_191 : i32
      %dma_start3A_193 = tpu.memref_slice %arg4[%add3A_192] : memref<322800xi32, #tpu.memory_space<hbm>> -> memref<120xi32, #tpu.memory_space<hbm>>
      %dma_start3A_194 = tpu.memref_slice %arg4[%add3A_192] : memref<322800xi32, #tpu.memory_space<hbm>> -> memref<120xi32, #tpu.memory_space<hbm>>
      tpu.enqueue_dma source(%dma_start3A_194 : memref<120xi32, #tpu.memory_space<hbm>>) target(%arg15 : memref<120xi32, #tpu.memory_space<vmem>>) target_semaphore(%arg28 : memref<!tpu.dma_semaphore, #tpu.memory_space<semaphore_mem>>)
      %dma_wait3A_195 = tpu.memref_slice %arg3[%add3A_187] : memref<322800xi32, #tpu.memory_space<hbm>> -> memref<120xi32, #tpu.memory_space<hbm>>
      %dma_wait3A_196 = tpu.memref_slice %arg3[%add3A_187] : memref<322800xi32, #tpu.memory_space<hbm>> -> memref<120xi32, #tpu.memory_space<hbm>>
      tpu.wait_dma2 semaphore(%arg28 : memref<!tpu.dma_semaphore, #tpu.memory_space<semaphore_mem>>) src(%dma_wait3A_196 : memref<120xi32, #tpu.memory_space<hbm>>) dst(%arg14 : memref<120xi32, #tpu.memory_space<vmem>>)
      %dma_wait3A_197 = tpu.memref_slice %arg4[%add3A_192] : memref<322800xi32, #tpu.memory_space<hbm>> -> memref<120xi32, #tpu.memory_space<hbm>>
      %dma_wait3A_198 = tpu.memref_slice %arg4[%add3A_192] : memref<322800xi32, #tpu.memory_space<hbm>> -> memref<120xi32, #tpu.memory_space<hbm>>
      tpu.wait_dma2 semaphore(%arg28 : memref<!tpu.dma_semaphore, #tpu.memory_space<semaphore_mem>>) src(%dma_wait3A_198 : memref<120xi32, #tpu.memory_space<hbm>>) dst(%arg15 : memref<120xi32, #tpu.memory_space<vmem>>)
      %dma_start3A_199 = arith.constant 0 : i32
      %dma_start3A_200 = arith.constant 0 : i32
      %dma_start3A_201 = tpu.memref_slice %arg2[%dma_start3A_199, %dma_start3A_200] : memref<10112x16xf32, #tpu.memory_space<hbm>> -> memref<10112x16xf32, #tpu.memory_space<hbm>>
      tpu.enqueue_indirect_dma source(%dma_start3A_201 : memref<10112x16xf32, #tpu.memory_space<hbm>>) target(%arg16 : memref<120x16xf32, #tpu.memory_space<vmem>>) offsets(%arg14 : memref<120xi32, #tpu.memory_space<vmem>>) semaphore(%arg28 : memref<!tpu.dma_semaphore, #tpu.memory_space<semaphore_mem>>)
      %dma_start3A_202 = arith.constant 0 : i32
      %dma_start3A_203 = arith.constant 0 : i32
      %dma_start3A_204 = tpu.memref_slice %arg2[%dma_start3A_202, %dma_start3A_203] : memref<10112x16xf32, #tpu.memory_space<hbm>> -> memref<10112x16xf32, #tpu.memory_space<hbm>>
      tpu.enqueue_indirect_dma source(%dma_start3A_204 : memref<10112x16xf32, #tpu.memory_space<hbm>>) target(%arg17 : memref<120x16xf32, #tpu.memory_space<vmem>>) offsets(%arg15 : memref<120xi32, #tpu.memory_space<vmem>>) semaphore(%arg28 : memref<!tpu.dma_semaphore, #tpu.memory_space<semaphore_mem>>)
    }
    %scan3A_61 = arith.constant 28 : i32
    %dma_wait3A_62 = arith.constant 0 : i32
    %dma_wait3A_63 = arith.constant 0 : i32
    %dma_wait3A_64 = tpu.memref_slice %arg26[%dma_wait3A_62, %dma_wait3A_63] : memref<10112x16xf32, #tpu.memory_space<vmem_shared>> -> memref<10112x16xf32, #tpu.memory_space<vmem_shared>>
    tpu.wait_indirect_dma semaphore(%arg32 : memref<!tpu.dma_semaphore, #tpu.memory_space<semaphore_mem>>) src(%arg23 : memref<120x16xf32, #tpu.memory_space<vmem>>) dst(%dma_wait3A_64 : memref<10112x16xf32, #tpu.memory_space<vmem_shared>>)
    %dma_wait3A_65 = arith.constant 0 : i32
    %dma_wait3A_66 = arith.constant 0 : i32
    %dma_wait3A_67 = tpu.memref_slice %arg2[%dma_wait3A_65, %dma_wait3A_66] : memref<10112x16xf32, #tpu.memory_space<hbm>> -> memref<10112x16xf32, #tpu.memory_space<hbm>>
    tpu.wait_indirect_dma semaphore(%arg27 : memref<!tpu.dma_semaphore, #tpu.memory_space<semaphore_mem>>) src(%dma_wait3A_67 : memref<10112x16xf32, #tpu.memory_space<hbm>>) dst(%arg11 : memref<120x16xf32, #tpu.memory_space<vmem>>)
    %dma_wait3A_68 = arith.constant 0 : i32
    %dma_wait3A_69 = arith.constant 0 : i32
    %dma_wait3A_70 = tpu.memref_slice %arg2[%dma_wait3A_68, %dma_wait3A_69] : memref<10112x16xf32, #tpu.memory_space<hbm>> -> memref<10112x16xf32, #tpu.memory_space<hbm>>
    tpu.wait_indirect_dma semaphore(%arg27 : memref<!tpu.dma_semaphore, #tpu.memory_space<semaphore_mem>>) src(%dma_wait3A_70 : memref<10112x16xf32, #tpu.memory_space<hbm>>) dst(%arg12 : memref<120x16xf32, #tpu.memory_space<vmem>>)
    %dma_wait3A_71 = arith.constant 0 : i32
    %dma_wait3A_72 = arith.constant 0 : i32
    %dma_wait3A_73 = tpu.memref_slice %arg2[%dma_wait3A_71, %dma_wait3A_72] : memref<10112x16xf32, #tpu.memory_space<hbm>> -> memref<10112x16xf32, #tpu.memory_space<hbm>>
    tpu.wait_indirect_dma semaphore(%arg28 : memref<!tpu.dma_semaphore, #tpu.memory_space<semaphore_mem>>) src(%dma_wait3A_73 : memref<10112x16xf32, #tpu.memory_space<hbm>>) dst(%arg16 : memref<120x16xf32, #tpu.memory_space<vmem>>)
    %dma_wait3A_74 = arith.constant 0 : i32
    %dma_wait3A_75 = arith.constant 0 : i32
    %dma_wait3A_76 = tpu.memref_slice %arg2[%dma_wait3A_74, %dma_wait3A_75] : memref<10112x16xf32, #tpu.memory_space<hbm>> -> memref<10112x16xf32, #tpu.memory_space<hbm>>
    tpu.wait_indirect_dma semaphore(%arg28 : memref<!tpu.dma_semaphore, #tpu.memory_space<semaphore_mem>>) src(%dma_wait3A_76 : memref<10112x16xf32, #tpu.memory_space<hbm>>) dst(%arg17 : memref<120x16xf32, #tpu.memory_space<vmem>>)
    %barrier3A_77 = arith.constant 0 : index
    tpu.barrier barrier_id(%barrier3A_77)
    %mul3A_78 = arith.constant 632 : i32
    %mul3A_79 = arith.muli %arg1, %mul3A_78 : i32
    %mul3A_80 = arith.constant 632 : i32
    %mul3A_81 = arith.muli %arg1, %mul3A_80 : i32
    "tpu.region"() ({
      %run_scoped3A = tpu.sem_alloc : memref<!tpu.dma_semaphore, #tpu.memory_space<semaphore_mem>>
      %dma_start3A_82 = arith.constant 0 : i32
      %dma_start3A_83 = arith.constant 0 : i32
      %dma_start3A_84 = tpu.memref_slice %arg8[%arg0, %dma_start3A_82, %dma_start3A_83] : memref<2x10112x16xf32, #tpu.memory_space<hbm>> -> memref<1x10112x16xf32, #tpu.memory_space<hbm>>
      %dma_start3A_85 = tpu.memref_squeeze %dma_start3A_84 : memref<1x10112x16xf32, #tpu.memory_space<hbm>> -> memref<10112x16xf32, #tpu.memory_space<hbm>>
      %dma_start3A_86 = arith.constant 0 : i32
      %dma_start3A_87 = tpu.memref_slice %dma_start3A_85[%mul3A_81, %dma_start3A_86] : memref<10112x16xf32, #tpu.memory_space<hbm>> -> memref<632x16xf32, #tpu.memory_space<hbm>>
      %dma_start3A_88 = arith.constant 0 : i32
      %dma_start3A_89 = tpu.memref_slice %arg26[%mul3A_79, %dma_start3A_88] : memref<10112x16xf32, #tpu.memory_space<vmem_shared>> -> memref<632x16xf32, #tpu.memory_space<vmem_shared>>
      tpu.enqueue_dma source(%dma_start3A_89 : memref<632x16xf32, #tpu.memory_space<vmem_shared>>) target(%dma_start3A_87 : memref<632x16xf32, #tpu.memory_space<hbm>>) target_semaphore(%run_scoped3A : memref<!tpu.dma_semaphore, #tpu.memory_space<semaphore_mem>>)
      %dma_wait3A_90 = arith.constant 0 : i32
      %dma_wait3A_91 = arith.constant 0 : i32
      %dma_wait3A_92 = tpu.memref_slice %arg8[%arg0, %dma_wait3A_90, %dma_wait3A_91] : memref<2x10112x16xf32, #tpu.memory_space<hbm>> -> memref<1x10112x16xf32, #tpu.memory_space<hbm>>
      %dma_wait3A_93 = tpu.memref_squeeze %dma_wait3A_92 : memref<1x10112x16xf32, #tpu.memory_space<hbm>> -> memref<10112x16xf32, #tpu.memory_space<hbm>>
      %dma_wait3A_94 = arith.constant 0 : i32
      %dma_wait3A_95 = tpu.memref_slice %dma_wait3A_93[%mul3A_81, %dma_wait3A_94] : memref<10112x16xf32, #tpu.memory_space<hbm>> -> memref<632x16xf32, #tpu.memory_space<hbm>>
      %dma_wait3A_96 = arith.constant 0 : i32
      %dma_wait3A_97 = tpu.memref_slice %arg26[%mul3A_79, %dma_wait3A_96] : memref<10112x16xf32, #tpu.memory_space<vmem_shared>> -> memref<632x16xf32, #tpu.memory_space<vmem_shared>>
      tpu.wait_dma2 semaphore(%run_scoped3A : memref<!tpu.dma_semaphore, #tpu.memory_space<semaphore_mem>>) src(%dma_wait3A_97 : memref<632x16xf32, #tpu.memory_space<vmem_shared>>) dst(%dma_wait3A_95 : memref<632x16xf32, #tpu.memory_space<hbm>>)
      tpu.yield
    }) : () -> ()
    return
  }
}

#map = affine_map<(d0, d1) -> (0, 0)>
#map1 = affine_map<(d0, d1) -> (0)>
#map2 = affine_map<(d0, d1) -> (0, 0, 0)>
module attributes {stable_mosaic.version = 14 : i64} {
  func.func @_edge1_body(%arg0: i32, %arg1: i32, %arg2: memref<10000x144xf32, #tpu.memory_space<hbm>>, %arg3: memref<10112x16xf32, #tpu.memory_space<hbm>>, %arg4: memref<322800xi32, #tpu.memory_space<hbm>>, %arg5: memref<322800xi32, #tpu.memory_space<hbm>>, %arg6: memref<10112x144xf32, #tpu.memory_space<hbm>>, %arg7: memref<2x10112x144xf32, #tpu.memory_space<hbm>>, %arg8: memref<80xi32, #tpu.memory_space<vmem>>, %arg9: memref<80xi32, #tpu.memory_space<vmem>>, %arg10: memref<80x144xf32, #tpu.memory_space<vmem>>, %arg11: memref<80x16xf32, #tpu.memory_space<vmem>>, %arg12: memref<80xi32, #tpu.memory_space<vmem>>, %arg13: memref<80xi32, #tpu.memory_space<vmem>>, %arg14: memref<80x144xf32, #tpu.memory_space<vmem>>, %arg15: memref<80x16xf32, #tpu.memory_space<vmem>>, %arg16: memref<80xi32, #tpu.memory_space<vmem>>, %arg17: memref<80xi32, #tpu.memory_space<vmem>>, %arg18: memref<80x144xf32, #tpu.memory_space<vmem>>, %arg19: memref<80x16xf32, #tpu.memory_space<vmem>>, %arg20: memref<10112x144xf32, #tpu.memory_space<vmem_shared>>, %arg21: memref<!tpu.dma_semaphore, #tpu.memory_space<semaphore_mem>>, %arg22: memref<!tpu.dma_semaphore, #tpu.memory_space<semaphore_mem>>, %arg23: memref<!tpu.dma_semaphore, #tpu.memory_space<semaphore_mem>>, %arg24: memref<!tpu.dma_semaphore, #tpu.memory_space<semaphore_mem>>, %arg25: memref<!tpu.dma_semaphore, #tpu.memory_space<semaphore_mem>>, %arg26: memref<!tpu.dma_semaphore, #tpu.memory_space<semaphore_mem>>) attributes {dimension_semantics = [#tpu.dimension_semantics<core_parallel>, #tpu.dimension_semantics<subcore_parallel>], iteration_bounds = array<i64: 2, 16>, scalar_prefetch = 0 : i64, scratch_operands = 19 : i64, tpu.core_type = #tpu.core_type<sc_vector_subcore>, window_params = [{transform_indices = #map}, {transform_indices = #map}, {transform_indices = #map1}, {transform_indices = #map1}, {transform_indices = #map}, {transform_indices = #map2}]} {
    %mul3A = arith.constant 2 : i32
    %mul3A_0 = arith.muli %arg1, %mul3A : i32
    %add3A = arith.addi %mul3A_0, %arg0 : i32
    %mul3A_1 = arith.constant 632 : i32
    %mul3A_2 = arith.muli %arg1, %mul3A_1 : i32
    %mul3A_3 = arith.constant 632 : i32
    %mul3A_4 = arith.muli %arg1, %mul3A_3 : i32
    "tpu.region"() ({
      %run_scoped3A = tpu.sem_alloc : memref<!tpu.dma_semaphore, #tpu.memory_space<semaphore_mem>>
      %dma_start3A_65 = arith.constant 0 : i32
      %dma_start3A_66 = tpu.memref_slice %arg20[%mul3A_4, %dma_start3A_65] : memref<10112x144xf32, #tpu.memory_space<vmem_shared>> -> memref<632x144xf32, #tpu.memory_space<vmem_shared>>
      %dma_start3A_67 = arith.constant 0 : i32
      %dma_start3A_68 = tpu.memref_slice %arg6[%mul3A_2, %dma_start3A_67] : memref<10112x144xf32, #tpu.memory_space<hbm>> -> memref<632x144xf32, #tpu.memory_space<hbm>>
      tpu.enqueue_dma source(%dma_start3A_68 : memref<632x144xf32, #tpu.memory_space<hbm>>) target(%dma_start3A_66 : memref<632x144xf32, #tpu.memory_space<vmem_shared>>) target_semaphore(%run_scoped3A : memref<!tpu.dma_semaphore, #tpu.memory_space<semaphore_mem>>)
      %dma_wait3A_69 = arith.constant 0 : i32
      %dma_wait3A_70 = tpu.memref_slice %arg20[%mul3A_4, %dma_wait3A_69] : memref<10112x144xf32, #tpu.memory_space<vmem_shared>> -> memref<632x144xf32, #tpu.memory_space<vmem_shared>>
      %dma_wait3A_71 = arith.constant 0 : i32
      %dma_wait3A_72 = tpu.memref_slice %arg6[%mul3A_2, %dma_wait3A_71] : memref<10112x144xf32, #tpu.memory_space<hbm>> -> memref<632x144xf32, #tpu.memory_space<hbm>>
      tpu.wait_dma2 semaphore(%run_scoped3A : memref<!tpu.dma_semaphore, #tpu.memory_space<semaphore_mem>>) src(%dma_wait3A_72 : memref<632x144xf32, #tpu.memory_space<hbm>>) dst(%dma_wait3A_70 : memref<632x144xf32, #tpu.memory_space<vmem_shared>>)
      tpu.yield
    }) : () -> ()
    %barrier3A = arith.constant 0 : index
    tpu.barrier barrier_id(%barrier3A)
    %mul3A_5 = arith.constant 10080 : i32
    %mul3A_6 = arith.muli %add3A, %mul3A_5 : i32
    %add3A_7 = arith.constant 0 : i32
    %add3A_8 = arith.addi %mul3A_6, %add3A_7 : i32
    %dma_start3A = tpu.memref_slice %arg4[%add3A_8] : memref<322800xi32, #tpu.memory_space<hbm>> -> memref<80xi32, #tpu.memory_space<hbm>>
    %dma_start3A_9 = tpu.memref_slice %arg4[%add3A_8] : memref<322800xi32, #tpu.memory_space<hbm>> -> memref<80xi32, #tpu.memory_space<hbm>>
    tpu.enqueue_dma source(%dma_start3A_9 : memref<80xi32, #tpu.memory_space<hbm>>) target(%arg8 : memref<80xi32, #tpu.memory_space<vmem>>) target_semaphore(%arg21 : memref<!tpu.dma_semaphore, #tpu.memory_space<semaphore_mem>>)
    %add3A_10 = arith.constant 0 : i32
    %add3A_11 = arith.addi %mul3A_6, %add3A_10 : i32
    %dma_start3A_12 = tpu.memref_slice %arg5[%add3A_11] : memref<322800xi32, #tpu.memory_space<hbm>> -> memref<80xi32, #tpu.memory_space<hbm>>
    %dma_start3A_13 = tpu.memref_slice %arg5[%add3A_11] : memref<322800xi32, #tpu.memory_space<hbm>> -> memref<80xi32, #tpu.memory_space<hbm>>
    tpu.enqueue_dma source(%dma_start3A_13 : memref<80xi32, #tpu.memory_space<hbm>>) target(%arg9 : memref<80xi32, #tpu.memory_space<vmem>>) target_semaphore(%arg21 : memref<!tpu.dma_semaphore, #tpu.memory_space<semaphore_mem>>)
    %dma_wait3A = tpu.memref_slice %arg4[%add3A_8] : memref<322800xi32, #tpu.memory_space<hbm>> -> memref<80xi32, #tpu.memory_space<hbm>>
    %dma_wait3A_14 = tpu.memref_slice %arg4[%add3A_8] : memref<322800xi32, #tpu.memory_space<hbm>> -> memref<80xi32, #tpu.memory_space<hbm>>
    tpu.wait_dma2 semaphore(%arg21 : memref<!tpu.dma_semaphore, #tpu.memory_space<semaphore_mem>>) src(%dma_wait3A_14 : memref<80xi32, #tpu.memory_space<hbm>>) dst(%arg8 : memref<80xi32, #tpu.memory_space<vmem>>)
    %dma_wait3A_15 = tpu.memref_slice %arg5[%add3A_11] : memref<322800xi32, #tpu.memory_space<hbm>> -> memref<80xi32, #tpu.memory_space<hbm>>
    %dma_wait3A_16 = tpu.memref_slice %arg5[%add3A_11] : memref<322800xi32, #tpu.memory_space<hbm>> -> memref<80xi32, #tpu.memory_space<hbm>>
    tpu.wait_dma2 semaphore(%arg21 : memref<!tpu.dma_semaphore, #tpu.memory_space<semaphore_mem>>) src(%dma_wait3A_16 : memref<80xi32, #tpu.memory_space<hbm>>) dst(%arg9 : memref<80xi32, #tpu.memory_space<vmem>>)
    %dma_start3A_17 = arith.constant 0 : i32
    %dma_start3A_18 = arith.constant 0 : i32
    %dma_start3A_19 = tpu.memref_slice %arg2[%dma_start3A_17, %dma_start3A_18] : memref<10000x144xf32, #tpu.memory_space<hbm>> -> memref<10000x144xf32, #tpu.memory_space<hbm>>
    tpu.enqueue_indirect_dma source(%dma_start3A_19 : memref<10000x144xf32, #tpu.memory_space<hbm>>) target(%arg10 : memref<80x144xf32, #tpu.memory_space<vmem>>) offsets(%arg8 : memref<80xi32, #tpu.memory_space<vmem>>) semaphore(%arg21 : memref<!tpu.dma_semaphore, #tpu.memory_space<semaphore_mem>>)
    %dma_start3A_20 = arith.constant 0 : i32
    %dma_start3A_21 = arith.constant 0 : i32
    %dma_start3A_22 = tpu.memref_slice %arg3[%dma_start3A_20, %dma_start3A_21] : memref<10112x16xf32, #tpu.memory_space<hbm>> -> memref<10112x16xf32, #tpu.memory_space<hbm>>
    tpu.enqueue_indirect_dma source(%dma_start3A_22 : memref<10112x16xf32, #tpu.memory_space<hbm>>) target(%arg11 : memref<80x16xf32, #tpu.memory_space<vmem>>) offsets(%arg9 : memref<80xi32, #tpu.memory_space<vmem>>) semaphore(%arg21 : memref<!tpu.dma_semaphore, #tpu.memory_space<semaphore_mem>>)
    %add3A_23 = arith.constant 80 : i32
    %add3A_24 = arith.addi %mul3A_6, %add3A_23 : i32
    %dma_start3A_25 = tpu.memref_slice %arg4[%add3A_24] : memref<322800xi32, #tpu.memory_space<hbm>> -> memref<80xi32, #tpu.memory_space<hbm>>
    %dma_start3A_26 = tpu.memref_slice %arg4[%add3A_24] : memref<322800xi32, #tpu.memory_space<hbm>> -> memref<80xi32, #tpu.memory_space<hbm>>
    tpu.enqueue_dma source(%dma_start3A_26 : memref<80xi32, #tpu.memory_space<hbm>>) target(%arg12 : memref<80xi32, #tpu.memory_space<vmem>>) target_semaphore(%arg22 : memref<!tpu.dma_semaphore, #tpu.memory_space<semaphore_mem>>)
    %add3A_27 = arith.constant 80 : i32
    %add3A_28 = arith.addi %mul3A_6, %add3A_27 : i32
    %dma_start3A_29 = tpu.memref_slice %arg5[%add3A_28] : memref<322800xi32, #tpu.memory_space<hbm>> -> memref<80xi32, #tpu.memory_space<hbm>>
    %dma_start3A_30 = tpu.memref_slice %arg5[%add3A_28] : memref<322800xi32, #tpu.memory_space<hbm>> -> memref<80xi32, #tpu.memory_space<hbm>>
    tpu.enqueue_dma source(%dma_start3A_30 : memref<80xi32, #tpu.memory_space<hbm>>) target(%arg13 : memref<80xi32, #tpu.memory_space<vmem>>) target_semaphore(%arg22 : memref<!tpu.dma_semaphore, #tpu.memory_space<semaphore_mem>>)
    %dma_wait3A_31 = tpu.memref_slice %arg4[%add3A_24] : memref<322800xi32, #tpu.memory_space<hbm>> -> memref<80xi32, #tpu.memory_space<hbm>>
    %dma_wait3A_32 = tpu.memref_slice %arg4[%add3A_24] : memref<322800xi32, #tpu.memory_space<hbm>> -> memref<80xi32, #tpu.memory_space<hbm>>
    tpu.wait_dma2 semaphore(%arg22 : memref<!tpu.dma_semaphore, #tpu.memory_space<semaphore_mem>>) src(%dma_wait3A_32 : memref<80xi32, #tpu.memory_space<hbm>>) dst(%arg12 : memref<80xi32, #tpu.memory_space<vmem>>)
    %dma_wait3A_33 = tpu.memref_slice %arg5[%add3A_28] : memref<322800xi32, #tpu.memory_space<hbm>> -> memref<80xi32, #tpu.memory_space<hbm>>
    %dma_wait3A_34 = tpu.memref_slice %arg5[%add3A_28] : memref<322800xi32, #tpu.memory_space<hbm>> -> memref<80xi32, #tpu.memory_space<hbm>>
    tpu.wait_dma2 semaphore(%arg22 : memref<!tpu.dma_semaphore, #tpu.memory_space<semaphore_mem>>) src(%dma_wait3A_34 : memref<80xi32, #tpu.memory_space<hbm>>) dst(%arg13 : memref<80xi32, #tpu.memory_space<vmem>>)
    %dma_start3A_35 = arith.constant 0 : i32
    %dma_start3A_36 = arith.constant 0 : i32
    %dma_start3A_37 = tpu.memref_slice %arg2[%dma_start3A_35, %dma_start3A_36] : memref<10000x144xf32, #tpu.memory_space<hbm>> -> memref<10000x144xf32, #tpu.memory_space<hbm>>
    tpu.enqueue_indirect_dma source(%dma_start3A_37 : memref<10000x144xf32, #tpu.memory_space<hbm>>) target(%arg14 : memref<80x144xf32, #tpu.memory_space<vmem>>) offsets(%arg12 : memref<80xi32, #tpu.memory_space<vmem>>) semaphore(%arg22 : memref<!tpu.dma_semaphore, #tpu.memory_space<semaphore_mem>>)
    %dma_start3A_38 = arith.constant 0 : i32
    %dma_start3A_39 = arith.constant 0 : i32
    %dma_start3A_40 = tpu.memref_slice %arg3[%dma_start3A_38, %dma_start3A_39] : memref<10112x16xf32, #tpu.memory_space<hbm>> -> memref<10112x16xf32, #tpu.memory_space<hbm>>
    tpu.enqueue_indirect_dma source(%dma_start3A_40 : memref<10112x16xf32, #tpu.memory_space<hbm>>) target(%arg15 : memref<80x16xf32, #tpu.memory_space<vmem>>) offsets(%arg13 : memref<80xi32, #tpu.memory_space<vmem>>) semaphore(%arg22 : memref<!tpu.dma_semaphore, #tpu.memory_space<semaphore_mem>>)
    %scan3A = arith.constant 0 : i32
    %scan3A_41 = arith.constant 42 : i32
    %scan3A_42 = arith.addi %scan3A, %scan3A_41 : i32
    %scan3A_43 = arith.constant 1 : i32
    scf.for %scan3A_65 = %scan3A to %scan3A_42 step %scan3A_43  : i32 {
      %mul3A_66 = arith.constant 1 : i32
      %mul3A_67 = arith.muli %scan3A_65, %mul3A_66 : i32
      %add3A_68 = arith.constant 0 : i32
      %add3A_69 = arith.addi %add3A_68, %mul3A_67 : i32
      %mul3A_70 = arith.constant 3 : i32
      %mul3A_71 = arith.muli %mul3A_70, %add3A_69 : i32
      %dma_wait3A_72 = arith.constant 0 : i32
      %dma_wait3A_73 = arith.constant 0 : i32
      %dma_wait3A_74 = tpu.memref_slice %arg2[%dma_wait3A_72, %dma_wait3A_73] : memref<10000x144xf32, #tpu.memory_space<hbm>> -> memref<10000x144xf32, #tpu.memory_space<hbm>>
      tpu.wait_indirect_dma semaphore(%arg21 : memref<!tpu.dma_semaphore, #tpu.memory_space<semaphore_mem>>) src(%dma_wait3A_74 : memref<10000x144xf32, #tpu.memory_space<hbm>>) dst(%arg10 : memref<80x144xf32, #tpu.memory_space<vmem>>)
      %dma_wait3A_75 = arith.constant 0 : i32
      %dma_wait3A_76 = arith.constant 0 : i32
      %dma_wait3A_77 = tpu.memref_slice %arg3[%dma_wait3A_75, %dma_wait3A_76] : memref<10112x16xf32, #tpu.memory_space<hbm>> -> memref<10112x16xf32, #tpu.memory_space<hbm>>
      tpu.wait_indirect_dma semaphore(%arg21 : memref<!tpu.dma_semaphore, #tpu.memory_space<semaphore_mem>>) src(%dma_wait3A_77 : memref<10112x16xf32, #tpu.memory_space<hbm>>) dst(%arg11 : memref<80x16xf32, #tpu.memory_space<vmem>>)
      %scan3A_78 = arith.constant 0 : i32
      %scan3A_79 = arith.constant 80 : i32
      %scan3A_80 = arith.addi %scan3A_78, %scan3A_79 : i32
      %scan3A_81 = arith.constant 1 : i32
      scf.for %scan3A_188 = %scan3A_78 to %scan3A_80 step %scan3A_81  : i32 {
        %mul3A_189 = arith.constant 1 : i32
        %mul3A_190 = arith.muli %scan3A_188, %mul3A_189 : i32
        %add3A_191 = arith.constant 0 : i32
        %add3A_192 = arith.addi %add3A_191, %mul3A_190 : i32
        %get3A = arith.index_cast %add3A_192 : i32 to index
        %get3A_193 = arith.constant 128 : index
        %get3A_194 = tpu.vector_load %arg10[%get3A, %get3A_193] {strides = array<i32>} : memref<80x144xf32, #tpu.memory_space<vmem>>, vector<1x16xf32>,
        %get3A_195 = vector.shape_cast %get3A_194 : vector<1x16xf32> to vector<16xf32>
        %get3A_196 = arith.index_cast %add3A_192 : i32 to index
        %get3A_197 = arith.constant 0 : index
        %get3A_198 = tpu.vector_load %arg11[%get3A_196, %get3A_197] {strides = array<i32>} : memref<80x16xf32, #tpu.memory_space<vmem>>, vector<1x16xf32>,
        %get3A_199 = vector.shape_cast %get3A_198 : vector<1x16xf32> to vector<16xf32>
        %add3A_200 = arith.addf %get3A_195, %get3A_199 : vector<16xf32>
        %mul3A_201 = arith.constant 2.000000e-01 : f32
        %mul3A_202 = vector.broadcast %mul3A_201 : f32 to vector<16xf32>
        %mul3A_203 = arith.mulf %mul3A_202, %add3A_200 : vector<16xf32>
        %max3A = arith.maximumf %add3A_200, %mul3A_203 : vector<16xf32>
        %exp3A = math.exp %max3A : vector<16xf32>
        %swap3A = arith.index_cast %add3A_192 : i32 to index
        %swap3A_204 = arith.constant 128 : index
        %swap3A_205 = tpu.vector_load %arg10[%swap3A, %swap3A_204] {strides = array<i32>} : memref<80x144xf32, #tpu.memory_space<vmem>>, vector<1x16xf32>,
        %swap3A_206 = vector.shape_cast %swap3A_205 : vector<1x16xf32> to vector<16xf32>
        %swap3A_207 = vector.shape_cast %exp3A : vector<16xf32> to vector<1x16xf32>
        tpu.vector_store %arg10[%swap3A, %swap3A_204], %swap3A_207 {strides = array<i32>} : memref<80x144xf32, #tpu.memory_space<vmem>>, vector<1x16xf32>,
        %get3A_208 = arith.index_cast %add3A_192 : i32 to index
        %get3A_209 = arith.constant 0 : index
        %get3A_210 = tpu.vector_load %arg10[%get3A_208, %get3A_209] {strides = array<i32>} : memref<80x144xf32, #tpu.memory_space<vmem>>, vector<1x16xf32>,
        %get3A_211 = vector.shape_cast %get3A_210 : vector<1x16xf32> to vector<16xf32>
        %slice3A = vector.extract_strided_slice %exp3A {offsets = [0], sizes = [1], strides = [1]} : vector<16xf32> to vector<1xf32>
        %squeeze3A = vector.extract %slice3A[0] : f32 from vector<1xf32>
        %mul3A_212 = vector.broadcast %squeeze3A : f32 to vector<16xf32>
        %mul3A_213 = arith.mulf %get3A_211, %mul3A_212 : vector<16xf32>
        %swap3A_214 = arith.index_cast %add3A_192 : i32 to index
        %swap3A_215 = arith.constant 0 : index
        %swap3A_216 = tpu.vector_load %arg10[%swap3A_214, %swap3A_215] {strides = array<i32>} : memref<80x144xf32, #tpu.memory_space<vmem>>, vector<1x16xf32>,
        %swap3A_217 = vector.shape_cast %swap3A_216 : vector<1x16xf32> to vector<16xf32>
        %swap3A_218 = vector.shape_cast %mul3A_213 : vector<16xf32> to vector<1x16xf32>
        tpu.vector_store %arg10[%swap3A_214, %swap3A_215], %swap3A_218 {strides = array<i32>} : memref<80x144xf32, #tpu.memory_space<vmem>>, vector<1x16xf32>,
        %get3A_219 = arith.index_cast %add3A_192 : i32 to index
        %get3A_220 = arith.constant 16 : index
        %get3A_221 = tpu.vector_load %arg10[%get3A_219, %get3A_220] {strides = array<i32>} : memref<80x144xf32, #tpu.memory_space<vmem>>, vector<1x16xf32>,
        %get3A_222 = vector.shape_cast %get3A_221 : vector<1x16xf32> to vector<16xf32>
        %slice3A_223 = vector.extract_strided_slice %exp3A {offsets = [1], sizes = [1], strides = [1]} : vector<16xf32> to vector<1xf32>
        %squeeze3A_224 = vector.extract %slice3A_223[0] : f32 from vector<1xf32>
        %mul3A_225 = vector.broadcast %squeeze3A_224 : f32 to vector<16xf32>
        %mul3A_226 = arith.mulf %get3A_222, %mul3A_225 : vector<16xf32>
        %swap3A_227 = arith.index_cast %add3A_192 : i32 to index
        %swap3A_228 = arith.constant 16 : index
        %swap3A_229 = tpu.vector_load %arg10[%swap3A_227, %swap3A_228] {strides = array<i32>} : memref<80x144xf32, #tpu.memory_space<vmem>>, vector<1x16xf32>,
        %swap3A_230 = vector.shape_cast %swap3A_229 : vector<1x16xf32> to vector<16xf32>
        %swap3A_231 = vector.shape_cast %mul3A_226 : vector<16xf32> to vector<1x16xf32>
        tpu.vector_store %arg10[%swap3A_227, %swap3A_228], %swap3A_231 {strides = array<i32>} : memref<80x144xf32, #tpu.memory_space<vmem>>, vector<1x16xf32>,
        %get3A_232 = arith.index_cast %add3A_192 : i32 to index
        %get3A_233 = arith.constant 32 : index
        %get3A_234 = tpu.vector_load %arg10[%get3A_232, %get3A_233] {strides = array<i32>} : memref<80x144xf32, #tpu.memory_space<vmem>>, vector<1x16xf32>,
        %get3A_235 = vector.shape_cast %get3A_234 : vector<1x16xf32> to vector<16xf32>
        %slice3A_236 = vector.extract_strided_slice %exp3A {offsets = [2], sizes = [1], strides = [1]} : vector<16xf32> to vector<1xf32>
        %squeeze3A_237 = vector.extract %slice3A_236[0] : f32 from vector<1xf32>
        %mul3A_238 = vector.broadcast %squeeze3A_237 : f32 to vector<16xf32>
        %mul3A_239 = arith.mulf %get3A_235, %mul3A_238 : vector<16xf32>
        %swap3A_240 = arith.index_cast %add3A_192 : i32 to index
        %swap3A_241 = arith.constant 32 : index
        %swap3A_242 = tpu.vector_load %arg10[%swap3A_240, %swap3A_241] {strides = array<i32>} : memref<80x144xf32, #tpu.memory_space<vmem>>, vector<1x16xf32>,
        %swap3A_243 = vector.shape_cast %swap3A_242 : vector<1x16xf32> to vector<16xf32>
        %swap3A_244 = vector.shape_cast %mul3A_239 : vector<16xf32> to vector<1x16xf32>
        tpu.vector_store %arg10[%swap3A_240, %swap3A_241], %swap3A_244 {strides = array<i32>} : memref<80x144xf32, #tpu.memory_space<vmem>>, vector<1x16xf32>,
        %get3A_245 = arith.index_cast %add3A_192 : i32 to index
        %get3A_246 = arith.constant 48 : index
        %get3A_247 = tpu.vector_load %arg10[%get3A_245, %get3A_246] {strides = array<i32>} : memref<80x144xf32, #tpu.memory_space<vmem>>, vector<1x16xf32>,
        %get3A_248 = vector.shape_cast %get3A_247 : vector<1x16xf32> to vector<16xf32>
        %slice3A_249 = vector.extract_strided_slice %exp3A {offsets = [3], sizes = [1], strides = [1]} : vector<16xf32> to vector<1xf32>
        %squeeze3A_250 = vector.extract %slice3A_249[0] : f32 from vector<1xf32>
        %mul3A_251 = vector.broadcast %squeeze3A_250 : f32 to vector<16xf32>
        %mul3A_252 = arith.mulf %get3A_248, %mul3A_251 : vector<16xf32>
        %swap3A_253 = arith.index_cast %add3A_192 : i32 to index
        %swap3A_254 = arith.constant 48 : index
        %swap3A_255 = tpu.vector_load %arg10[%swap3A_253, %swap3A_254] {strides = array<i32>} : memref<80x144xf32, #tpu.memory_space<vmem>>, vector<1x16xf32>,
        %swap3A_256 = vector.shape_cast %swap3A_255 : vector<1x16xf32> to vector<16xf32>
        %swap3A_257 = vector.shape_cast %mul3A_252 : vector<16xf32> to vector<1x16xf32>
        tpu.vector_store %arg10[%swap3A_253, %swap3A_254], %swap3A_257 {strides = array<i32>} : memref<80x144xf32, #tpu.memory_space<vmem>>, vector<1x16xf32>,
        %get3A_258 = arith.index_cast %add3A_192 : i32 to index
        %get3A_259 = arith.constant 64 : index
        %get3A_260 = tpu.vector_load %arg10[%get3A_258, %get3A_259] {strides = array<i32>} : memref<80x144xf32, #tpu.memory_space<vmem>>, vector<1x16xf32>,
        %get3A_261 = vector.shape_cast %get3A_260 : vector<1x16xf32> to vector<16xf32>
        %slice3A_262 = vector.extract_strided_slice %exp3A {offsets = [4], sizes = [1], strides = [1]} : vector<16xf32> to vector<1xf32>
        %squeeze3A_263 = vector.extract %slice3A_262[0] : f32 from vector<1xf32>
        %mul3A_264 = vector.broadcast %squeeze3A_263 : f32 to vector<16xf32>
        %mul3A_265 = arith.mulf %get3A_261, %mul3A_264 : vector<16xf32>
        %swap3A_266 = arith.index_cast %add3A_192 : i32 to index
        %swap3A_267 = arith.constant 64 : index
        %swap3A_268 = tpu.vector_load %arg10[%swap3A_266, %swap3A_267] {strides = array<i32>} : memref<80x144xf32, #tpu.memory_space<vmem>>, vector<1x16xf32>,
        %swap3A_269 = vector.shape_cast %swap3A_268 : vector<1x16xf32> to vector<16xf32>
        %swap3A_270 = vector.shape_cast %mul3A_265 : vector<16xf32> to vector<1x16xf32>
        tpu.vector_store %arg10[%swap3A_266, %swap3A_267], %swap3A_270 {strides = array<i32>} : memref<80x144xf32, #tpu.memory_space<vmem>>, vector<1x16xf32>,
        %get3A_271 = arith.index_cast %add3A_192 : i32 to index
        %get3A_272 = arith.constant 80 : index
        %get3A_273 = tpu.vector_load %arg10[%get3A_271, %get3A_272] {strides = array<i32>} : memref<80x144xf32, #tpu.memory_space<vmem>>, vector<1x16xf32>,
        %get3A_274 = vector.shape_cast %get3A_273 : vector<1x16xf32> to vector<16xf32>
        %slice3A_275 = vector.extract_strided_slice %exp3A {offsets = [5], sizes = [1], strides = [1]} : vector<16xf32> to vector<1xf32>
        %squeeze3A_276 = vector.extract %slice3A_275[0] : f32 from vector<1xf32>
        %mul3A_277 = vector.broadcast %squeeze3A_276 : f32 to vector<16xf32>
        %mul3A_278 = arith.mulf %get3A_274, %mul3A_277 : vector<16xf32>
        %swap3A_279 = arith.index_cast %add3A_192 : i32 to index
        %swap3A_280 = arith.constant 80 : index
        %swap3A_281 = tpu.vector_load %arg10[%swap3A_279, %swap3A_280] {strides = array<i32>} : memref<80x144xf32, #tpu.memory_space<vmem>>, vector<1x16xf32>,
        %swap3A_282 = vector.shape_cast %swap3A_281 : vector<1x16xf32> to vector<16xf32>
        %swap3A_283 = vector.shape_cast %mul3A_278 : vector<16xf32> to vector<1x16xf32>
        tpu.vector_store %arg10[%swap3A_279, %swap3A_280], %swap3A_283 {strides = array<i32>} : memref<80x144xf32, #tpu.memory_space<vmem>>, vector<1x16xf32>,
        %get3A_284 = arith.index_cast %add3A_192 : i32 to index
        %get3A_285 = arith.constant 96 : index
        %get3A_286 = tpu.vector_load %arg10[%get3A_284, %get3A_285] {strides = array<i32>} : memref<80x144xf32, #tpu.memory_space<vmem>>, vector<1x16xf32>,
        %get3A_287 = vector.shape_cast %get3A_286 : vector<1x16xf32> to vector<16xf32>
        %slice3A_288 = vector.extract_strided_slice %exp3A {offsets = [6], sizes = [1], strides = [1]} : vector<16xf32> to vector<1xf32>
        %squeeze3A_289 = vector.extract %slice3A_288[0] : f32 from vector<1xf32>
        %mul3A_290 = vector.broadcast %squeeze3A_289 : f32 to vector<16xf32>
        %mul3A_291 = arith.mulf %get3A_287, %mul3A_290 : vector<16xf32>
        %swap3A_292 = arith.index_cast %add3A_192 : i32 to index
        %swap3A_293 = arith.constant 96 : index
        %swap3A_294 = tpu.vector_load %arg10[%swap3A_292, %swap3A_293] {strides = array<i32>} : memref<80x144xf32, #tpu.memory_space<vmem>>, vector<1x16xf32>,
        %swap3A_295 = vector.shape_cast %swap3A_294 : vector<1x16xf32> to vector<16xf32>
        %swap3A_296 = vector.shape_cast %mul3A_291 : vector<16xf32> to vector<1x16xf32>
        tpu.vector_store %arg10[%swap3A_292, %swap3A_293], %swap3A_296 {strides = array<i32>} : memref<80x144xf32, #tpu.memory_space<vmem>>, vector<1x16xf32>,
        %get3A_297 = arith.index_cast %add3A_192 : i32 to index
        %get3A_298 = arith.constant 112 : index
        %get3A_299 = tpu.vector_load %arg10[%get3A_297, %get3A_298] {strides = array<i32>} : memref<80x144xf32, #tpu.memory_space<vmem>>, vector<1x16xf32>,
        %get3A_300 = vector.shape_cast %get3A_299 : vector<1x16xf32> to vector<16xf32>
        %slice3A_301 = vector.extract_strided_slice %exp3A {offsets = [7], sizes = [1], strides = [1]} : vector<16xf32> to vector<1xf32>
        %squeeze3A_302 = vector.extract %slice3A_301[0] : f32 from vector<1xf32>
        %mul3A_303 = vector.broadcast %squeeze3A_302 : f32 to vector<16xf32>
        %mul3A_304 = arith.mulf %get3A_300, %mul3A_303 : vector<16xf32>
        %swap3A_305 = arith.index_cast %add3A_192 : i32 to index
        %swap3A_306 = arith.constant 112 : index
        %swap3A_307 = tpu.vector_load %arg10[%swap3A_305, %swap3A_306] {strides = array<i32>} : memref<80x144xf32, #tpu.memory_space<vmem>>, vector<1x16xf32>,
        %swap3A_308 = vector.shape_cast %swap3A_307 : vector<1x16xf32> to vector<16xf32>
        %swap3A_309 = vector.shape_cast %mul3A_304 : vector<16xf32> to vector<1x16xf32>
        tpu.vector_store %arg10[%swap3A_305, %swap3A_306], %swap3A_309 {strides = array<i32>} : memref<80x144xf32, #tpu.memory_space<vmem>>, vector<1x16xf32>,
      }
      %scan3A_82 = arith.constant 80 : i32
      %dma_start3A_83 = arith.constant 0 : i32
      %dma_start3A_84 = arith.constant 0 : i32
      %dma_start3A_85 = tpu.memref_slice %arg20[%dma_start3A_83, %dma_start3A_84] : memref<10112x144xf32, #tpu.memory_space<vmem_shared>> -> memref<10112x144xf32, #tpu.memory_space<vmem_shared>>
      tpu.enqueue_indirect_dma source(%arg10 : memref<80x144xf32, #tpu.memory_space<vmem>>) target(%dma_start3A_85 : memref<10112x144xf32, #tpu.memory_space<vmem_shared>>) offsets(%arg9 : memref<80xi32, #tpu.memory_space<vmem>>) semaphore(%arg24 : memref<!tpu.dma_semaphore, #tpu.memory_space<semaphore_mem>>) {add = true}
      %gt3A = arith.constant 0 : i32
      %gt3A_86 = arith.cmpi sgt, %add3A_69, %gt3A : i32
      %convert_element_type3A = arith.extui %gt3A_86 : i1 to i32
      %cond3A = arith.constant 0 : i32
      %cond3A_87 = arith.cmpi ne, %convert_element_type3A, %cond3A : i32
      scf.if %cond3A_87 {
        %dma_wait3A_188 = arith.constant 0 : i32
        %dma_wait3A_189 = arith.constant 0 : i32
        %dma_wait3A_190 = tpu.memref_slice %arg20[%dma_wait3A_188, %dma_wait3A_189] : memref<10112x144xf32, #tpu.memory_space<vmem_shared>> -> memref<10112x144xf32, #tpu.memory_space<vmem_shared>>
        tpu.wait_indirect_dma semaphore(%arg26 : memref<!tpu.dma_semaphore, #tpu.memory_space<semaphore_mem>>) src(%arg18 : memref<80x144xf32, #tpu.memory_space<vmem>>) dst(%dma_wait3A_190 : memref<10112x144xf32, #tpu.memory_space<vmem_shared>>)
      } else {
      }
      %add3A_88 = arith.constant 2 : i32
      %add3A_89 = arith.addi %mul3A_71, %add3A_88 : i32
      %mul3A_90 = arith.constant 80 : i32
      %mul3A_91 = arith.muli %add3A_89, %mul3A_90 : i32
      %add3A_92 = arith.addi %mul3A_6, %mul3A_91 : i32
      %dma_start3A_93 = tpu.memref_slice %arg4[%add3A_92] : memref<322800xi32, #tpu.memory_space<hbm>> -> memref<80xi32, #tpu.memory_space<hbm>>
      %dma_start3A_94 = tpu.memref_slice %arg4[%add3A_92] : memref<322800xi32, #tpu.memory_space<hbm>> -> memref<80xi32, #tpu.memory_space<hbm>>
      tpu.enqueue_dma source(%dma_start3A_94 : memref<80xi32, #tpu.memory_space<hbm>>) target(%arg16 : memref<80xi32, #tpu.memory_space<vmem>>) target_semaphore(%arg23 : memref<!tpu.dma_semaphore, #tpu.memory_space<semaphore_mem>>)
      %mul3A_95 = arith.constant 80 : i32
      %mul3A_96 = arith.muli %add3A_89, %mul3A_95 : i32
      %add3A_97 = arith.addi %mul3A_6, %mul3A_96 : i32
      %dma_start3A_98 = tpu.memref_slice %arg5[%add3A_97] : memref<322800xi32, #tpu.memory_space<hbm>> -> memref<80xi32, #tpu.memory_space<hbm>>
      %dma_start3A_99 = tpu.memref_slice %arg5[%add3A_97] : memref<322800xi32, #tpu.memory_space<hbm>> -> memref<80xi32, #tpu.memory_space<hbm>>
      tpu.enqueue_dma source(%dma_start3A_99 : memref<80xi32, #tpu.memory_space<hbm>>) target(%arg17 : memref<80xi32, #tpu.memory_space<vmem>>) target_semaphore(%arg23 : memref<!tpu.dma_semaphore, #tpu.memory_space<semaphore_mem>>)
      %dma_wait3A_100 = tpu.memref_slice %arg4[%add3A_92] : memref<322800xi32, #tpu.memory_space<hbm>> -> memref<80xi32, #tpu.memory_space<hbm>>
      %dma_wait3A_101 = tpu.memref_slice %arg4[%add3A_92] : memref<322800xi32, #tpu.memory_space<hbm>> -> memref<80xi32, #tpu.memory_space<hbm>>
      tpu.wait_dma2 semaphore(%arg23 : memref<!tpu.dma_semaphore, #tpu.memory_space<semaphore_mem>>) src(%dma_wait3A_101 : memref<80xi32, #tpu.memory_space<hbm>>) dst(%arg16 : memref<80xi32, #tpu.memory_space<vmem>>)
      %dma_wait3A_102 = tpu.memref_slice %arg5[%add3A_97] : memref<322800xi32, #tpu.memory_space<hbm>> -> memref<80xi32, #tpu.memory_space<hbm>>
      %dma_wait3A_103 = tpu.memref_slice %arg5[%add3A_97] : memref<322800xi32, #tpu.memory_space<hbm>> -> memref<80xi32, #tpu.memory_space<hbm>>
      tpu.wait_dma2 semaphore(%arg23 : memref<!tpu.dma_semaphore, #tpu.memory_space<semaphore_mem>>) src(%dma_wait3A_103 : memref<80xi32, #tpu.memory_space<hbm>>) dst(%arg17 : memref<80xi32, #tpu.memory_space<vmem>>)
      %dma_start3A_104 = arith.constant 0 : i32
      %dma_start3A_105 = arith.constant 0 : i32
      %dma_start3A_106 = tpu.memref_slice %arg2[%dma_start3A_104, %dma_start3A_105] : memref<10000x144xf32, #tpu.memory_space<hbm>> -> memref<10000x144xf32, #tpu.memory_space<hbm>>
      tpu.enqueue_indirect_dma source(%dma_start3A_106 : memref<10000x144xf32, #tpu.memory_space<hbm>>) target(%arg18 : memref<80x144xf32, #tpu.memory_space<vmem>>) offsets(%arg16 : memref<80xi32, #tpu.memory_space<vmem>>) semaphore(%arg23 : memref<!tpu.dma_semaphore, #tpu.memory_space<semaphore_mem>>)
      %dma_start3A_107 = arith.constant 0 : i32
      %dma_start3A_108 = arith.constant 0 : i32
      %dma_start3A_109 = tpu.memref_slice %arg3[%dma_start3A_107, %dma_start3A_108] : memref<10112x16xf32, #tpu.memory_space<hbm>> -> memref<10112x16xf32, #tpu.memory_space<hbm>>
      tpu.enqueue_indirect_dma source(%dma_start3A_109 : memref<10112x16xf32, #tpu.memory_space<hbm>>) target(%arg19 : memref<80x16xf32, #tpu.memory_space<vmem>>) offsets(%arg17 : memref<80xi32, #tpu.memory_space<vmem>>) semaphore(%arg23 : memref<!tpu.dma_semaphore, #tpu.memory_space<semaphore_mem>>)
      %dma_wait3A_110 = arith.constant 0 : i32
      %dma_wait3A_111 = arith.constant 0 : i32
      %dma_wait3A_112 = tpu.memref_slice %arg2[%dma_wait3A_110, %dma_wait3A_111] : memref<10000x144xf32, #tpu.memory_space<hbm>> -> memref<10000x144xf32, #tpu.memory_space<hbm>>
      tpu.wait_indirect_dma semaphore(%arg22 : memref<!tpu.dma_semaphore, #tpu.memory_space<semaphore_mem>>) src(%dma_wait3A_112 : memref<10000x144xf32, #tpu.memory_space<hbm>>) dst(%arg14 : memref<80x144xf32, #tpu.memory_space<vmem>>)
      %dma_wait3A_113 = arith.constant 0 : i32
      %dma_wait3A_114 = arith.constant 0 : i32
      %dma_wait3A_115 = tpu.memref_slice %arg3[%dma_wait3A_113, %dma_wait3A_114] : memref<10112x16xf32, #tpu.memory_space<hbm>> -> memref<10112x16xf32, #tpu.memory_space<hbm>>
      tpu.wait_indirect_dma semaphore(%arg22 : memref<!tpu.dma_semaphore, #tpu.memory_space<semaphore_mem>>) src(%dma_wait3A_115 : memref<10112x16xf32, #tpu.memory_space<hbm>>) dst(%arg15 : memref<80x16xf32, #tpu.memory_space<vmem>>)
      %scan3A_116 = arith.constant 0 : i32
      %scan3A_117 = arith.constant 80 : i32
      %scan3A_118 = arith.addi %scan3A_116, %scan3A_117 : i32
      %scan3A_119 = arith.constant 1 : i32
      scf.for %scan3A_188 = %scan3A_116 to %scan3A_118 step %scan3A_119  : i32 {
        %mul3A_189 = arith.constant 1 : i32
        %mul3A_190 = arith.muli %scan3A_188, %mul3A_189 : i32
        %add3A_191 = arith.constant 0 : i32
        %add3A_192 = arith.addi %add3A_191, %mul3A_190 : i32
        %get3A = arith.index_cast %add3A_192 : i32 to index
        %get3A_193 = arith.constant 128 : index
        %get3A_194 = tpu.vector_load %arg14[%get3A, %get3A_193] {strides = array<i32>} : memref<80x144xf32, #tpu.memory_space<vmem>>, vector<1x16xf32>,
        %get3A_195 = vector.shape_cast %get3A_194 : vector<1x16xf32> to vector<16xf32>
        %get3A_196 = arith.index_cast %add3A_192 : i32 to index
        %get3A_197 = arith.constant 0 : index
        %get3A_198 = tpu.vector_load %arg15[%get3A_196, %get3A_197] {strides = array<i32>} : memref<80x16xf32, #tpu.memory_space<vmem>>, vector<1x16xf32>,
        %get3A_199 = vector.shape_cast %get3A_198 : vector<1x16xf32> to vector<16xf32>
        %add3A_200 = arith.addf %get3A_195, %get3A_199 : vector<16xf32>
        %mul3A_201 = arith.constant 2.000000e-01 : f32
        %mul3A_202 = vector.broadcast %mul3A_201 : f32 to vector<16xf32>
        %mul3A_203 = arith.mulf %mul3A_202, %add3A_200 : vector<16xf32>
        %max3A = arith.maximumf %add3A_200, %mul3A_203 : vector<16xf32>
        %exp3A = math.exp %max3A : vector<16xf32>
        %swap3A = arith.index_cast %add3A_192 : i32 to index
        %swap3A_204 = arith.constant 128 : index
        %swap3A_205 = tpu.vector_load %arg14[%swap3A, %swap3A_204] {strides = array<i32>} : memref<80x144xf32, #tpu.memory_space<vmem>>, vector<1x16xf32>,
        %swap3A_206 = vector.shape_cast %swap3A_205 : vector<1x16xf32> to vector<16xf32>
        %swap3A_207 = vector.shape_cast %exp3A : vector<16xf32> to vector<1x16xf32>
        tpu.vector_store %arg14[%swap3A, %swap3A_204], %swap3A_207 {strides = array<i32>} : memref<80x144xf32, #tpu.memory_space<vmem>>, vector<1x16xf32>,
        %get3A_208 = arith.index_cast %add3A_192 : i32 to index
        %get3A_209 = arith.constant 0 : index
        %get3A_210 = tpu.vector_load %arg14[%get3A_208, %get3A_209] {strides = array<i32>} : memref<80x144xf32, #tpu.memory_space<vmem>>, vector<1x16xf32>,
        %get3A_211 = vector.shape_cast %get3A_210 : vector<1x16xf32> to vector<16xf32>
        %slice3A = vector.extract_strided_slice %exp3A {offsets = [0], sizes = [1], strides = [1]} : vector<16xf32> to vector<1xf32>
        %squeeze3A = vector.extract %slice3A[0] : f32 from vector<1xf32>
        %mul3A_212 = vector.broadcast %squeeze3A : f32 to vector<16xf32>
        %mul3A_213 = arith.mulf %get3A_211, %mul3A_212 : vector<16xf32>
        %swap3A_214 = arith.index_cast %add3A_192 : i32 to index
        %swap3A_215 = arith.constant 0 : index
        %swap3A_216 = tpu.vector_load %arg14[%swap3A_214, %swap3A_215] {strides = array<i32>} : memref<80x144xf32, #tpu.memory_space<vmem>>, vector<1x16xf32>,
        %swap3A_217 = vector.shape_cast %swap3A_216 : vector<1x16xf32> to vector<16xf32>
        %swap3A_218 = vector.shape_cast %mul3A_213 : vector<16xf32> to vector<1x16xf32>
        tpu.vector_store %arg14[%swap3A_214, %swap3A_215], %swap3A_218 {strides = array<i32>} : memref<80x144xf32, #tpu.memory_space<vmem>>, vector<1x16xf32>,
        %get3A_219 = arith.index_cast %add3A_192 : i32 to index
        %get3A_220 = arith.constant 16 : index
        %get3A_221 = tpu.vector_load %arg14[%get3A_219, %get3A_220] {strides = array<i32>} : memref<80x144xf32, #tpu.memory_space<vmem>>, vector<1x16xf32>,
        %get3A_222 = vector.shape_cast %get3A_221 : vector<1x16xf32> to vector<16xf32>
        %slice3A_223 = vector.extract_strided_slice %exp3A {offsets = [1], sizes = [1], strides = [1]} : vector<16xf32> to vector<1xf32>
        %squeeze3A_224 = vector.extract %slice3A_223[0] : f32 from vector<1xf32>
        %mul3A_225 = vector.broadcast %squeeze3A_224 : f32 to vector<16xf32>
        %mul3A_226 = arith.mulf %get3A_222, %mul3A_225 : vector<16xf32>
        %swap3A_227 = arith.index_cast %add3A_192 : i32 to index
        %swap3A_228 = arith.constant 16 : index
        %swap3A_229 = tpu.vector_load %arg14[%swap3A_227, %swap3A_228] {strides = array<i32>} : memref<80x144xf32, #tpu.memory_space<vmem>>, vector<1x16xf32>,
        %swap3A_230 = vector.shape_cast %swap3A_229 : vector<1x16xf32> to vector<16xf32>
        %swap3A_231 = vector.shape_cast %mul3A_226 : vector<16xf32> to vector<1x16xf32>
        tpu.vector_store %arg14[%swap3A_227, %swap3A_228], %swap3A_231 {strides = array<i32>} : memref<80x144xf32, #tpu.memory_space<vmem>>, vector<1x16xf32>,
        %get3A_232 = arith.index_cast %add3A_192 : i32 to index
        %get3A_233 = arith.constant 32 : index
        %get3A_234 = tpu.vector_load %arg14[%get3A_232, %get3A_233] {strides = array<i32>} : memref<80x144xf32, #tpu.memory_space<vmem>>, vector<1x16xf32>,
        %get3A_235 = vector.shape_cast %get3A_234 : vector<1x16xf32> to vector<16xf32>
        %slice3A_236 = vector.extract_strided_slice %exp3A {offsets = [2], sizes = [1], strides = [1]} : vector<16xf32> to vector<1xf32>
        %squeeze3A_237 = vector.extract %slice3A_236[0] : f32 from vector<1xf32>
        %mul3A_238 = vector.broadcast %squeeze3A_237 : f32 to vector<16xf32>
        %mul3A_239 = arith.mulf %get3A_235, %mul3A_238 : vector<16xf32>
        %swap3A_240 = arith.index_cast %add3A_192 : i32 to index
        %swap3A_241 = arith.constant 32 : index
        %swap3A_242 = tpu.vector_load %arg14[%swap3A_240, %swap3A_241] {strides = array<i32>} : memref<80x144xf32, #tpu.memory_space<vmem>>, vector<1x16xf32>,
        %swap3A_243 = vector.shape_cast %swap3A_242 : vector<1x16xf32> to vector<16xf32>
        %swap3A_244 = vector.shape_cast %mul3A_239 : vector<16xf32> to vector<1x16xf32>
        tpu.vector_store %arg14[%swap3A_240, %swap3A_241], %swap3A_244 {strides = array<i32>} : memref<80x144xf32, #tpu.memory_space<vmem>>, vector<1x16xf32>,
        %get3A_245 = arith.index_cast %add3A_192 : i32 to index
        %get3A_246 = arith.constant 48 : index
        %get3A_247 = tpu.vector_load %arg14[%get3A_245, %get3A_246] {strides = array<i32>} : memref<80x144xf32, #tpu.memory_space<vmem>>, vector<1x16xf32>,
        %get3A_248 = vector.shape_cast %get3A_247 : vector<1x16xf32> to vector<16xf32>
        %slice3A_249 = vector.extract_strided_slice %exp3A {offsets = [3], sizes = [1], strides = [1]} : vector<16xf32> to vector<1xf32>
        %squeeze3A_250 = vector.extract %slice3A_249[0] : f32 from vector<1xf32>
        %mul3A_251 = vector.broadcast %squeeze3A_250 : f32 to vector<16xf32>
        %mul3A_252 = arith.mulf %get3A_248, %mul3A_251 : vector<16xf32>
        %swap3A_253 = arith.index_cast %add3A_192 : i32 to index
        %swap3A_254 = arith.constant 48 : index
        %swap3A_255 = tpu.vector_load %arg14[%swap3A_253, %swap3A_254] {strides = array<i32>} : memref<80x144xf32, #tpu.memory_space<vmem>>, vector<1x16xf32>,
        %swap3A_256 = vector.shape_cast %swap3A_255 : vector<1x16xf32> to vector<16xf32>
        %swap3A_257 = vector.shape_cast %mul3A_252 : vector<16xf32> to vector<1x16xf32>
        tpu.vector_store %arg14[%swap3A_253, %swap3A_254], %swap3A_257 {strides = array<i32>} : memref<80x144xf32, #tpu.memory_space<vmem>>, vector<1x16xf32>,
        %get3A_258 = arith.index_cast %add3A_192 : i32 to index
        %get3A_259 = arith.constant 64 : index
        %get3A_260 = tpu.vector_load %arg14[%get3A_258, %get3A_259] {strides = array<i32>} : memref<80x144xf32, #tpu.memory_space<vmem>>, vector<1x16xf32>,
        %get3A_261 = vector.shape_cast %get3A_260 : vector<1x16xf32> to vector<16xf32>
        %slice3A_262 = vector.extract_strided_slice %exp3A {offsets = [4], sizes = [1], strides = [1]} : vector<16xf32> to vector<1xf32>
        %squeeze3A_263 = vector.extract %slice3A_262[0] : f32 from vector<1xf32>
        %mul3A_264 = vector.broadcast %squeeze3A_263 : f32 to vector<16xf32>
        %mul3A_265 = arith.mulf %get3A_261, %mul3A_264 : vector<16xf32>
        %swap3A_266 = arith.index_cast %add3A_192 : i32 to index
        %swap3A_267 = arith.constant 64 : index
        %swap3A_268 = tpu.vector_load %arg14[%swap3A_266, %swap3A_267] {strides = array<i32>} : memref<80x144xf32, #tpu.memory_space<vmem>>, vector<1x16xf32>,
        %swap3A_269 = vector.shape_cast %swap3A_268 : vector<1x16xf32> to vector<16xf32>
        %swap3A_270 = vector.shape_cast %mul3A_265 : vector<16xf32> to vector<1x16xf32>
        tpu.vector_store %arg14[%swap3A_266, %swap3A_267], %swap3A_270 {strides = array<i32>} : memref<80x144xf32, #tpu.memory_space<vmem>>, vector<1x16xf32>,
        %get3A_271 = arith.index_cast %add3A_192 : i32 to index
        %get3A_272 = arith.constant 80 : index
        %get3A_273 = tpu.vector_load %arg14[%get3A_271, %get3A_272] {strides = array<i32>} : memref<80x144xf32, #tpu.memory_space<vmem>>, vector<1x16xf32>,
        %get3A_274 = vector.shape_cast %get3A_273 : vector<1x16xf32> to vector<16xf32>
        %slice3A_275 = vector.extract_strided_slice %exp3A {offsets = [5], sizes = [1], strides = [1]} : vector<16xf32> to vector<1xf32>
        %squeeze3A_276 = vector.extract %slice3A_275[0] : f32 from vector<1xf32>
        %mul3A_277 = vector.broadcast %squeeze3A_276 : f32 to vector<16xf32>
        %mul3A_278 = arith.mulf %get3A_274, %mul3A_277 : vector<16xf32>
        %swap3A_279 = arith.index_cast %add3A_192 : i32 to index
        %swap3A_280 = arith.constant 80 : index
        %swap3A_281 = tpu.vector_load %arg14[%swap3A_279, %swap3A_280] {strides = array<i32>} : memref<80x144xf32, #tpu.memory_space<vmem>>, vector<1x16xf32>,
        %swap3A_282 = vector.shape_cast %swap3A_281 : vector<1x16xf32> to vector<16xf32>
        %swap3A_283 = vector.shape_cast %mul3A_278 : vector<16xf32> to vector<1x16xf32>
        tpu.vector_store %arg14[%swap3A_279, %swap3A_280], %swap3A_283 {strides = array<i32>} : memref<80x144xf32, #tpu.memory_space<vmem>>, vector<1x16xf32>,
        %get3A_284 = arith.index_cast %add3A_192 : i32 to index
        %get3A_285 = arith.constant 96 : index
        %get3A_286 = tpu.vector_load %arg14[%get3A_284, %get3A_285] {strides = array<i32>} : memref<80x144xf32, #tpu.memory_space<vmem>>, vector<1x16xf32>,
        %get3A_287 = vector.shape_cast %get3A_286 : vector<1x16xf32> to vector<16xf32>
        %slice3A_288 = vector.extract_strided_slice %exp3A {offsets = [6], sizes = [1], strides = [1]} : vector<16xf32> to vector<1xf32>
        %squeeze3A_289 = vector.extract %slice3A_288[0] : f32 from vector<1xf32>
        %mul3A_290 = vector.broadcast %squeeze3A_289 : f32 to vector<16xf32>
        %mul3A_291 = arith.mulf %get3A_287, %mul3A_290 : vector<16xf32>
        %swap3A_292 = arith.index_cast %add3A_192 : i32 to index
        %swap3A_293 = arith.constant 96 : index
        %swap3A_294 = tpu.vector_load %arg14[%swap3A_292, %swap3A_293] {strides = array<i32>} : memref<80x144xf32, #tpu.memory_space<vmem>>, vector<1x16xf32>,
        %swap3A_295 = vector.shape_cast %swap3A_294 : vector<1x16xf32> to vector<16xf32>
        %swap3A_296 = vector.shape_cast %mul3A_291 : vector<16xf32> to vector<1x16xf32>
        tpu.vector_store %arg14[%swap3A_292, %swap3A_293], %swap3A_296 {strides = array<i32>} : memref<80x144xf32, #tpu.memory_space<vmem>>, vector<1x16xf32>,
        %get3A_297 = arith.index_cast %add3A_192 : i32 to index
        %get3A_298 = arith.constant 112 : index
        %get3A_299 = tpu.vector_load %arg14[%get3A_297, %get3A_298] {strides = array<i32>} : memref<80x144xf32, #tpu.memory_space<vmem>>, vector<1x16xf32>,
        %get3A_300 = vector.shape_cast %get3A_299 : vector<1x16xf32> to vector<16xf32>
        %slice3A_301 = vector.extract_strided_slice %exp3A {offsets = [7], sizes = [1], strides = [1]} : vector<16xf32> to vector<1xf32>
        %squeeze3A_302 = vector.extract %slice3A_301[0] : f32 from vector<1xf32>
        %mul3A_303 = vector.broadcast %squeeze3A_302 : f32 to vector<16xf32>
        %mul3A_304 = arith.mulf %get3A_300, %mul3A_303 : vector<16xf32>
        %swap3A_305 = arith.index_cast %add3A_192 : i32 to index
        %swap3A_306 = arith.constant 112 : index
        %swap3A_307 = tpu.vector_load %arg14[%swap3A_305, %swap3A_306] {strides = array<i32>} : memref<80x144xf32, #tpu.memory_space<vmem>>, vector<1x16xf32>,
        %swap3A_308 = vector.shape_cast %swap3A_307 : vector<1x16xf32> to vector<16xf32>
        %swap3A_309 = vector.shape_cast %mul3A_304 : vector<16xf32> to vector<1x16xf32>
        tpu.vector_store %arg14[%swap3A_305, %swap3A_306], %swap3A_309 {strides = array<i32>} : memref<80x144xf32, #tpu.memory_space<vmem>>, vector<1x16xf32>,
      }
      %scan3A_120 = arith.constant 80 : i32
      %dma_start3A_121 = arith.constant 0 : i32
      %dma_start3A_122 = arith.constant 0 : i32
      %dma_start3A_123 = tpu.memref_slice %arg20[%dma_start3A_121, %dma_start3A_122] : memref<10112x144xf32, #tpu.memory_space<vmem_shared>> -> memref<10112x144xf32, #tpu.memory_space<vmem_shared>>
      tpu.enqueue_indirect_dma source(%arg14 : memref<80x144xf32, #tpu.memory_space<vmem>>) target(%dma_start3A_123 : memref<10112x144xf32, #tpu.memory_space<vmem_shared>>) offsets(%arg13 : memref<80xi32, #tpu.memory_space<vmem>>) semaphore(%arg25 : memref<!tpu.dma_semaphore, #tpu.memory_space<semaphore_mem>>) {add = true}
      %dma_wait3A_124 = arith.constant 0 : i32
      %dma_wait3A_125 = arith.constant 0 : i32
      %dma_wait3A_126 = tpu.memref_slice %arg20[%dma_wait3A_124, %dma_wait3A_125] : memref<10112x144xf32, #tpu.memory_space<vmem_shared>> -> memref<10112x144xf32, #tpu.memory_space<vmem_shared>>
      tpu.wait_indirect_dma semaphore(%arg24 : memref<!tpu.dma_semaphore, #tpu.memory_space<semaphore_mem>>) src(%arg10 : memref<80x144xf32, #tpu.memory_space<vmem>>) dst(%dma_wait3A_126 : memref<10112x144xf32, #tpu.memory_space<vmem_shared>>)
      %add3A_127 = arith.constant 3 : i32
      %add3A_128 = arith.addi %mul3A_71, %add3A_127 : i32
      %mul3A_129 = arith.constant 80 : i32
      %mul3A_130 = arith.muli %add3A_128, %mul3A_129 : i32
      %add3A_131 = arith.addi %mul3A_6, %mul3A_130 : i32
      %dma_start3A_132 = tpu.memref_slice %arg4[%add3A_131] : memref<322800xi32, #tpu.memory_space<hbm>> -> memref<80xi32, #tpu.memory_space<hbm>>
      %dma_start3A_133 = tpu.memref_slice %arg4[%add3A_131] : memref<322800xi32, #tpu.memory_space<hbm>> -> memref<80xi32, #tpu.memory_space<hbm>>
      tpu.enqueue_dma source(%dma_start3A_133 : memref<80xi32, #tpu.memory_space<hbm>>) target(%arg8 : memref<80xi32, #tpu.memory_space<vmem>>) target_semaphore(%arg21 : memref<!tpu.dma_semaphore, #tpu.memory_space<semaphore_mem>>)
      %mul3A_134 = arith.constant 80 : i32
      %mul3A_135 = arith.muli %add3A_128, %mul3A_134 : i32
      %add3A_136 = arith.addi %mul3A_6, %mul3A_135 : i32
      %dma_start3A_137 = tpu.memref_slice %arg5[%add3A_136] : memref<322800xi32, #tpu.memory_space<hbm>> -> memref<80xi32, #tpu.memory_space<hbm>>
      %dma_start3A_138 = tpu.memref_slice %arg5[%add3A_136] : memref<322800xi32, #tpu.memory_space<hbm>> -> memref<80xi32, #tpu.memory_space<hbm>>
      tpu.enqueue_dma source(%dma_start3A_138 : memref<80xi32, #tpu.memory_space<hbm>>) target(%arg9 : memref<80xi32, #tpu.memory_space<vmem>>) target_semaphore(%arg21 : memref<!tpu.dma_semaphore, #tpu.memory_space<semaphore_mem>>)
      %dma_wait3A_139 = tpu.memref_slice %arg4[%add3A_131] : memref<322800xi32, #tpu.memory_space<hbm>> -> memref<80xi32, #tpu.memory_space<hbm>>
      %dma_wait3A_140 = tpu.memref_slice %arg4[%add3A_131] : memref<322800xi32, #tpu.memory_space<hbm>> -> memref<80xi32, #tpu.memory_space<hbm>>
      tpu.wait_dma2 semaphore(%arg21 : memref<!tpu.dma_semaphore, #tpu.memory_space<semaphore_mem>>) src(%dma_wait3A_140 : memref<80xi32, #tpu.memory_space<hbm>>) dst(%arg8 : memref<80xi32, #tpu.memory_space<vmem>>)
      %dma_wait3A_141 = tpu.memref_slice %arg5[%add3A_136] : memref<322800xi32, #tpu.memory_space<hbm>> -> memref<80xi32, #tpu.memory_space<hbm>>
      %dma_wait3A_142 = tpu.memref_slice %arg5[%add3A_136] : memref<322800xi32, #tpu.memory_space<hbm>> -> memref<80xi32, #tpu.memory_space<hbm>>
      tpu.wait_dma2 semaphore(%arg21 : memref<!tpu.dma_semaphore, #tpu.memory_space<semaphore_mem>>) src(%dma_wait3A_142 : memref<80xi32, #tpu.memory_space<hbm>>) dst(%arg9 : memref<80xi32, #tpu.memory_space<vmem>>)
      %dma_start3A_143 = arith.constant 0 : i32
      %dma_start3A_144 = arith.constant 0 : i32
      %dma_start3A_145 = tpu.memref_slice %arg2[%dma_start3A_143, %dma_start3A_144] : memref<10000x144xf32, #tpu.memory_space<hbm>> -> memref<10000x144xf32, #tpu.memory_space<hbm>>
      tpu.enqueue_indirect_dma source(%dma_start3A_145 : memref<10000x144xf32, #tpu.memory_space<hbm>>) target(%arg10 : memref<80x144xf32, #tpu.memory_space<vmem>>) offsets(%arg8 : memref<80xi32, #tpu.memory_space<vmem>>) semaphore(%arg21 : memref<!tpu.dma_semaphore, #tpu.memory_space<semaphore_mem>>)
      %dma_start3A_146 = arith.constant 0 : i32
      %dma_start3A_147 = arith.constant 0 : i32
      %dma_start3A_148 = tpu.memref_slice %arg3[%dma_start3A_146, %dma_start3A_147] : memref<10112x16xf32, #tpu.memory_space<hbm>> -> memref<10112x16xf32, #tpu.memory_space<hbm>>
      tpu.enqueue_indirect_dma source(%dma_start3A_148 : memref<10112x16xf32, #tpu.memory_space<hbm>>) target(%arg11 : memref<80x16xf32, #tpu.memory_space<vmem>>) offsets(%arg9 : memref<80xi32, #tpu.memory_space<vmem>>) semaphore(%arg21 : memref<!tpu.dma_semaphore, #tpu.memory_space<semaphore_mem>>)
      %dma_wait3A_149 = arith.constant 0 : i32
      %dma_wait3A_150 = arith.constant 0 : i32
      %dma_wait3A_151 = tpu.memref_slice %arg2[%dma_wait3A_149, %dma_wait3A_150] : memref<10000x144xf32, #tpu.memory_space<hbm>> -> memref<10000x144xf32, #tpu.memory_space<hbm>>
      tpu.wait_indirect_dma semaphore(%arg23 : memref<!tpu.dma_semaphore, #tpu.memory_space<semaphore_mem>>) src(%dma_wait3A_151 : memref<10000x144xf32, #tpu.memory_space<hbm>>) dst(%arg18 : memref<80x144xf32, #tpu.memory_space<vmem>>)
      %dma_wait3A_152 = arith.constant 0 : i32
      %dma_wait3A_153 = arith.constant 0 : i32
      %dma_wait3A_154 = tpu.memref_slice %arg3[%dma_wait3A_152, %dma_wait3A_153] : memref<10112x16xf32, #tpu.memory_space<hbm>> -> memref<10112x16xf32, #tpu.memory_space<hbm>>
      tpu.wait_indirect_dma semaphore(%arg23 : memref<!tpu.dma_semaphore, #tpu.memory_space<semaphore_mem>>) src(%dma_wait3A_154 : memref<10112x16xf32, #tpu.memory_space<hbm>>) dst(%arg19 : memref<80x16xf32, #tpu.memory_space<vmem>>)
      %scan3A_155 = arith.constant 0 : i32
      %scan3A_156 = arith.constant 80 : i32
      %scan3A_157 = arith.addi %scan3A_155, %scan3A_156 : i32
      %scan3A_158 = arith.constant 1 : i32
      scf.for %scan3A_188 = %scan3A_155 to %scan3A_157 step %scan3A_158  : i32 {
        %mul3A_189 = arith.constant 1 : i32
        %mul3A_190 = arith.muli %scan3A_188, %mul3A_189 : i32
        %add3A_191 = arith.constant 0 : i32
        %add3A_192 = arith.addi %add3A_191, %mul3A_190 : i32
        %get3A = arith.index_cast %add3A_192 : i32 to index
        %get3A_193 = arith.constant 128 : index
        %get3A_194 = tpu.vector_load %arg18[%get3A, %get3A_193] {strides = array<i32>} : memref<80x144xf32, #tpu.memory_space<vmem>>, vector<1x16xf32>,
        %get3A_195 = vector.shape_cast %get3A_194 : vector<1x16xf32> to vector<16xf32>
        %get3A_196 = arith.index_cast %add3A_192 : i32 to index
        %get3A_197 = arith.constant 0 : index
        %get3A_198 = tpu.vector_load %arg19[%get3A_196, %get3A_197] {strides = array<i32>} : memref<80x16xf32, #tpu.memory_space<vmem>>, vector<1x16xf32>,
        %get3A_199 = vector.shape_cast %get3A_198 : vector<1x16xf32> to vector<16xf32>
        %add3A_200 = arith.addf %get3A_195, %get3A_199 : vector<16xf32>
        %mul3A_201 = arith.constant 2.000000e-01 : f32
        %mul3A_202 = vector.broadcast %mul3A_201 : f32 to vector<16xf32>
        %mul3A_203 = arith.mulf %mul3A_202, %add3A_200 : vector<16xf32>
        %max3A = arith.maximumf %add3A_200, %mul3A_203 : vector<16xf32>
        %exp3A = math.exp %max3A : vector<16xf32>
        %swap3A = arith.index_cast %add3A_192 : i32 to index
        %swap3A_204 = arith.constant 128 : index
        %swap3A_205 = tpu.vector_load %arg18[%swap3A, %swap3A_204] {strides = array<i32>} : memref<80x144xf32, #tpu.memory_space<vmem>>, vector<1x16xf32>,
        %swap3A_206 = vector.shape_cast %swap3A_205 : vector<1x16xf32> to vector<16xf32>
        %swap3A_207 = vector.shape_cast %exp3A : vector<16xf32> to vector<1x16xf32>
        tpu.vector_store %arg18[%swap3A, %swap3A_204], %swap3A_207 {strides = array<i32>} : memref<80x144xf32, #tpu.memory_space<vmem>>, vector<1x16xf32>,
        %get3A_208 = arith.index_cast %add3A_192 : i32 to index
        %get3A_209 = arith.constant 0 : index
        %get3A_210 = tpu.vector_load %arg18[%get3A_208, %get3A_209] {strides = array<i32>} : memref<80x144xf32, #tpu.memory_space<vmem>>, vector<1x16xf32>,
        %get3A_211 = vector.shape_cast %get3A_210 : vector<1x16xf32> to vector<16xf32>
        %slice3A = vector.extract_strided_slice %exp3A {offsets = [0], sizes = [1], strides = [1]} : vector<16xf32> to vector<1xf32>
        %squeeze3A = vector.extract %slice3A[0] : f32 from vector<1xf32>
        %mul3A_212 = vector.broadcast %squeeze3A : f32 to vector<16xf32>
        %mul3A_213 = arith.mulf %get3A_211, %mul3A_212 : vector<16xf32>
        %swap3A_214 = arith.index_cast %add3A_192 : i32 to index
        %swap3A_215 = arith.constant 0 : index
        %swap3A_216 = tpu.vector_load %arg18[%swap3A_214, %swap3A_215] {strides = array<i32>} : memref<80x144xf32, #tpu.memory_space<vmem>>, vector<1x16xf32>,
        %swap3A_217 = vector.shape_cast %swap3A_216 : vector<1x16xf32> to vector<16xf32>
        %swap3A_218 = vector.shape_cast %mul3A_213 : vector<16xf32> to vector<1x16xf32>
        tpu.vector_store %arg18[%swap3A_214, %swap3A_215], %swap3A_218 {strides = array<i32>} : memref<80x144xf32, #tpu.memory_space<vmem>>, vector<1x16xf32>,
        %get3A_219 = arith.index_cast %add3A_192 : i32 to index
        %get3A_220 = arith.constant 16 : index
        %get3A_221 = tpu.vector_load %arg18[%get3A_219, %get3A_220] {strides = array<i32>} : memref<80x144xf32, #tpu.memory_space<vmem>>, vector<1x16xf32>,
        %get3A_222 = vector.shape_cast %get3A_221 : vector<1x16xf32> to vector<16xf32>
        %slice3A_223 = vector.extract_strided_slice %exp3A {offsets = [1], sizes = [1], strides = [1]} : vector<16xf32> to vector<1xf32>
        %squeeze3A_224 = vector.extract %slice3A_223[0] : f32 from vector<1xf32>
        %mul3A_225 = vector.broadcast %squeeze3A_224 : f32 to vector<16xf32>
        %mul3A_226 = arith.mulf %get3A_222, %mul3A_225 : vector<16xf32>
        %swap3A_227 = arith.index_cast %add3A_192 : i32 to index
        %swap3A_228 = arith.constant 16 : index
        %swap3A_229 = tpu.vector_load %arg18[%swap3A_227, %swap3A_228] {strides = array<i32>} : memref<80x144xf32, #tpu.memory_space<vmem>>, vector<1x16xf32>,
        %swap3A_230 = vector.shape_cast %swap3A_229 : vector<1x16xf32> to vector<16xf32>
        %swap3A_231 = vector.shape_cast %mul3A_226 : vector<16xf32> to vector<1x16xf32>
        tpu.vector_store %arg18[%swap3A_227, %swap3A_228], %swap3A_231 {strides = array<i32>} : memref<80x144xf32, #tpu.memory_space<vmem>>, vector<1x16xf32>,
        %get3A_232 = arith.index_cast %add3A_192 : i32 to index
        %get3A_233 = arith.constant 32 : index
        %get3A_234 = tpu.vector_load %arg18[%get3A_232, %get3A_233] {strides = array<i32>} : memref<80x144xf32, #tpu.memory_space<vmem>>, vector<1x16xf32>,
        %get3A_235 = vector.shape_cast %get3A_234 : vector<1x16xf32> to vector<16xf32>
        %slice3A_236 = vector.extract_strided_slice %exp3A {offsets = [2], sizes = [1], strides = [1]} : vector<16xf32> to vector<1xf32>
        %squeeze3A_237 = vector.extract %slice3A_236[0] : f32 from vector<1xf32>
        %mul3A_238 = vector.broadcast %squeeze3A_237 : f32 to vector<16xf32>
        %mul3A_239 = arith.mulf %get3A_235, %mul3A_238 : vector<16xf32>
        %swap3A_240 = arith.index_cast %add3A_192 : i32 to index
        %swap3A_241 = arith.constant 32 : index
        %swap3A_242 = tpu.vector_load %arg18[%swap3A_240, %swap3A_241] {strides = array<i32>} : memref<80x144xf32, #tpu.memory_space<vmem>>, vector<1x16xf32>,
        %swap3A_243 = vector.shape_cast %swap3A_242 : vector<1x16xf32> to vector<16xf32>
        %swap3A_244 = vector.shape_cast %mul3A_239 : vector<16xf32> to vector<1x16xf32>
        tpu.vector_store %arg18[%swap3A_240, %swap3A_241], %swap3A_244 {strides = array<i32>} : memref<80x144xf32, #tpu.memory_space<vmem>>, vector<1x16xf32>,
        %get3A_245 = arith.index_cast %add3A_192 : i32 to index
        %get3A_246 = arith.constant 48 : index
        %get3A_247 = tpu.vector_load %arg18[%get3A_245, %get3A_246] {strides = array<i32>} : memref<80x144xf32, #tpu.memory_space<vmem>>, vector<1x16xf32>,
        %get3A_248 = vector.shape_cast %get3A_247 : vector<1x16xf32> to vector<16xf32>
        %slice3A_249 = vector.extract_strided_slice %exp3A {offsets = [3], sizes = [1], strides = [1]} : vector<16xf32> to vector<1xf32>
        %squeeze3A_250 = vector.extract %slice3A_249[0] : f32 from vector<1xf32>
        %mul3A_251 = vector.broadcast %squeeze3A_250 : f32 to vector<16xf32>
        %mul3A_252 = arith.mulf %get3A_248, %mul3A_251 : vector<16xf32>
        %swap3A_253 = arith.index_cast %add3A_192 : i32 to index
        %swap3A_254 = arith.constant 48 : index
        %swap3A_255 = tpu.vector_load %arg18[%swap3A_253, %swap3A_254] {strides = array<i32>} : memref<80x144xf32, #tpu.memory_space<vmem>>, vector<1x16xf32>,
        %swap3A_256 = vector.shape_cast %swap3A_255 : vector<1x16xf32> to vector<16xf32>
        %swap3A_257 = vector.shape_cast %mul3A_252 : vector<16xf32> to vector<1x16xf32>
        tpu.vector_store %arg18[%swap3A_253, %swap3A_254], %swap3A_257 {strides = array<i32>} : memref<80x144xf32, #tpu.memory_space<vmem>>, vector<1x16xf32>,
        %get3A_258 = arith.index_cast %add3A_192 : i32 to index
        %get3A_259 = arith.constant 64 : index
        %get3A_260 = tpu.vector_load %arg18[%get3A_258, %get3A_259] {strides = array<i32>} : memref<80x144xf32, #tpu.memory_space<vmem>>, vector<1x16xf32>,
        %get3A_261 = vector.shape_cast %get3A_260 : vector<1x16xf32> to vector<16xf32>
        %slice3A_262 = vector.extract_strided_slice %exp3A {offsets = [4], sizes = [1], strides = [1]} : vector<16xf32> to vector<1xf32>
        %squeeze3A_263 = vector.extract %slice3A_262[0] : f32 from vector<1xf32>
        %mul3A_264 = vector.broadcast %squeeze3A_263 : f32 to vector<16xf32>
        %mul3A_265 = arith.mulf %get3A_261, %mul3A_264 : vector<16xf32>
        %swap3A_266 = arith.index_cast %add3A_192 : i32 to index
        %swap3A_267 = arith.constant 64 : index
        %swap3A_268 = tpu.vector_load %arg18[%swap3A_266, %swap3A_267] {strides = array<i32>} : memref<80x144xf32, #tpu.memory_space<vmem>>, vector<1x16xf32>,
        %swap3A_269 = vector.shape_cast %swap3A_268 : vector<1x16xf32> to vector<16xf32>
        %swap3A_270 = vector.shape_cast %mul3A_265 : vector<16xf32> to vector<1x16xf32>
        tpu.vector_store %arg18[%swap3A_266, %swap3A_267], %swap3A_270 {strides = array<i32>} : memref<80x144xf32, #tpu.memory_space<vmem>>, vector<1x16xf32>,
        %get3A_271 = arith.index_cast %add3A_192 : i32 to index
        %get3A_272 = arith.constant 80 : index
        %get3A_273 = tpu.vector_load %arg18[%get3A_271, %get3A_272] {strides = array<i32>} : memref<80x144xf32, #tpu.memory_space<vmem>>, vector<1x16xf32>,
        %get3A_274 = vector.shape_cast %get3A_273 : vector<1x16xf32> to vector<16xf32>
        %slice3A_275 = vector.extract_strided_slice %exp3A {offsets = [5], sizes = [1], strides = [1]} : vector<16xf32> to vector<1xf32>
        %squeeze3A_276 = vector.extract %slice3A_275[0] : f32 from vector<1xf32>
        %mul3A_277 = vector.broadcast %squeeze3A_276 : f32 to vector<16xf32>
        %mul3A_278 = arith.mulf %get3A_274, %mul3A_277 : vector<16xf32>
        %swap3A_279 = arith.index_cast %add3A_192 : i32 to index
        %swap3A_280 = arith.constant 80 : index
        %swap3A_281 = tpu.vector_load %arg18[%swap3A_279, %swap3A_280] {strides = array<i32>} : memref<80x144xf32, #tpu.memory_space<vmem>>, vector<1x16xf32>,
        %swap3A_282 = vector.shape_cast %swap3A_281 : vector<1x16xf32> to vector<16xf32>
        %swap3A_283 = vector.shape_cast %mul3A_278 : vector<16xf32> to vector<1x16xf32>
        tpu.vector_store %arg18[%swap3A_279, %swap3A_280], %swap3A_283 {strides = array<i32>} : memref<80x144xf32, #tpu.memory_space<vmem>>, vector<1x16xf32>,
        %get3A_284 = arith.index_cast %add3A_192 : i32 to index
        %get3A_285 = arith.constant 96 : index
        %get3A_286 = tpu.vector_load %arg18[%get3A_284, %get3A_285] {strides = array<i32>} : memref<80x144xf32, #tpu.memory_space<vmem>>, vector<1x16xf32>,
        %get3A_287 = vector.shape_cast %get3A_286 : vector<1x16xf32> to vector<16xf32>
        %slice3A_288 = vector.extract_strided_slice %exp3A {offsets = [6], sizes = [1], strides = [1]} : vector<16xf32> to vector<1xf32>
        %squeeze3A_289 = vector.extract %slice3A_288[0] : f32 from vector<1xf32>
        %mul3A_290 = vector.broadcast %squeeze3A_289 : f32 to vector<16xf32>
        %mul3A_291 = arith.mulf %get3A_287, %mul3A_290 : vector<16xf32>
        %swap3A_292 = arith.index_cast %add3A_192 : i32 to index
        %swap3A_293 = arith.constant 96 : index
        %swap3A_294 = tpu.vector_load %arg18[%swap3A_292, %swap3A_293] {strides = array<i32>} : memref<80x144xf32, #tpu.memory_space<vmem>>, vector<1x16xf32>,
        %swap3A_295 = vector.shape_cast %swap3A_294 : vector<1x16xf32> to vector<16xf32>
        %swap3A_296 = vector.shape_cast %mul3A_291 : vector<16xf32> to vector<1x16xf32>
        tpu.vector_store %arg18[%swap3A_292, %swap3A_293], %swap3A_296 {strides = array<i32>} : memref<80x144xf32, #tpu.memory_space<vmem>>, vector<1x16xf32>,
        %get3A_297 = arith.index_cast %add3A_192 : i32 to index
        %get3A_298 = arith.constant 112 : index
        %get3A_299 = tpu.vector_load %arg18[%get3A_297, %get3A_298] {strides = array<i32>} : memref<80x144xf32, #tpu.memory_space<vmem>>, vector<1x16xf32>,
        %get3A_300 = vector.shape_cast %get3A_299 : vector<1x16xf32> to vector<16xf32>
        %slice3A_301 = vector.extract_strided_slice %exp3A {offsets = [7], sizes = [1], strides = [1]} : vector<16xf32> to vector<1xf32>
        %squeeze3A_302 = vector.extract %slice3A_301[0] : f32 from vector<1xf32>
        %mul3A_303 = vector.broadcast %squeeze3A_302 : f32 to vector<16xf32>
        %mul3A_304 = arith.mulf %get3A_300, %mul3A_303 : vector<16xf32>
        %swap3A_305 = arith.index_cast %add3A_192 : i32 to index
        %swap3A_306 = arith.constant 112 : index
        %swap3A_307 = tpu.vector_load %arg18[%swap3A_305, %swap3A_306] {strides = array<i32>} : memref<80x144xf32, #tpu.memory_space<vmem>>, vector<1x16xf32>,
        %swap3A_308 = vector.shape_cast %swap3A_307 : vector<1x16xf32> to vector<16xf32>
        %swap3A_309 = vector.shape_cast %mul3A_304 : vector<16xf32> to vector<1x16xf32>
        tpu.vector_store %arg18[%swap3A_305, %swap3A_306], %swap3A_309 {strides = array<i32>} : memref<80x144xf32, #tpu.memory_space<vmem>>, vector<1x16xf32>,
      }
      %scan3A_159 = arith.constant 80 : i32
      %dma_start3A_160 = arith.constant 0 : i32
      %dma_start3A_161 = arith.constant 0 : i32
      %dma_start3A_162 = tpu.memref_slice %arg20[%dma_start3A_160, %dma_start3A_161] : memref<10112x144xf32, #tpu.memory_space<vmem_shared>> -> memref<10112x144xf32, #tpu.memory_space<vmem_shared>>
      tpu.enqueue_indirect_dma source(%arg18 : memref<80x144xf32, #tpu.memory_space<vmem>>) target(%dma_start3A_162 : memref<10112x144xf32, #tpu.memory_space<vmem_shared>>) offsets(%arg17 : memref<80xi32, #tpu.memory_space<vmem>>) semaphore(%arg26 : memref<!tpu.dma_semaphore, #tpu.memory_space<semaphore_mem>>) {add = true}
      %dma_wait3A_163 = arith.constant 0 : i32
      %dma_wait3A_164 = arith.constant 0 : i32
      %dma_wait3A_165 = tpu.memref_slice %arg20[%dma_wait3A_163, %dma_wait3A_164] : memref<10112x144xf32, #tpu.memory_space<vmem_shared>> -> memref<10112x144xf32, #tpu.memory_space<vmem_shared>>
      tpu.wait_indirect_dma semaphore(%arg25 : memref<!tpu.dma_semaphore, #tpu.memory_space<semaphore_mem>>) src(%arg14 : memref<80x144xf32, #tpu.memory_space<vmem>>) dst(%dma_wait3A_165 : memref<10112x144xf32, #tpu.memory_space<vmem_shared>>)
      %add3A_166 = arith.constant 4 : i32
      %add3A_167 = arith.addi %mul3A_71, %add3A_166 : i32
      %mul3A_168 = arith.constant 80 : i32
      %mul3A_169 = arith.muli %add3A_167, %mul3A_168 : i32
      %add3A_170 = arith.addi %mul3A_6, %mul3A_169 : i32
      %dma_start3A_171 = tpu.memref_slice %arg4[%add3A_170] : memref<322800xi32, #tpu.memory_space<hbm>> -> memref<80xi32, #tpu.memory_space<hbm>>
      %dma_start3A_172 = tpu.memref_slice %arg4[%add3A_170] : memref<322800xi32, #tpu.memory_space<hbm>> -> memref<80xi32, #tpu.memory_space<hbm>>
      tpu.enqueue_dma source(%dma_start3A_172 : memref<80xi32, #tpu.memory_space<hbm>>) target(%arg12 : memref<80xi32, #tpu.memory_space<vmem>>) target_semaphore(%arg22 : memref<!tpu.dma_semaphore, #tpu.memory_space<semaphore_mem>>)
      %mul3A_173 = arith.constant 80 : i32
      %mul3A_174 = arith.muli %add3A_167, %mul3A_173 : i32
      %add3A_175 = arith.addi %mul3A_6, %mul3A_174 : i32
      %dma_start3A_176 = tpu.memref_slice %arg5[%add3A_175] : memref<322800xi32, #tpu.memory_space<hbm>> -> memref<80xi32, #tpu.memory_space<hbm>>
      %dma_start3A_177 = tpu.memref_slice %arg5[%add3A_175] : memref<322800xi32, #tpu.memory_space<hbm>> -> memref<80xi32, #tpu.memory_space<hbm>>
      tpu.enqueue_dma source(%dma_start3A_177 : memref<80xi32, #tpu.memory_space<hbm>>) target(%arg13 : memref<80xi32, #tpu.memory_space<vmem>>) target_semaphore(%arg22 : memref<!tpu.dma_semaphore, #tpu.memory_space<semaphore_mem>>)
      %dma_wait3A_178 = tpu.memref_slice %arg4[%add3A_170] : memref<322800xi32, #tpu.memory_space<hbm>> -> memref<80xi32, #tpu.memory_space<hbm>>
      %dma_wait3A_179 = tpu.memref_slice %arg4[%add3A_170] : memref<322800xi32, #tpu.memory_space<hbm>> -> memref<80xi32, #tpu.memory_space<hbm>>
      tpu.wait_dma2 semaphore(%arg22 : memref<!tpu.dma_semaphore, #tpu.memory_space<semaphore_mem>>) src(%dma_wait3A_179 : memref<80xi32, #tpu.memory_space<hbm>>) dst(%arg12 : memref<80xi32, #tpu.memory_space<vmem>>)
      %dma_wait3A_180 = tpu.memref_slice %arg5[%add3A_175] : memref<322800xi32, #tpu.memory_space<hbm>> -> memref<80xi32, #tpu.memory_space<hbm>>
      %dma_wait3A_181 = tpu.memref_slice %arg5[%add3A_175] : memref<322800xi32, #tpu.memory_space<hbm>> -> memref<80xi32, #tpu.memory_space<hbm>>
      tpu.wait_dma2 semaphore(%arg22 : memref<!tpu.dma_semaphore, #tpu.memory_space<semaphore_mem>>) src(%dma_wait3A_181 : memref<80xi32, #tpu.memory_space<hbm>>) dst(%arg13 : memref<80xi32, #tpu.memory_space<vmem>>)
      %dma_start3A_182 = arith.constant 0 : i32
      %dma_start3A_183 = arith.constant 0 : i32
      %dma_start3A_184 = tpu.memref_slice %arg2[%dma_start3A_182, %dma_start3A_183] : memref<10000x144xf32, #tpu.memory_space<hbm>> -> memref<10000x144xf32, #tpu.memory_space<hbm>>
      tpu.enqueue_indirect_dma source(%dma_start3A_184 : memref<10000x144xf32, #tpu.memory_space<hbm>>) target(%arg14 : memref<80x144xf32, #tpu.memory_space<vmem>>) offsets(%arg12 : memref<80xi32, #tpu.memory_space<vmem>>) semaphore(%arg22 : memref<!tpu.dma_semaphore, #tpu.memory_space<semaphore_mem>>)
      %dma_start3A_185 = arith.constant 0 : i32
      %dma_start3A_186 = arith.constant 0 : i32
      %dma_start3A_187 = tpu.memref_slice %arg3[%dma_start3A_185, %dma_start3A_186] : memref<10112x16xf32, #tpu.memory_space<hbm>> -> memref<10112x16xf32, #tpu.memory_space<hbm>>
      tpu.enqueue_indirect_dma source(%dma_start3A_187 : memref<10112x16xf32, #tpu.memory_space<hbm>>) target(%arg15 : memref<80x16xf32, #tpu.memory_space<vmem>>) offsets(%arg13 : memref<80xi32, #tpu.memory_space<vmem>>) semaphore(%arg22 : memref<!tpu.dma_semaphore, #tpu.memory_space<semaphore_mem>>)
    }
    %scan3A_44 = arith.constant 42 : i32
    %dma_wait3A_45 = arith.constant 0 : i32
    %dma_wait3A_46 = arith.constant 0 : i32
    %dma_wait3A_47 = tpu.memref_slice %arg20[%dma_wait3A_45, %dma_wait3A_46] : memref<10112x144xf32, #tpu.memory_space<vmem_shared>> -> memref<10112x144xf32, #tpu.memory_space<vmem_shared>>
    tpu.wait_indirect_dma semaphore(%arg26 : memref<!tpu.dma_semaphore, #tpu.memory_space<semaphore_mem>>) src(%arg18 : memref<80x144xf32, #tpu.memory_space<vmem>>) dst(%dma_wait3A_47 : memref<10112x144xf32, #tpu.memory_space<vmem_shared>>)
    %dma_wait3A_48 = arith.constant 0 : i32
    %dma_wait3A_49 = arith.constant 0 : i32
    %dma_wait3A_50 = tpu.memref_slice %arg2[%dma_wait3A_48, %dma_wait3A_49] : memref<10000x144xf32, #tpu.memory_space<hbm>> -> memref<10000x144xf32, #tpu.memory_space<hbm>>
    tpu.wait_indirect_dma semaphore(%arg21 : memref<!tpu.dma_semaphore, #tpu.memory_space<semaphore_mem>>) src(%dma_wait3A_50 : memref<10000x144xf32, #tpu.memory_space<hbm>>) dst(%arg10 : memref<80x144xf32, #tpu.memory_space<vmem>>)
    %dma_wait3A_51 = arith.constant 0 : i32
    %dma_wait3A_52 = arith.constant 0 : i32
    %dma_wait3A_53 = tpu.memref_slice %arg3[%dma_wait3A_51, %dma_wait3A_52] : memref<10112x16xf32, #tpu.memory_space<hbm>> -> memref<10112x16xf32, #tpu.memory_space<hbm>>
    tpu.wait_indirect_dma semaphore(%arg21 : memref<!tpu.dma_semaphore, #tpu.memory_space<semaphore_mem>>) src(%dma_wait3A_53 : memref<10112x16xf32, #tpu.memory_space<hbm>>) dst(%arg11 : memref<80x16xf32, #tpu.memory_space<vmem>>)
    %dma_wait3A_54 = arith.constant 0 : i32
    %dma_wait3A_55 = arith.constant 0 : i32
    %dma_wait3A_56 = tpu.memref_slice %arg2[%dma_wait3A_54, %dma_wait3A_55] : memref<10000x144xf32, #tpu.memory_space<hbm>> -> memref<10000x144xf32, #tpu.memory_space<hbm>>
    tpu.wait_indirect_dma semaphore(%arg22 : memref<!tpu.dma_semaphore, #tpu.memory_space<semaphore_mem>>) src(%dma_wait3A_56 : memref<10000x144xf32, #tpu.memory_space<hbm>>) dst(%arg14 : memref<80x144xf32, #tpu.memory_space<vmem>>)
    %dma_wait3A_57 = arith.constant 0 : i32
    %dma_wait3A_58 = arith.constant 0 : i32
    %dma_wait3A_59 = tpu.memref_slice %arg3[%dma_wait3A_57, %dma_wait3A_58] : memref<10112x16xf32, #tpu.memory_space<hbm>> -> memref<10112x16xf32, #tpu.memory_space<hbm>>
    tpu.wait_indirect_dma semaphore(%arg22 : memref<!tpu.dma_semaphore, #tpu.memory_space<semaphore_mem>>) src(%dma_wait3A_59 : memref<10112x16xf32, #tpu.memory_space<hbm>>) dst(%arg15 : memref<80x16xf32, #tpu.memory_space<vmem>>)
    %barrier3A_60 = arith.constant 0 : index
    tpu.barrier barrier_id(%barrier3A_60)
    %mul3A_61 = arith.constant 632 : i32
    %mul3A_62 = arith.muli %arg1, %mul3A_61 : i32
    %mul3A_63 = arith.constant 632 : i32
    %mul3A_64 = arith.muli %arg1, %mul3A_63 : i32
    "tpu.region"() ({
      %run_scoped3A = tpu.sem_alloc : memref<!tpu.dma_semaphore, #tpu.memory_space<semaphore_mem>>
      %dma_start3A_65 = arith.constant 0 : i32
      %dma_start3A_66 = arith.constant 0 : i32
      %dma_start3A_67 = tpu.memref_slice %arg7[%arg0, %dma_start3A_65, %dma_start3A_66] : memref<2x10112x144xf32, #tpu.memory_space<hbm>> -> memref<1x10112x144xf32, #tpu.memory_space<hbm>>
      %dma_start3A_68 = tpu.memref_squeeze %dma_start3A_67 : memref<1x10112x144xf32, #tpu.memory_space<hbm>> -> memref<10112x144xf32, #tpu.memory_space<hbm>>
      %dma_start3A_69 = arith.constant 0 : i32
      %dma_start3A_70 = tpu.memref_slice %dma_start3A_68[%mul3A_64, %dma_start3A_69] : memref<10112x144xf32, #tpu.memory_space<hbm>> -> memref<632x144xf32, #tpu.memory_space<hbm>>
      %dma_start3A_71 = arith.constant 0 : i32
      %dma_start3A_72 = tpu.memref_slice %arg20[%mul3A_62, %dma_start3A_71] : memref<10112x144xf32, #tpu.memory_space<vmem_shared>> -> memref<632x144xf32, #tpu.memory_space<vmem_shared>>
      tpu.enqueue_dma source(%dma_start3A_72 : memref<632x144xf32, #tpu.memory_space<vmem_shared>>) target(%dma_start3A_70 : memref<632x144xf32, #tpu.memory_space<hbm>>) target_semaphore(%run_scoped3A : memref<!tpu.dma_semaphore, #tpu.memory_space<semaphore_mem>>)
      %dma_wait3A_73 = arith.constant 0 : i32
      %dma_wait3A_74 = arith.constant 0 : i32
      %dma_wait3A_75 = tpu.memref_slice %arg7[%arg0, %dma_wait3A_73, %dma_wait3A_74] : memref<2x10112x144xf32, #tpu.memory_space<hbm>> -> memref<1x10112x144xf32, #tpu.memory_space<hbm>>
      %dma_wait3A_76 = tpu.memref_squeeze %dma_wait3A_75 : memref<1x10112x144xf32, #tpu.memory_space<hbm>> -> memref<10112x144xf32, #tpu.memory_space<hbm>>
      %dma_wait3A_77 = arith.constant 0 : i32
      %dma_wait3A_78 = tpu.memref_slice %dma_wait3A_76[%mul3A_64, %dma_wait3A_77] : memref<10112x144xf32, #tpu.memory_space<hbm>> -> memref<632x144xf32, #tpu.memory_space<hbm>>
      %dma_wait3A_79 = arith.constant 0 : i32
      %dma_wait3A_80 = tpu.memref_slice %arg20[%mul3A_62, %dma_wait3A_79] : memref<10112x144xf32, #tpu.memory_space<vmem_shared>> -> memref<632x144xf32, #tpu.memory_space<vmem_shared>>
      tpu.wait_dma2 semaphore(%run_scoped3A : memref<!tpu.dma_semaphore, #tpu.memory_space<semaphore_mem>>) src(%dma_wait3A_80 : memref<632x144xf32, #tpu.memory_space<vmem_shared>>) dst(%dma_wait3A_78 : memref<632x144xf32, #tpu.memory_space<hbm>>)
      tpu.yield
    }) : () -> ()
    return
  }
}

module attributes {stable_mosaic.version = 14 : i64} {
  func.func @_proj_kernel(%arg0: i32, %arg1: memref<1000x128xf32, #tpu.memory_space<vmem>>, %arg2: memref<128x160xf32, #tpu.memory_space<vmem>>, %arg3: memref<1000x144xf32, #tpu.memory_space<vmem>>, %arg4: memref<1000x16xf32, #tpu.memory_space<vmem>>) attributes {dimension_semantics = [#tpu.dimension_semantics<arbitrary>], iteration_bounds = array<i64: 10>, scalar_prefetch = 0 : i64, scratch_operands = 0 : i64, tpu.core_type = #tpu.core_type<tc>, window_params = [{transform_indices = @transform_0, window_bounds = array<i64: 1000, 128>}, {pipeline_mode = #tpu.pipeline_mode<synchronous>, transform_indices = @transform_1, window_bounds = array<i64: 128, 160>}, {transform_indices = @transform_2, window_bounds = array<i64: 1000, 144>}, {transform_indices = @transform_3, window_bounds = array<i64: 1000, 16>}]} {
    %get3A = arith.constant 0 : index
    %get3A_0 = arith.constant 0 : index
    %get3A_1 = vector.load %arg1[%get3A, %get3A_0] : memref<1000x128xf32, #tpu.memory_space<vmem>>, vector<1000x128xf32>
    %get3A_2 = arith.constant 0 : index
    %get3A_3 = arith.constant 0 : index
    %get3A_4 = vector.load %arg2[%get3A_2, %get3A_3] : memref<128x160xf32, #tpu.memory_space<vmem>>, vector<128x160xf32>
    %dot_general3A = arith.constant dense<0.000000e+00> : vector<1000x160xf32>
    %dot_general3A_5 = tpu.matmul %get3A_1, %get3A_4, %dot_general3A {dimension_numbers = #tpu.dot_dimension_numbers<[1], [0], [0], [1], [0, 0, 1, 1], [], []>, transpose_lhs_hint = false} : vector<1000x128xf32>, vector<128x160xf32>, vector<1000x160xf32> -> vector<1000x160xf32>
    %slice3A = vector.extract_strided_slice %dot_general3A_5 {offsets = [0, 0], sizes = [1000, 144], strides = [1, 1]} : vector<1000x160xf32> to vector<1000x144xf32>
    %swap3A = arith.constant 0 : index
    %swap3A_6 = arith.constant 0 : index
    %swap3A_7 = vector.load %arg3[%swap3A, %swap3A_6] : memref<1000x144xf32, #tpu.memory_space<vmem>>, vector<1000x144xf32>
    tpu.vector_store %arg3[%swap3A, %swap3A_6], %slice3A {strides = array<i32>} : memref<1000x144xf32, #tpu.memory_space<vmem>>, vector<1000x144xf32>,
    %slice3A_8 = vector.extract_strided_slice %dot_general3A_5 {offsets = [0, 144], sizes = [1000, 16], strides = [1, 1]} : vector<1000x160xf32> to vector<1000x16xf32>
    %swap3A_9 = arith.constant 0 : index
    %swap3A_10 = arith.constant 0 : index
    %swap3A_11 = vector.load %arg4[%swap3A_9, %swap3A_10] : memref<1000x16xf32, #tpu.memory_space<vmem>>, vector<1000x16xf32>
    tpu.vector_store %arg4[%swap3A_9, %swap3A_10], %slice3A_8 {strides = array<i32>} : memref<1000x16xf32, #tpu.memory_space<vmem>>, vector<1000x16xf32>,
    return
  }
  func.func @transform_0(%arg0: i32) -> (i32, i32) {
    %c0_i32 = arith.constant 0 : i32
    %c0_i32_0 = arith.constant 0 : i32
    return %arg0, %c0_i32 : i32, i32
  }
  func.func @transform_1(%arg0: i32) -> (i32, i32) {
    %c0_i32 = arith.constant 0 : i32
    %c0_i32_0 = arith.constant 0 : i32
    %c0_i32_1 = arith.constant 0 : i32
    return %c0_i32, %c0_i32_0 : i32, i32
  }
  func.func @transform_2(%arg0: i32) -> (i32, i32) {
    %c0_i32 = arith.constant 0 : i32
    %c0_i32_0 = arith.constant 0 : i32
    return %arg0, %c0_i32 : i32, i32
  }
  func.func @transform_3(%arg0: i32) -> (i32, i32) {
    %c0_i32 = arith.constant 0 : i32
    %c0_i32_0 = arith.constant 0 : i32
    return %arg0, %c0_i32 : i32, i32
  }
}

module attributes {stable_mosaic.version = 14 : i64} {
  func.func @_fin1_kernel(%arg0: i32, %arg1: memref<2x1000x144xf32, #tpu.memory_space<vmem>>, %arg2: memref<16x128xf32, #tpu.memory_space<vmem>>, %arg3: memref<1x128xf32, #tpu.memory_space<vmem>>, %arg4: memref<128x16xf32, #tpu.memory_space<vmem>>, %arg5: memref<128x16xf32, #tpu.memory_space<vmem>>, %arg6: memref<1000x16xf32, #tpu.memory_space<vmem>>, %arg7: memref<1000x16xf32, #tpu.memory_space<vmem>>) attributes {dimension_semantics = [#tpu.dimension_semantics<arbitrary>], iteration_bounds = array<i64: 10>, scalar_prefetch = 0 : i64, scratch_operands = 0 : i64, tpu.core_type = #tpu.core_type<tc>, window_params = [{transform_indices = @transform_0, window_bounds = array<i64: 2, 1000, 144>}, {pipeline_mode = #tpu.pipeline_mode<synchronous>, transform_indices = @transform_1, window_bounds = array<i64: 16, 128>}, {pipeline_mode = #tpu.pipeline_mode<synchronous>, transform_indices = @transform_2, window_bounds = array<i64: 1, 128>}, {pipeline_mode = #tpu.pipeline_mode<synchronous>, transform_indices = @transform_3, window_bounds = array<i64: 128, 16>}, {pipeline_mode = #tpu.pipeline_mode<synchronous>, transform_indices = @transform_4, window_bounds = array<i64: 128, 16>}, {transform_indices = @transform_5, window_bounds = array<i64: 1000, 16>}, {transform_indices = @transform_6, window_bounds = array<i64: 1000, 16>}]} {
    %get3A = arith.constant 0 : index
    %get3A_0 = arith.constant 0 : index
    %get3A_1 = arith.constant 0 : index
    %get3A_2 = vector.load %arg1[%get3A, %get3A_0, %get3A_1] : memref<2x1000x144xf32, #tpu.memory_space<vmem>>, vector<1x1000x144xf32>
    %get3A_3 = vector.shape_cast %get3A_2 : vector<1x1000x144xf32> to vector<1000x144xf32>
    %get3A_4 = arith.constant 1 : index
    %get3A_5 = arith.constant 0 : index
    %get3A_6 = arith.constant 0 : index
    %get3A_7 = vector.load %arg1[%get3A_4, %get3A_5, %get3A_6] : memref<2x1000x144xf32, #tpu.memory_space<vmem>>, vector<1x1000x144xf32>
    %get3A_8 = vector.shape_cast %get3A_7 : vector<1x1000x144xf32> to vector<1000x144xf32>
    %add3A = arith.addf %get3A_3, %get3A_8 : vector<1000x144xf32>
    %slice3A = vector.extract_strided_slice %add3A {offsets = [0, 0], sizes = [1000, 128], strides = [1, 1]} : vector<1000x144xf32> to vector<1000x128xf32>
    %slice3A_9 = vector.extract_strided_slice %add3A {offsets = [0, 128], sizes = [1000, 16], strides = [1, 1]} : vector<1000x144xf32> to vector<1000x16xf32>
    %get3A_10 = arith.constant 0 : index
    %get3A_11 = arith.constant 0 : index
    %get3A_12 = vector.load %arg2[%get3A_10, %get3A_11] : memref<16x128xf32, #tpu.memory_space<vmem>>, vector<16x128xf32>
    %dot_general3A = arith.constant dense<0.000000e+00> : vector<1000x128xf32>
    %dot_general3A_13 = tpu.matmul %slice3A_9, %get3A_12, %dot_general3A {dimension_numbers = #tpu.dot_dimension_numbers<[1], [0], [0], [1], [0, 0, 1, 1], [], []>, transpose_lhs_hint = false} : vector<1000x16xf32>, vector<16x128xf32>, vector<1000x128xf32> -> vector<1000x128xf32>
    %add3A_14 = arith.constant 9.99999971E-10 : f32
    %add3A_15 = vector.broadcast %add3A_14 : f32 to vector<1000x128xf32>
    %add3A_16 = arith.addf %dot_general3A_13, %add3A_15 : vector<1000x128xf32>
    %div3A = arith.divf %slice3A, %add3A_16 : vector<1000x128xf32>
    %get3A_17 = arith.constant 0 : index
    %get3A_18 = arith.constant 0 : index
    %get3A_19 = vector.load %arg3[%get3A_17, %get3A_18] : memref<1x128xf32, #tpu.memory_space<vmem>>, vector<1x128xf32>
    %add3A_20 = vector.broadcast %get3A_19 : vector<1x128xf32> to vector<1000x128xf32>
    %add3A_21 = arith.addf %div3A, %add3A_20 : vector<1000x128xf32>
    %gt3A = arith.constant 0.000000e+00 : f32
    %gt3A_22 = vector.broadcast %gt3A : f32 to vector<1000x128xf32>
    %gt3A_23 = arith.cmpf ogt, %add3A_21, %gt3A_22 : vector<1000x128xf32>
    %exp3A = math.exp %add3A_21 : vector<1000x128xf32>
    %sub3A = arith.constant 1.000000e+00 : f32
    %sub3A_24 = vector.broadcast %sub3A : f32 to vector<1000x128xf32>
    %sub3A_25 = arith.subf %exp3A, %sub3A_24 : vector<1000x128xf32>
    %select_n3A = arith.select %gt3A_23, %add3A_21, %sub3A_25 : vector<1000x128xi1>, vector<1000x128xf32>
    %get3A_26 = arith.constant 0 : index
    %get3A_27 = arith.constant 0 : index
    %get3A_28 = vector.load %arg4[%get3A_26, %get3A_27] : memref<128x16xf32, #tpu.memory_space<vmem>>, vector<128x16xf32>
    %dot_general3A_29 = arith.constant dense<0.000000e+00> : vector<1000x16xf32>
    %dot_general3A_30 = tpu.matmul %select_n3A, %get3A_28, %dot_general3A_29 {dimension_numbers = #tpu.dot_dimension_numbers<[1], [0], [0], [1], [0, 0, 1, 1], [], []>, transpose_lhs_hint = false} : vector<1000x128xf32>, vector<128x16xf32>, vector<1000x16xf32> -> vector<1000x16xf32>
    %swap3A = arith.constant 0 : index
    %swap3A_31 = arith.constant 0 : index
    %swap3A_32 = vector.load %arg6[%swap3A, %swap3A_31] : memref<1000x16xf32, #tpu.memory_space<vmem>>, vector<1000x16xf32>
    tpu.vector_store %arg6[%swap3A, %swap3A_31], %dot_general3A_30 {strides = array<i32>} : memref<1000x16xf32, #tpu.memory_space<vmem>>, vector<1000x16xf32>,
    %get3A_33 = arith.constant 0 : index
    %get3A_34 = arith.constant 0 : index
    %get3A_35 = vector.load %arg5[%get3A_33, %get3A_34] : memref<128x16xf32, #tpu.memory_space<vmem>>, vector<128x16xf32>
    %dot_general3A_36 = arith.constant dense<0.000000e+00> : vector<1000x16xf32>
    %dot_general3A_37 = tpu.matmul %select_n3A, %get3A_35, %dot_general3A_36 {dimension_numbers = #tpu.dot_dimension_numbers<[1], [0], [0], [1], [0, 0, 1, 1], [], []>, transpose_lhs_hint = false} : vector<1000x128xf32>, vector<128x16xf32>, vector<1000x16xf32> -> vector<1000x16xf32>
    %swap3A_38 = arith.constant 0 : index
    %swap3A_39 = arith.constant 0 : index
    %swap3A_40 = vector.load %arg7[%swap3A_38, %swap3A_39] : memref<1000x16xf32, #tpu.memory_space<vmem>>, vector<1000x16xf32>
    tpu.vector_store %arg7[%swap3A_38, %swap3A_39], %dot_general3A_37 {strides = array<i32>} : memref<1000x16xf32, #tpu.memory_space<vmem>>, vector<1000x16xf32>,
    return
  }
  func.func @transform_0(%arg0: i32) -> (i32, i32, i32) {
    %c0_i32 = arith.constant 0 : i32
    %c0_i32_0 = arith.constant 0 : i32
    %c0_i32_1 = arith.constant 0 : i32
    return %c0_i32, %arg0, %c0_i32_0 : i32, i32, i32
  }
  func.func @transform_1(%arg0: i32) -> (i32, i32) {
    %c0_i32 = arith.constant 0 : i32
    %c0_i32_0 = arith.constant 0 : i32
    %c0_i32_1 = arith.constant 0 : i32
    return %c0_i32, %c0_i32_0 : i32, i32
  }
  func.func @transform_2(%arg0: i32) -> (i32, i32) {
    %c0_i32 = arith.constant 0 : i32
    %c0_i32_0 = arith.constant 0 : i32
    %c0_i32_1 = arith.constant 0 : i32
    return %c0_i32, %c0_i32_0 : i32, i32
  }
  func.func @transform_3(%arg0: i32) -> (i32, i32) {
    %c0_i32 = arith.constant 0 : i32
    %c0_i32_0 = arith.constant 0 : i32
    %c0_i32_1 = arith.constant 0 : i32
    return %c0_i32, %c0_i32_0 : i32, i32
  }
  func.func @transform_4(%arg0: i32) -> (i32, i32) {
    %c0_i32 = arith.constant 0 : i32
    %c0_i32_0 = arith.constant 0 : i32
    %c0_i32_1 = arith.constant 0 : i32
    return %c0_i32, %c0_i32_0 : i32, i32
  }
  func.func @transform_5(%arg0: i32) -> (i32, i32) {
    %c0_i32 = arith.constant 0 : i32
    %c0_i32_0 = arith.constant 0 : i32
    return %arg0, %c0_i32 : i32, i32
  }
  func.func @transform_6(%arg0: i32) -> (i32, i32) {
    %c0_i32 = arith.constant 0 : i32
    %c0_i32_0 = arith.constant 0 : i32
    return %arg0, %c0_i32 : i32, i32
  }
}

module attributes {stable_mosaic.version = 14 : i64} {
  func.func @_fin2_kernel(%arg0: i32, %arg1: memref<2x1000x16xf32, #tpu.memory_space<vmem>>, %arg2: memref<1000x16xf32, #tpu.memory_space<vmem>>, %arg3: memref<1x1xf32, #tpu.memory_space<vmem>>, %arg4: memref<1000x1xf32, #tpu.memory_space<vmem>>) attributes {dimension_semantics = [#tpu.dimension_semantics<arbitrary>], iteration_bounds = array<i64: 10>, scalar_prefetch = 0 : i64, scratch_operands = 0 : i64, tpu.core_type = #tpu.core_type<tc>, window_params = [{transform_indices = @transform_0, window_bounds = array<i64: 2, 1000, 16>}, {transform_indices = @transform_1, window_bounds = array<i64: 1000, 16>}, {pipeline_mode = #tpu.pipeline_mode<synchronous>, transform_indices = @transform_2, window_bounds = array<i64: 1, 1>}, {transform_indices = @transform_3, window_bounds = array<i64: 1000, 1>}]} {
    %get3A = arith.constant 0 : index
    %get3A_0 = arith.constant 0 : index
    %get3A_1 = arith.constant 0 : index
    %get3A_2 = vector.load %arg1[%get3A, %get3A_0, %get3A_1] : memref<2x1000x16xf32, #tpu.memory_space<vmem>>, vector<1x1000x16xf32>
    %get3A_3 = vector.shape_cast %get3A_2 : vector<1x1000x16xf32> to vector<1000x16xf32>
    %get3A_4 = arith.constant 1 : index
    %get3A_5 = arith.constant 0 : index
    %get3A_6 = arith.constant 0 : index
    %get3A_7 = vector.load %arg1[%get3A_4, %get3A_5, %get3A_6] : memref<2x1000x16xf32, #tpu.memory_space<vmem>>, vector<1x1000x16xf32>
    %get3A_8 = vector.shape_cast %get3A_7 : vector<1x1000x16xf32> to vector<1000x16xf32>
    %add3A = arith.addf %get3A_3, %get3A_8 : vector<1000x16xf32>
    %slice3A = vector.extract_strided_slice %add3A {offsets = [0, 0], sizes = [1000, 1], strides = [1, 1]} : vector<1000x16xf32> to vector<1000x1xf32>
    %slice3A_9 = vector.extract_strided_slice %add3A {offsets = [0, 1], sizes = [1000, 1], strides = [1, 1]} : vector<1000x16xf32> to vector<1000x1xf32>
    %add3A_10 = arith.constant 9.99999971E-10 : f32
    %add3A_11 = vector.broadcast %add3A_10 : f32 to vector<1000x1xf32>
    %add3A_12 = arith.addf %slice3A_9, %add3A_11 : vector<1000x1xf32>
    %div3A = arith.divf %slice3A, %add3A_12 : vector<1000x1xf32>
    %get3A_13 = arith.constant 0 : index
    %get3A_14 = arith.constant 0 : index
    %get3A_15 = vector.load %arg2[%get3A_13, %get3A_14] : memref<1000x16xf32, #tpu.memory_space<vmem>>, vector<1000x1xf32>
    %add3A_16 = arith.addf %div3A, %get3A_15 : vector<1000x1xf32>
    %get3A_17 = arith.constant 0 : index
    %get3A_18 = arith.constant 0 : index
    %get3A_19 = vector.load %arg3[%get3A_17, %get3A_18] : memref<1x1xf32, #tpu.memory_space<vmem>>, vector<1x1xf32>
    %get3A_20 = vector.extract %get3A_19[0, 0] : f32 from vector<1x1xf32>
    %add3A_21 = vector.broadcast %get3A_20 : f32 to vector<1000x1xf32>
    %add3A_22 = arith.addf %add3A_16, %add3A_21 : vector<1000x1xf32>
    %swap3A = arith.constant 0 : index
    %swap3A_23 = arith.constant 0 : index
    %swap3A_24 = vector.load %arg4[%swap3A, %swap3A_23] : memref<1000x1xf32, #tpu.memory_space<vmem>>, vector<1000x1xf32>
    tpu.vector_store %arg4[%swap3A, %swap3A_23], %add3A_22 {strides = array<i32>} : memref<1000x1xf32, #tpu.memory_space<vmem>>, vector<1000x1xf32>,
    return
  }
  func.func @transform_0(%arg0: i32) -> (i32, i32, i32) {
    %c0_i32 = arith.constant 0 : i32
    %c0_i32_0 = arith.constant 0 : i32
    %c0_i32_1 = arith.constant 0 : i32
    return %c0_i32, %arg0, %c0_i32_0 : i32, i32, i32
  }
  func.func @transform_1(%arg0: i32) -> (i32, i32) {
    %c0_i32 = arith.constant 0 : i32
    %c0_i32_0 = arith.constant 0 : i32
    return %arg0, %c0_i32 : i32, i32
  }
  func.func @transform_2(%arg0: i32) -> (i32, i32) {
    %c0_i32 = arith.constant 0 : i32
    %c0_i32_0 = arith.constant 0 : i32
    %c0_i32_1 = arith.constant 0 : i32
    return %c0_i32, %c0_i32_0 : i32, i32
  }
  func.func @transform_3(%arg0: i32) -> (i32, i32) {
    %c0_i32 = arith.constant 0 : i32
    %c0_i32_0 = arith.constant 0 : i32
    return %arg0, %c0_i32 : i32, i32
  }
}

</mosaic_0001>

<sc_bundles>
// kernel: kernel.10.cloned.1.call-start
scs
__scs_entry_jumppad:
0x0: {  	(pc) =	sbr.rel $0x88, $3  }
0x1: {  	(tag) =	ssettag $0x0;
	lr =	simm.s32 $0x1  }
0x2: {  	[smem:$0x3F96] =	sst lr;
	_ =	strace $0xD0000000  }
0x3: {  	_ = 	snop  }
0x4: {  	_ = 	snop  }
0x5: {  	_ = 	snop  }
0x6: {  	_ = 	snop  }
0x7: {  	_ = 	snop  }
__scs_overlays_trampoline_lowered:
0x8: {  	[smem:$0x3FA5] =	sst s0  }
0x9: {  	[smem:$0x3FA6] =	sst s1  }
0xa: {  	[smem:$0x3FA7] =	sst s2  }
0xb: {  	[smem:$0x3FA8] =	sst s3  }
0xc: {  	[smem:$0x3FA9] =	sst s4  }
0xd: {  	[smem:$0x3FAA] =	sst s5  }
0xe: {  	[smem:$0x3FAB] =	sst s6  }
0xf: {  	[smem:$0x3FAC] =	sst s7  }
0x10: {  	[smem:$0x3FAD] =	sst s8  }
0x11: {  	[smem:$0x3FAE] =	sst s9;
	s0 =	simm.s32 @!p0 $0x0  }
0x12: {  	s1 =	sld [smem:$0x3F94];
	s0 =	simm.s32 @p0 $0x1  }
0x13: {  	[smem:$0x3FAF] =	sst s0;
	s0 =	simm.s32 @!p1 $0x0  }
0x14: {  	s2 =	sld [smem:$0x3F93];
	s0 =	simm.s32 @p1 $0x1  }
0x15: {  	[smem:$0x3FB0] =	sst s0;
	s0 =	simm.s32 @!p2 $0x0  }
0x16: {  	s3 =	sld [smem:$0x3FDB];
	s0 =	simm.s32 @p2 $0x1  }
0x17: {  	s4 =	simm.s32 $0x1BF5;
	[smem:$0x3FB2] =	sst s0  }
0x18: {  	s0 =	sld [smem:$0x3F95];
	_ =	swait.ge [sflag:s4], $0x0  }
0x19: {  	s7 =	sld [smem:$0x3F96]  }
0x1a: {  	s8 =	sadd.s32 $0xFFFFE003, lr  }
0x1b: {  	s9 =	sadd.s32 $0xFFFFFEF7, lr;
	s5 =	simm.s32 $0xFFFFFFFF;
	p2 =	slt.u32 s8, $0xFFFFF086  }
0x1c: {  	p1 =	slt.u32 s9, $0xF7A;
	s5 =	simm.s32 @!p2 $0x0  }
0x1d: {  	s5 =	simm.s32 @p1 $0x1;
	p0 =	seq.s32 s7, s2  }
0x1e: {  	s7 =	smul.u32 @!p0 $0xF7A, s2;
	p2 =	seq.s32 @!p0 s5, $0x0  }
0x1f: {  	s9 =	smul.u32 $0xF7A, s1;
	s8 =	simm.s32 @!p0 $0x1BF5;
	p2 =	por !p2, p0  }
0x20: {  	[sflag:s8] =	ssyncset.s32 @!p0 $0xFFFFF086;
	s6 =	sadd.s32 @!p0 s3, s7;
	s7 =	simm.s32 @!p0 $0x108  }
0x21: {  	s3 =	sadd.s32 s3, s9;
	s6 =	sadd.s32 @!p0 $0x88, s6;
	s7 =	simm.s32 @p2 $0x1082  }
0x22: {  	[simem:s7], [sflag:s8] =	dma.local @!p0 [hbm:s6], $0xF7A  }
0x23: {  	s9 =	sor.u32 $0xD0000000, s2;
	s6 =	simm.s32 $0x108;
	_ =	swait.ge @!p0 [sflag:s8], $0x0  }
0x24: {  	s3 =	sadd.s32 $0x88, s3;
	s6 =	simm.s32 @!p1 $0x1082;
	[sflag:s4] =	ssyncset.s32 $0xFFFFF086  }
0x25: {  	[simem:s6], [sflag:s4] =	dma.local [hbm:s3], $0xF7A  }
0x26: {  	[smem:$0x3F96] =	sst s1;
	(tag) =	ssettag s2;
	_ =	strace s9  }
0x27: {  	s1 =	sld [smem:$0x3FA6]  }
0x28: {  	s2 =	sld [smem:$0x3FA7]  }
0x29: {  	s4 =	sld [smem:$0x3FA9]  }
0x2a: {  	p0 =	seq.s32 s5, $0x0;
	s5 =	sld [smem:$0x3FAA]  }
0x2b: {  	s6 =	sld [smem:$0x3FAB]  }
0x2c: {  	s7 =	sld [smem:$0x3FAC]  }
0x2d: {  	s3 =	simm.s32 $0x108;
	s8 =	sld [smem:$0x3FAD]  }
0x2e: {  	s3 =	simm.s32 @!p0 $0x1082;
	s9 =	sld [smem:$0x3FAE]  }
0x2f: {  	lr =	sadd.s32 s0, s3;
	s0 =	sld [smem:$0x3FA5]  }
0x30: {  	s3 =	sld [smem:$0x3FA8]  }
0x31: {  	[smem:$0x3FB1] =	sst s10  }
0x32: {  	s10 =	sld [smem:$0x3FAF];
	_ =	sdelay $0x3  }
0x33: {  	p0 =	seq.s32 s10, $0x1;
	s10 =	sld [smem:$0x3FB1];
	_ =	sdelay $0x3  }
0x34: {  	[smem:$0x3FB1] =	sst s10  }
0x35: {  	s10 =	sld [smem:$0x3FB0];
	_ =	sdelay $0x3  }
0x36: {  	p1 =	seq.s32 s10, $0x1;
	s10 =	sld [smem:$0x3FB1];
	_ =	sdelay $0x3  }
0x37: {  	[smem:$0x3FB1] =	sst s10  }
0x38: {  	s10 =	sld [smem:$0x3FB2]  }
0x39: {  	_ = 	snop;
	(pc) =	sbr.ind lr, $3  }
0x3a: {  	_ = 	snop  }
0x3b: {  	_ = 	snop  }
0x3c: {  	p2 =	seq.s32 s10, $0x1;
	s10 =	sld [smem:$0x3FB1]  }
0x3d: {  	_ =	shalt  }
0x3e: {  	_ =	shalt  }
0x3f: {  	_ =	shalt  }
0x40: {  	_ =	shalt  }
0x41: {  	_ =	shalt  }
0x42: {  	_ =	shalt  }
0x43: {  	_ =	shalt  }
0x44: {  	_ =	shalt  }
0x45: {  	_ =	shalt  }
0x46: {  	_ =	shalt  }
0x47: {  	_ =	shalt  }
0x48: {  	_ =	shalt  }
0x49: {  	_ =	shalt  }
0x4a: {  	_ =	shalt  }
0x4b: {  	_ =	shalt  }
0x4c: {  	_ =	shalt  }
0x4d: {  	_ =	shalt  }
0x4e: {  	_ =	shalt  }
0x4f: {  	_ =	shalt  }
0x50: {  	_ =	shalt  }
0x51: {  	_ =	shalt  }
0x52: {  	_ =	shalt  }
0x53: {  	_ =	shalt  }
0x54: {  	_ =	shalt  }
0x55: {  	_ =	shalt  }
0x56: {  	_ =	shalt  }
0x57: {  	_ =	shalt  }
0x58: {  	_ =	shalt  }
0x59: {  	_ =	shalt  }
0x5a: {  	_ =	shalt  }
0x5b: {  	_ =	shalt  }
0x5c: {  	_ =	shalt  }
0x5d: {  	_ =	shalt  }
0x5e: {  	_ =	shalt  }
0x5f: {  	_ =	shalt  }
0x60: {  	_ =	shalt  }
0x61: {  	_ =	shalt  }
0x62: {  	_ =	shalt  }
0x63: {  	_ =	shalt  }
0x64: {  	_ =	shalt  }
0x65: {  	_ =	shalt  }
0x66: {  	_ =	shalt  }
0x67: {  	_ =	shalt  }
0x68: {  	_ =	shalt  }
0x69: {  	_ =	shalt  }
0x6a: {  	_ =	shalt  }
0x6b: {  	_ =	shalt  }
0x6c: {  	_ =	shalt  }
0x6d: {  	_ =	shalt  }
0x6e: {  	_ =	shalt  }
0x6f: {  	_ =	shalt  }
0x70: {  	_ =	shalt  }
0x71: {  	_ =	shalt  }
0x72: {  	_ =	shalt  }
0x73: {  	_ =	shalt  }
0x74: {  	_ =	shalt  }
0x75: {  	_ =	shalt  }
0x76: {  	_ =	shalt  }
0x77: {  	_ =	shalt  }
0x78: {  	_ =	shalt  }
0x79: {  	_ =	shalt  }
0x7a: {  	_ =	shalt  }
0x7b: {  	_ =	shalt  }
0x7c: {  	_ =	shalt  }
0x7d: {  	_ =	shalt  }
0x7e: {  	_ =	shalt  }
0x7f: {  	_ =	shalt  }
0x80: {  	_ =	shalt  }
0x81: {  	_ =	shalt  }
0x82: {  	_ =	shalt  }
0x83: {  	_ =	shalt  }
0x84: {  	_ =	shalt  }
0x85: {  	_ =	shalt  }
0x86: {  	_ =	shalt  }
0x87: {  	_ =	shalt  }
.Lfunc_end0:
.L_simem_size_0:
called_computation.1_lowered:
.L_overlay_start_0:
0x88: {  	s2 =	sld [smem:$0x3FD9]  }
0x89: {  	s3 =	sld [smem:$0x3FFE];
	_ =	sdelay $0x1  }
0x8a: {  	s1 =	srdreg.scid  }
0x8b: {  	s0 =	sand.u32 $0x1, s1  }
0x8c: {  	s16 =	sshll.u32 s0, $0xA;
	s2 =	sadd.s32 s3, s2  }
0x8d: {  	s2 =	sadd.s32 s2, s16  }
0x8e: {  	[smem:$0x3FBD] =	sst s2  }
0x8f: {  	_ = 	snop  }
0x90: {  	(tm) =	ssettm $0x1  }
0x91: {  	s17 =	sld [smem:$0x3FFB];
	_ =	sdelay $0x3  }
0x92: {  	_ =	strace s17  }
0x93: {  	s2 =	sld [smem:$0x3FFC];
	_ =	sdelay $0x3  }
0x94: {  	_ =	strace s2  }
0x95: {  	s2 =	sld [smem:$0x3FFD];
	_ =	sdelay $0x3  }
0x96: {  	_ =	strace s2  }
0x97: {  	_ =	strace $0x8FFFFFFF  }
0x98: {  	s18 =	sld [smem:$0x3FDB];
	_ =	sdelay $0x1  }
0x99: {  	s19 =	simm.s32 $_scs_section_size  }
0x9a: {  	s4 =	simm.s32 $_size__tile_overlayer_lowered;
	s5 =	simm.s32 $_tile_overlayer_lowered  }
0x9b: {  	s22 =	simm.s32 $0x1BFF;
	s21 =	sshll.u32 s5, $0x1;
	s2 =	sadd.s32 s19, s18  }
0x9c: {  	s6 =	simm.s32 $0x0;
	s20 =	sshll.u32 s4, $0x1;
	s4 =	sadd.s32 s21, s2  }
0x9d: {  	[timem:s6], [sflag:s22] =	dma.local [hbm:s4], s20  }
0x9e: {  	_ =	swait.ge [sflag:s22], s20  }
0x9f: {  	s3 =	ssub.s32 $0x0, s20;
	[sflag:s22] =	ssyncset.done $0x0  }
0xa0: {  	[sflag:s22] =	ssyncadd.s32 s3;
	_ =	sdelay $0x1  }
0xa1: {  	s23 =	simm.s32 $0x1B8B  }
0xa2: {  	_ =	swait.ge [sflag:s23], $0x1  }
0xa3: {  	[sflag:s23] =	ssyncset.done $0x0  }
0xa4: {  	s25 =	simm.s32 $0x1B8E;
	s24 =	sld [smem:$0x3FFE];
	[sflag:s23] =	ssyncadd.s32 $0xFFFFFFFF  }
0xa5: {  	s26 =	simm.s32 $execute0_lowered;
	[smem:$0x3FD2] =	sst s25  }
0xa6: {  	s4 =	sshll.u32 s26, $0x1;
	_ =	strace $0x80000049;
	[dreg:$0x1] =	wrdreg $0xFFFFFFFF  }
0xa7: {  	s28 =	simm.s32 $_size_execute0_lowered;
	s2 =	sadd.s32 s2, s4;
	[dreg:$0x0] =	wrdreg $0x0  }
0xa8: {  	s4 =	sshll.u32 s28, $0x1;
	[dreg:$0x2] =	wrdreg s2  }
0xa9: {  	[dreg:$0x3] =	wrdreg s4  }
0xaa: {  	[dreg:$0x4] =	wrdreg $0xC0  }
0xab: {  	_ =	task [dreg:s6], $0x5FFFF  }
0xac: {  	[dreg:$0x1] =	wrdreg $0xFFFFFFFF  }
0xad: {  	[dreg:$0x0] =	wrdreg $0x60  }
0xae: {  	[dreg:$0x2] =	wrdreg s24  }
0xaf: {  	[dreg:$0x3] =	wrdreg $0x46700  }
0xb0: {  	[dreg:$0x4] =	wrdreg $0x9  }
0xb1: {  	_ =	task.clear_ibuf [dreg:s6], $0x5FFFF;
	_ =	strace $0x90000049  }
0xb2: {  	s29 =	simm.s32 $0x9;
	_ =	strace $0x8000004B  }
0xb3: {  	_ =	swait.ge [sflag:s29], $0x1  }
0xb4: {  	[sflag:s29] =	ssyncadd.s32 $0xFFFFFFFF  }
0xb5: {  	_ =	strace $0x9000004B  }
0xb6: {  	_ =	sfence  }
0xb7: {  	s30 =	sld [smem:$0x0];
	_ =	sdelay $0x2  }
0xb8: {  	s31 =	sshll.u32 s1, $0xD;
	s1 =	sshrl.u32 s1, $0x2  }
0xb9: {  	s3 =	sand.u32 $0x4000, s31;
	s1 =	sadd.s32 s1, s30  }
0xba: {  	s0 =	sor.u32 s3, s0;
	s1 =	sshll.u32 s1, $0x11  }
0xbb: {  	s0 =	sor.u32 s1, s0  }
0xbc: {  	s0 =	sadd.s32 $0x8F2B, s0  }
0xbd: {  	[sflag:s0] =	ssyncadd.remote.s32 $0x1  }
0xbe: {  	_ =	sfence.sel $0xFFFF  }
0xbf: {  	[dreg:$0x0] =	wrdreg $0xFFFFFFFF;
	(pc) =	sbr.abs _section_cstart, $3  }
0xc0: {  	[dreg:$0x1] =	wrdreg $0xFFFFFFFF  }
0xc1: {  	_ =	task.clear_ibuf [dreg:s6], $0x2FFFF;
	_ =	strace $0x9FFFFFFF  }
0xc2: {  	(tm) =	ssettm $0x7FFFFFFF  }
0xc3: {  	_ =	shalt  }
tec
execute0_lowered:
.L_overlay_start_1:
0x0: {  	(tag) =	ssettag $0x1  }
0x1: {  	s0 =	rddreg [dreg:$0x0]  }
0x2: {  	s2 =	rddreg [dreg:$0x1];
	s3 =	simm.s32 $0x0  }
0x3: {  	s10 =	stileid.u32;
	s8 =	srdreg.scid;
	s14 =	simm.s32 $0x7  }
0x4: {  	s28 =	simm.s32 $0x1770;
	s29 =	simm.s32 $0x17E8;
	s30 =	simm.s32 $0x2  }
0x5: {  	s31 =	simm.s32 $0x1860;
	[smem:$0x7FF] =	sst s3;
	s1 =	smul.u32 $0x2780, s10  }
0x6: {  	s4 =	sadd.s32 $0x400, s0;
	s5 =	sadd.s32 $0x31400, s0;
	s6 =	sadd.s32 $0x3B200, s0  }
0x7: {  	s8 =	sand.u32 $0x1, s8;
	s10 =	sshll.u32 s10, $0x1;
	s18 =	sadd.s32 $0xA600, s0  }
0x8: {  	s13 =	sadd.s32 $0xA400, s0;
	_ =	strace $0x8000004A;
	s11 =	smul.u32 $0x4F00, s8  }
0x9: {  	s12 =	ssub.s32 $0x2, s8;
	s8 =	sor.u32 s8, s10;
	[dreg:$0x3] =	wrdreg s18  }
0xa: {  	[dreg:$0x4] =	wrdreg s13;
	s13 =	simm.s32 $0x5;
	s7 =	sshrl.u32 s1, $0x3  }
0xb: {  	s19 =	sshrl.u32 s12, $0x1;
	s8 =	smul.u32 $0x2760, s8;
	s1 =	sadd.s32 s1, s2  }
0xc: {  	s9 =	sadd.s32 s7, s0;
	s0 =	sadd.s32 s11, s0;
	s10 =	ssub.s32 s12, s19  }
0xd: {  	[dreg:$0x5] =	wrdreg s1;
	s11 =	simm.s32 $0x4;
	s12 =	simm.s32 $0x3ED0  }
0xe: {  	s20 =	sshrl.u32 s8, $0x3;
	s21 =	sadd.s32 $0x78, s8;
	s9 =	sadd.s32 $0x5400, s9  }
0xf: {  	s15 =	sadd.s32 $0xF0, s8;
	s16 =	sadd.s32 $0x168, s8;
	s17 =	sadd.s32 $0x1E0, s8  }
0x10: {  	s0 =	sadd.s32 $0xA800, s0;
	s26 =	smax.u32 s10, $0x1;
	s10 =	simm.s32 $0x2760  }
0x11: {  	[dreg:$0x6] =	wrdreg s9;
	s22 =	sadd.s32 s5, s20;
	s23 =	sshrl.u32 s21, $0x3  }
0x12: {  	s1 =	sadd.s32 s6, s20;
	[dreg:$0xb] =	wrdreg s26;
	s0 =	sadd.s32 s7, s0  }
0x13: {  	s26 =	simm.s32 $0x870;
	s21 =	simm.s32 $0x2EE0;
	[dreg:$0x7] =	wrdreg s22  }
0x14: {  	s7 =	simm.s32 $0x3;
	s9 =	simm.s32 $0x0;
	[dreg:$0x8] =	wrdreg s1  }
0x15: {  	s24 =	sadd.s32 s5, s23;
	s25 =	sadd.s32 s6, s23;
	[dreg:$0xc] =	wrdreg s0  }
0x16: {  	vm0 =	vcmask $0x300;
	v1 =	vimm.f32 $0.0e+00;
	vm1 =	vcmask $0x704;
	s22 =	simm.s32 $0x78;
	s23 =	simm.s32 $0x1;
	[dreg:$0x9] =	wrdreg s24  }
0x17: {  	v0 =	vsel vm0, $0x3F800000, v1;
	v1 =	vsel vm1, $0x3F800000, v1;
	s0 =	simm.s32 $0x1FE0;
	s1 =	simm.s32 $0x2F58;
	[dreg:$0xa] =	wrdreg s25  }
.LBB2_1:
0x18: {  	[dreg:$0xd] =	wrdreg s9  }
0x19: {  	s8 =	rddreg [dreg:$0x3];
	s25 =	simm.s32 $0x4650  }
0x1a: {  	[tilespmem:s25], [sflag:$0x7] =	stream.linear.gather [hbm4b:s8+s3], $0x10, $0x38;
	[tilespmem:$0x6DF0] =	vst v63  }
0x1b: {  	s19 =	stileid.u32;
	_ =	swait.ge [sflag:s14], $0x10  }
0x1c: {  	s18 =	simm.s32 $0x4660;
	s8 =	sshll.u32 s19, $0x6;
	[sflag:s14] =	ssyncset.done $0x0  }
0x1d: {  	s20 =	sor.u32 $0x1C07, s8;
	s9 =	rddreg [dreg:$0x4];
	[sflag:s14] =	ssyncadd.s32 $0xFFFFFFF0  }
0x1e: {  	[tilespmem:s18], [sflag:$0x7] =	stream.linear.gather [hbm4b:s9+s3], $0x10, $0x38;
	[tilespmem:$0x6DF0] =	vst v63  }
0x1f: {  	_ =	swait.ge [sflag:s14], $0x10;
	[dreg:$0xe] =	wrdreg s20  }
0x20: {  	s24 =	rddreg [dreg:$0x5]  }
0x21: {  	[sflag:s14] =	ssyncset.done $0x0;
	s25 =	rddreg [dreg:$0x6];
	s18 =	sshrl.u32 s24, $0x3  }
0x22: {  	[sflag:s14] =	ssyncadd.s32 $0xFFFFFFF0;
	[dreg:$0xf] =	wrdreg s18  }
0x23: {  	[spmem:s18], [sflag:s20] =	dma.local [hbm:s25], $0x4F0  }
0x24: {  	_ =	swait.ge [sflag:s14], $0x4F0  }
0x25: {  	[sflag:s14] =	ssyncset.done $0x0  }
0x26: {  	[sflag:s14] =	ssyncadd.s32 $0xFFFFFB10  }
0x27: {  	[bflag:$0x0] =	sbarrier.arrive $0xFFFF  }
0x28: {  	v2 =	vld [tilespmem:$0x4650];
	s18 =	rddreg [dreg:$0x7]  }
0x29: {  	v3 =	vld [tilespmem:$0x4660];
	[tilespmem:s3], [sflag:$0x1] =	stream.linear.gather [hbm4b:s18+s3], $0x78, $0x38  }
0x2a: {  	s19 =	rddreg [dreg:$0x8]  }
0x2b: {  	[tilespmem:s22], [sflag:$0x1] =	stream.linear.gather [hbm4b:s19+s3], $0x78, $0x38;
	[tilespmem:$0x6DF0] =	vst v63  }
0x2c: {  	_ =	swait.ge [sflag:s23], $0x78  }
0x2d: {  	[sflag:s23] =	ssyncset.done $0x0  }
0x2e: {  	[sflag:s23] =	ssyncadd.s32 $0xFFFFFF88  }
0x2f: {  	_ =	swait.ge [sflag:s23], $0x78  }
0x30: {  	[sflag:s23] =	ssyncset.done $0x0  }
0x31: {  	s20 =	simm.s32 $0xF0;
	[sflag:s23] =	ssyncadd.s32 $0xFFFFFF88  }
0x32: {  	[tilespmem:s20], [sflag:$0x1] =	stream.indirect.gather [hbm4b:s4+s22], $0x10, s3, s22, $0xb8;
	[tilespmem:$0x6DF0] =	vst v63  }
0x33: {  	_ = 	snop  }
0x34: {  	[tilespmem:s26], [sflag:$0x1] =	stream.indirect.gather [hbm4b:s4+s22], $0x10, s22, s22, $0xb8;
	[tilespmem:$0x6DF0] =	vst v63  }
0x35: {  	s24 =	rddreg [dreg:$0x9]  }
0x36: {  	[tilespmem:s28], [sflag:$0x2] =	stream.linear.gather [hbm4b:s24+s3], $0x78, $0x38;
	[tilespmem:$0x6DF0] =	vst v63  }
0x37: {  	s25 =	rddreg [dreg:$0xa]  }
0x38: {  	[tilespmem:s29], [sflag:$0x2] =	stream.linear.gather [hbm4b:s25+s3], $0x78, $0x38;
	[tilespmem:$0x6DF0] =	vst v63  }
0x39: {  	_ =	swait.ge [sflag:s30], $0x78  }
0x3a: {  	[sflag:s30] =	ssyncset.done $0x0  }
0x3b: {  	[sflag:s30] =	ssyncadd.s32 $0xFFFFFF88  }
0x3c: {  	_ =	swait.ge [sflag:s30], $0x78  }
0x3d: {  	[sflag:s30] =	ssyncset.done $0x0  }
0x3e: {  	[sflag:s30] =	ssyncadd.s32 $0xFFFFFF88  }
0x3f: {  	[tilespmem:s31], [sflag:$0x2] =	stream.indirect.gather [hbm4b:s4+s22], $0x10, s28, s22, $0xb8;
	[tilespmem:$0x6DF0] =	vst v63  }
0x40: {  	s24 =	simm.s32 $0x0  }
0x41: {  	[tilespmem:s0], [sflag:$0x2] =	stream.indirect.gather [hbm4b:s4+s22], $0x10, s29, s22, $0xb8;
	[tilespmem:$0x6DF0] =	vst v63  }
.LBB2_2:
0x42: {  	_ =	swait.ge [sflag:s23], $0x780  }
0x43: {  	[sflag:s23] =	ssyncset.done $0x0  }
0x44: {  	[sflag:s23] =	ssyncadd.s32 $0xFFFFF880  }
0x45: {  	_ =	swait.ge [sflag:s23], $0x780  }
0x46: {  	[sflag:s23] =	ssyncset.done $0x0  }
0x47: {  	s20 =	simm.s32 $0x0;
	[sflag:s23] =	ssyncadd.s32 $0xFFFFF880  }
0x48: {  	v9 =	vld [tilespmem:s20+$0xF0]  }
0x49: {  	v5 =	vld [tilespmem:s20+$0x870];
	_ =	sdelay $0x1  }
0x4a: {  	s14 =	simm.s32 $0x10  }
0x4b: {  	v4 =	vld [tilespmem:s14+$0xF0]  }
0x4c: {  	v6 =	vld [tilespmem:s14+$0x870]  }
0x4d: {  	v7 =	vmul.f32 v9, v2;
	v5 =	vmul.f32 v5, v3;
	_ =	sdelay $0x1  }
0x4e: {  	v7 =	vadd.f32 v5, v7  }
0x4f: {  	v8 =	vmul.f32 v4, v2  }
0x50: {  	v6 =	vmul.f32 v6, v3;
	v11 =	vmul.f32 $2.000000030e-01, v7  }
0x51: {  	s18 =	simm.s32 $0x20  }
0x52: {  	v10 =	vld [tilespmem:s18+$0x870];
	v6 =	vadd.f32 v6, v8;
	v7 =	vmax.f32 v7, v11  }
0x53: {  	v5 =	vld [tilespmem:s18+$0xF0];
	v7 =	vmul.f32 $1.442695020e+00, v7  }
0x54: {  	v8 =	vmul.f32 $2.000000030e-01, v6  }
0x55: {  	(erf) = vpow2.f32 v7  }
0x56: {  	v6 =	vmax.f32 v6, v8  }
0x57: {  	s19 =	simm.s32 $0x30;
	v8 =	vmul.f32 $1.442695020e+00, v6  }
0x58: {  	v10 =	vmul.f32 v10, v3;
	v11 =	vmul.f32 v5, v2;
	v6 =	vld [tilespmem:s19+$0xF0]  }
0x59: {  	(erf) = vpow2.f32 v8;
	v8 =	vld [tilespmem:s19+$0x870]  }
0x5a: {  	v7 =	vadd.f32 v10, v11  }
0x5b: {  	v9 =	vmul.f32 v0, v9  }
0x5c: {  	s8 =	simm.s32 $0x100;
	v10 =	vmul.f32 $2.000000030e-01, v7  }
.LBB2_3:
0x5d: {  	s9 =	sshra.s32 s8, $0x2;
	v9 =	vadd.f32 v1, v9;
	v11 =	vmov v6;
	p0 =	sne.s32 s8, $0x1DC0  }
.Ltmp0:
0x5e: {  	s8 =	sadd.s32 $0x40, s8;
	v6 =	vld [tilespmem:s9+$0xF0];
	v12 =	vmul.f32 v11, v2;
	v13 =	vmul.f32 v8, v3;
	v7 =	vmax.f32 v7, v10;
	v10 =	vpop (erf);
	(pc) =	sbr.rel @p0 .LBB2_3-.Ltmp0, $4  }
0x5f: {  	v8 =	vld [tilespmem:s9+$0x870];
	v14 =	vmul.f32 $1.442695020e+00, v7;
	v10 =	vmul.f32 v10, v9  }
0x60: {  	v7 =	vadd.f32 v13, v12  }
0x61: {  	v9 =	vmul.f32 v0, v4;
	v4 =	vmovc v5;
	v5 =	vmov v11;
	(erf) = vpow2.f32 v14;
	[tilespmem:s20+$0xFF0] =	vst v10;
	s20 =	smov.u32 s14;
	s14 =	smov.u32 s18;
	s18 =	smov.u32 s19  }
0x62: {  	s19 =	smov.u32 s9;
	v10 =	vmul.f32 $2.000000030e-01, v7  }
0x63: {  	_ = 	snop  }
0x64: {  	v11 =	vmul.f32 v6, v2;
	v8 =	vmul.f32 v8, v3;
	_ =	sdelay $0x1  }
0x65: {  	v8 =	vadd.f32 v8, v11;
	_ =	sdelay $0x1  }
0x66: {  	v11 =	vmul.f32 $2.000000030e-01, v8  }
0x67: {  	v7 =	vmax.f32 v7, v10  }
0x68: {  	v7 =	vmul.f32 $1.442695020e+00, v7;
	v8 =	vmax.f32 v8, v11  }
0x69: {  	v8 =	vmul.f32 $1.442695020e+00, v8  }
0x6a: {  	(erf) = vpow2.f32 v7  }
0x6b: {  	(erf) = vpow2.f32 v8;
	_ =	sdelay $0x2  }
0x6c: {  	v7 =	vadd.f32 v1, v9  }
0x6d: {  	v4 =	vmul.f32 v0, v4;
	v8 =	vpop (erf)  }
0x6e: {  	v5 =	vmul.f32 v0, v5;
	v7 =	vmul.f32 v8, v7  }
0x6f: {  	v6 =	vmul.f32 v0, v6;
	v4 =	vadd.f32 v1, v4  }
0x70: {  	v5 =	vadd.f32 v1, v5;
	v9 =	vpop (erf)  }
0x71: {  	v6 =	vadd.f32 v1, v6;
	v4 =	vmul.f32 v9, v4;
	v8 =	vpop (erf)  }
0x72: {  	[tilespmem:s20+$0xFF0] =	vst v7;
	v5 =	vmul.f32 v8, v5;
	v7 =	vpop (erf)  }
0x73: {  	[tilespmem:s14+$0xFF0] =	vst v4;
	v4 =	vmul.f32 v7, v6  }
0x74: {  	[tilespmem:s18+$0xFF0] =	vst v5  }
0x75: {  	s8 =	simm.s32 $0xFF0;
	p0 =	seq.s32 s24, $0x0;
	s14 =	smul.u32 $0x168, s24;
	[tilespmem:s19+$0xFF0] =	vst v4  }
0x76: {  	[spmem:s2] =	stream.indirect.scatter.add.f32 [tilespmem:s8], [sflag:$0x4], $0x10, s22, s22, $0xb8;
	[tilespmem:$0x6DF0] =	vst v63  }
0x77: {  	s8 =	simm.s32 @!p0 $0x6  }
0x78: {  	s9 =	sadd.s32 s14, s15;
	_ =	swait.ge @!p0 [sflag:s8], $0x780  }
0x79: {  	s9 =	sshrl.u32 s9, $0x3;
	[sflag:s8] =	ssyncset.done @!p0 $0x0  }
0x7a: {  	s25 =	simm.s32 $0x0;
	s20 =	sadd.s32 s5, s9;
	[sflag:s8] =	ssyncadd.s32 @!p0 $0xFFFFF880  }
0x7b: {  	[tilespmem:s21], [sflag:$0x3] =	stream.linear.gather [hbm4b:s20+s25], $0x78, $0x38;
	[tilespmem:$0x6DF0] =	vst v63  }
0x7c: {  	s19 =	sadd.s32 s6, s9  }
0x7d: {  	[tilespmem:s1], [sflag:$0x3] =	stream.linear.gather [hbm4b:s19+s25], $0x78, $0x38;
	[tilespmem:$0x6DF0] =	vst v63  }
0x7e: {  	_ =	swait.ge [sflag:s7], $0x78  }
0x7f: {  	[sflag:s7] =	ssyncset.done $0x0  }
0x80: {  	[sflag:s7] =	ssyncadd.s32 $0xFFFFFF88  }
0x81: {  	_ =	swait.ge [sflag:s7], $0x78  }
0x82: {  	[sflag:s7] =	ssyncset.done $0x0  }
0x83: {  	s20 =	simm.s32 $0x2FD0;
	[sflag:s7] =	ssyncadd.s32 $0xFFFFFF88  }
0x84: {  	[tilespmem:s20], [sflag:$0x3] =	stream.indirect.gather [hbm4b:s4+s22], $0x10, s21, s22, $0xb8;
	[tilespmem:$0x6DF0] =	vst v63  }
0x85: {  	s25 =	simm.s32 $0x3750  }
0x86: {  	[tilespmem:s25], [sflag:$0x3] =	stream.indirect.gather [hbm4b:s4+s22], $0x10, s1, s22, $0xb8;
	[tilespmem:$0x6DF0] =	vst v63  }
0x87: {  	_ =	swait.ge [sflag:s30], $0x780  }
0x88: {  	[sflag:s30] =	ssyncset.done $0x0  }
0x89: {  	[sflag:s30] =	ssyncadd.s32 $0xFFFFF880  }
0x8a: {  	_ =	swait.ge [sflag:s30], $0x780  }
0x8b: {  	[sflag:s30] =	ssyncset.done $0x0  }
0x8c: {  	s18 =	simm.s32 $0x0;
	[sflag:s30] =	ssyncadd.s32 $0xFFFFF880  }
0x8d: {  	v9 =	vld [tilespmem:s18+$0x1860]  }
0x8e: {  	v5 =	vld [tilespmem:s18+$0x1FE0];
	_ =	sdelay $0x1  }
0x8f: {  	s20 =	simm.s32 $0x10  }
0x90: {  	v4 =	vld [tilespmem:s20+$0x1860]  }
0x91: {  	v6 =	vld [tilespmem:s20+$0x1FE0]  }
0x92: {  	v7 =	vmul.f32 v9, v2;
	v5 =	vmul.f32 v5, v3;
	_ =	sdelay $0x1  }
0x93: {  	v7 =	vadd.f32 v5, v7  }
0x94: {  	v8 =	vmul.f32 v4, v2  }
0x95: {  	v6 =	vmul.f32 v6, v3;
	v11 =	vmul.f32 $2.000000030e-01, v7  }
0x96: {  	s19 =	simm.s32 $0x20  }
0x97: {  	v10 =	vld [tilespmem:s19+$0x1FE0];
	v6 =	vadd.f32 v6, v8;
	v7 =	vmax.f32 v7, v11  }
0x98: {  	v5 =	vld [tilespmem:s19+$0x1860];
	v7 =	vmul.f32 $1.442695020e+00, v7  }
0x99: {  	v8 =	vmul.f32 $2.000000030e-01, v6  }
0x9a: {  	(erf) = vpow2.f32 v7  }
0x9b: {  	v6 =	vmax.f32 v6, v8  }
0x9c: {  	s8 =	simm.s32 $0x30;
	v8 =	vmul.f32 $1.442695020e+00, v6  }
0x9d: {  	v10 =	vmul.f32 v10, v3;
	v11 =	vmul.f32 v5, v2;
	v6 =	vld [tilespmem:s8+$0x1860]  }
0x9e: {  	(erf) = vpow2.f32 v8;
	v8 =	vld [tilespmem:s8+$0x1FE0]  }
0x9f: {  	v7 =	vadd.f32 v10, v11  }
0xa0: {  	v9 =	vmul.f32 v0, v9  }
0xa1: {  	s9 =	simm.s32 $0x100;
	v10 =	vmul.f32 $2.000000030e-01, v7  }
.LBB2_5:
0xa2: {  	s25 =	sshra.s32 s9, $0x2;
	v9 =	vadd.f32 v1, v9;
	v11 =	vmov v6;
	p0 =	sne.s32 s9, $0x1DC0  }
.Ltmp1:
0xa3: {  	s9 =	sadd.s32 $0x40, s9;
	v6 =	vld [tilespmem:s25+$0x1860];
	v12 =	vmul.f32 v11, v2;
	v13 =	vmul.f32 v8, v3;
	v7 =	vmax.f32 v7, v10;
	v10 =	vpop (erf);
	(pc) =	sbr.rel @p0 .LBB2_5-.Ltmp1, $4  }
0xa4: {  	v8 =	vld [tilespmem:s25+$0x1FE0];
	v14 =	vmul.f32 $1.442695020e+00, v7;
	v10 =	vmul.f32 v10, v9  }
0xa5: {  	v7 =	vadd.f32 v13, v12  }
0xa6: {  	v9 =	vmul.f32 v0, v4;
	v4 =	vmovc v5;
	v5 =	vmov v11;
	(erf) = vpow2.f32 v14;
	[tilespmem:s18+$0x2760] =	vst v10;
	s18 =	smov.u32 s20;
	s20 =	smov.u32 s19;
	s19 =	smov.u32 s8  }
0xa7: {  	s8 =	smov.u32 s25;
	v10 =	vmul.f32 $2.000000030e-01, v7  }
0xa8: {  	_ = 	snop  }
0xa9: {  	v11 =	vmul.f32 v6, v2;
	v8 =	vmul.f32 v8, v3;
	_ =	sdelay $0x1  }
0xaa: {  	v8 =	vadd.f32 v8, v11;
	_ =	sdelay $0x1  }
0xab: {  	v11 =	vmul.f32 $2.000000030e-01, v8  }
0xac: {  	v7 =	vmax.f32 v7, v10  }
0xad: {  	v7 =	vmul.f32 $1.442695020e+00, v7;
	v8 =	vmax.f32 v8, v11  }
0xae: {  	v8 =	vmul.f32 $1.442695020e+00, v8  }
0xaf: {  	(erf) = vpow2.f32 v7  }
0xb0: {  	(erf) = vpow2.f32 v8;
	_ =	sdelay $0x2  }
0xb1: {  	v7 =	vadd.f32 v1, v9  }
0xb2: {  	v4 =	vmul.f32 v0, v4;
	v8 =	vpop (erf)  }
0xb3: {  	v5 =	vmul.f32 v0, v5;
	v7 =	vmul.f32 v8, v7  }
0xb4: {  	v6 =	vmul.f32 v0, v6;
	v4 =	vadd.f32 v1, v4  }
0xb5: {  	v5 =	vadd.f32 v1, v5;
	v9 =	vpop (erf)  }
0xb6: {  	v6 =	vadd.f32 v1, v6;
	v4 =	vmul.f32 v9, v4;
	v8 =	vpop (erf)  }
0xb7: {  	[tilespmem:s18+$0x2760] =	vst v7;
	v5 =	vmul.f32 v8, v5;
	v7 =	vpop (erf)  }
0xb8: {  	[tilespmem:s20+$0x2760] =	vst v4;
	v4 =	vmul.f32 v7, v6  }
0xb9: {  	[tilespmem:s19+$0x2760] =	vst v5  }
0xba: {  	[tilespmem:s8+$0x2760] =	vst v4  }
0xbb: {  	[spmem:s2] =	stream.indirect.scatter.add.f32 [tilespmem:s10], [sflag:$0x5], $0x10, s29, s22, $0xb8;
	[tilespmem:$0x6DF0] =	vst v63  }
0xbc: {  	s19 =	sadd.s32 s14, s16;
	_ =	swait.ge [sflag:s11], $0x780  }
0xbd: {  	s8 =	sshrl.u32 s19, $0x3;
	[sflag:s11] =	ssyncset.done $0x0  }
0xbe: {  	s20 =	simm.s32 $0x0;
	s9 =	sadd.s32 s5, s8;
	[sflag:s11] =	ssyncadd.s32 $0xFFFFF880  }
0xbf: {  	[tilespmem:s20], [sflag:$0x1] =	stream.linear.gather [hbm4b:s9+s20], $0x78, $0x38;
	[tilespmem:$0x6DF0] =	vst v63  }
0xc0: {  	s8 =	sadd.s32 s6, s8  }
0xc1: {  	[tilespmem:s22], [sflag:$0x1] =	stream.linear.gather [hbm4b:s8+s20], $0x78, $0x38;
	[tilespmem:$0x6DF0] =	vst v63  }
0xc2: {  	_ =	swait.ge [sflag:s23], $0x78  }
0xc3: {  	[sflag:s23] =	ssyncset.done $0x0  }
0xc4: {  	[sflag:s23] =	ssyncadd.s32 $0xFFFFFF88  }
0xc5: {  	_ =	swait.ge [sflag:s23], $0x78  }
0xc6: {  	[sflag:s23] =	ssyncset.done $0x0  }
0xc7: {  	s25 =	simm.s32 $0xF0;
	[sflag:s23] =	ssyncadd.s32 $0xFFFFFF88  }
0xc8: {  	[tilespmem:s25], [sflag:$0x1] =	stream.indirect.gather [hbm4b:s4+s22], $0x10, s20, s22, $0xb8;
	[tilespmem:$0x6DF0] =	vst v63  }
0xc9: {  	_ = 	snop  }
0xca: {  	[tilespmem:s26], [sflag:$0x1] =	stream.indirect.gather [hbm4b:s4+s22], $0x10, s22, s22, $0xb8;
	[tilespmem:$0x6DF0] =	vst v63  }
0xcb: {  	_ =	swait.ge [sflag:s7], $0x780  }
0xcc: {  	[sflag:s7] =	ssyncset.done $0x0  }
0xcd: {  	[sflag:s7] =	ssyncadd.s32 $0xFFFFF880  }
0xce: {  	_ =	swait.ge [sflag:s7], $0x780  }
0xcf: {  	[sflag:s7] =	ssyncset.done $0x0  }
0xd0: {  	s18 =	simm.s32 $0x0;
	[sflag:s7] =	ssyncadd.s32 $0xFFFFF880  }
0xd1: {  	v9 =	vld [tilespmem:s18+$0x2FD0]  }
0xd2: {  	v5 =	vld [tilespmem:s18+$0x3750];
	_ =	sdelay $0x1  }
0xd3: {  	s20 =	simm.s32 $0x10  }
0xd4: {  	v4 =	vld [tilespmem:s20+$0x2FD0]  }
0xd5: {  	v6 =	vld [tilespmem:s20+$0x3750]  }
0xd6: {  	v7 =	vmul.f32 v9, v2;
	v5 =	vmul.f32 v5, v3;
	_ =	sdelay $0x1  }
0xd7: {  	v7 =	vadd.f32 v5, v7  }
0xd8: {  	v8 =	vmul.f32 v4, v2  }
0xd9: {  	v6 =	vmul.f32 v6, v3;
	v11 =	vmul.f32 $2.000000030e-01, v7  }
0xda: {  	s19 =	simm.s32 $0x20  }
0xdb: {  	v10 =	vld [tilespmem:s19+$0x3750];
	v6 =	vadd.f32 v6, v8;
	v7 =	vmax.f32 v7, v11  }
0xdc: {  	v5 =	vld [tilespmem:s19+$0x2FD0];
	v7 =	vmul.f32 $1.442695020e+00, v7  }
0xdd: {  	v8 =	vmul.f32 $2.000000030e-01, v6  }
0xde: {  	(erf) = vpow2.f32 v7  }
0xdf: {  	v6 =	vmax.f32 v6, v8  }
0xe0: {  	s8 =	simm.s32 $0x30;
	v8 =	vmul.f32 $1.442695020e+00, v6  }
0xe1: {  	v10 =	vmul.f32 v10, v3;
	v11 =	vmul.f32 v5, v2;
	v6 =	vld [tilespmem:s8+$0x2FD0]  }
0xe2: {  	(erf) = vpow2.f32 v8;
	v8 =	vld [tilespmem:s8+$0x3750]  }
0xe3: {  	v7 =	vadd.f32 v10, v11  }
0xe4: {  	v9 =	vmul.f32 v0, v9  }
0xe5: {  	s9 =	simm.s32 $0x100;
	v10 =	vmul.f32 $2.000000030e-01, v7  }
.LBB2_7:
0xe6: {  	s25 =	sshra.s32 s9, $0x2;
	v9 =	vadd.f32 v1, v9;
	v11 =	vmov v6;
	p0 =	sne.s32 s9, $0x1DC0  }
.Ltmp2:
0xe7: {  	s9 =	sadd.s32 $0x40, s9;
	v6 =	vld [tilespmem:s25+$0x2FD0];
	v12 =	vmul.f32 v11, v2;
	v13 =	vmul.f32 v8, v3;
	v7 =	vmax.f32 v7, v10;
	v10 =	vpop (erf);
	(pc) =	sbr.rel @p0 .LBB2_7-.Ltmp2, $4  }
0xe8: {  	v8 =	vld [tilespmem:s25+$0x3750];
	v14 =	vmul.f32 $1.442695020e+00, v7;
	v10 =	vmul.f32 v10, v9  }
0xe9: {  	v7 =	vadd.f32 v13, v12  }
0xea: {  	v9 =	vmul.f32 v0, v4;
	v4 =	vmovc v5;
	v5 =	vmov v11;
	(erf) = vpow2.f32 v14;
	[tilespmem:s18+$0x3ED0] =	vst v10;
	s18 =	smov.u32 s20;
	s20 =	smov.u32 s19;
	s19 =	smov.u32 s8  }
0xeb: {  	s8 =	smov.u32 s25;
	v10 =	vmul.f32 $2.000000030e-01, v7  }
0xec: {  	_ = 	snop  }
0xed: {  	v11 =	vmul.f32 v6, v2;
	v8 =	vmul.f32 v8, v3;
	_ =	sdelay $0x1  }
0xee: {  	v8 =	vadd.f32 v8, v11;
	_ =	sdelay $0x1  }
0xef: {  	v11 =	vmul.f32 $2.000000030e-01, v8  }
0xf0: {  	v7 =	vmax.f32 v7, v10  }
0xf1: {  	v7 =	vmul.f32 $1.442695020e+00, v7;
	v8 =	vmax.f32 v8, v11  }
0xf2: {  	v8 =	vmul.f32 $1.442695020e+00, v8  }
0xf3: {  	(erf) = vpow2.f32 v7  }
0xf4: {  	(erf) = vpow2.f32 v8;
	_ =	sdelay $0x3  }
0xf5: {  	v4 =	vmul.f32 v0, v4  }
0xf6: {  	v58 =	vadd.f32 v1, v9;
	v5 =	vmul.f32 v0, v5  }
0xf7: {  	v59 =	vpop (erf);
	v60 =	vmul.f32 v0, v6;
	v4 =	vadd.f32 v1, v4  }
0xf8: {  	v5 =	vadd.f32 v1, v5;
	v7 =	vmul.f32 v59, v58;
	v61 =	vpop (erf)  }
0xf9: {  	v6 =	vadd.f32 v1, v60;
	v4 =	vmul.f32 v61, v4;
	v62 =	vpop (erf)  }
0xfa: {  	[tilespmem:s18+$0x3ED0] =	vst v7;
	v5 =	vmul.f32 v62, v5;
	v63 =	vpop (erf)  }
0xfb: {  	[tilespmem:s20+$0x3ED0] =	vst v4;
	v4 =	vmul.f32 v63, v6  }
0xfc: {  	[tilespmem:s19+$0x3ED0] =	vst v5  }
0xfd: {  	[tilespmem:s8+$0x3ED0] =	vst v4  }
0xfe: {  	[spmem:s2] =	stream.indirect.scatter.add.f32 [tilespmem:s12], [sflag:$0x6], $0x10, s1, s22, $0xb8;
	[tilespmem:$0x6DF0] =	vst v63  }
0xff: {  	s25 =	sadd.s32 s14, s17;
	_ =	swait.ge [sflag:s13], $0x780  }
0x100: {  	s8 =	sshrl.u32 s25, $0x3;
	[sflag:s13] =	ssyncset.done $0x0  }
0x101: {  	s9 =	sadd.s32 s5, s8;
	[sflag:s13] =	ssyncadd.s32 $0xFFFFF880  }
0x102: {  	[tilespmem:s28], [sflag:$0x2] =	stream.linear.gather [hbm4b:s9+s3], $0x78, $0x38;
	[tilespmem:$0x6DF0] =	vst v63  }
0x103: {  	s8 =	sadd.s32 s6, s8  }
0x104: {  	[tilespmem:s29], [sflag:$0x2] =	stream.linear.gather [hbm4b:s8+s3], $0x78, $0x38;
	[tilespmem:$0x6DF0] =	vst v63  }
0x105: {  	_ =	swait.ge [sflag:s30], $0x78  }
0x106: {  	[sflag:s30] =	ssyncset.done $0x0  }
0x107: {  	s24 =	sadd.s32 $0x1, s24;
	[sflag:s30] =	ssyncadd.s32 $0xFFFFFF88  }
0x108: {  	p0 =	sne.s32 s24, $0x1C;
	_ =	swait.ge [sflag:s30], $0x78  }
.Ltmp3:
0x109: {  	[sflag:s30] =	ssyncset.done $0x0;
	(pc) =	sbr.rel @p0 .LBB2_2-.Ltmp3, $4  }
0x10a: {  	[sflag:s30] =	ssyncadd.s32 $0xFFFFFF88  }
0x10b: {  	[tilespmem:s31], [sflag:$0x2] =	stream.indirect.gather [hbm4b:s4+s22], $0x10, s28, s22, $0xb8;
	[tilespmem:$0x6DF0] =	vst v63  }
0x10c: {  	_ = 	snop  }
0x10d: {  	[tilespmem:s0], [sflag:$0x2] =	stream.indirect.gather [hbm4b:s4+s22], $0x10, s29, s22, $0xb8;
	[tilespmem:$0x6DF0] =	vst v63  }
0x10e: {  	s8 =	simm.s32 $0x6  }
0x10f: {  	_ =	swait.ge [sflag:s8], $0x780  }
0x110: {  	[sflag:s8] =	ssyncset.done $0x0  }
0x111: {  	[sflag:s8] =	ssyncadd.s32 $0xFFFFF880  }
0x112: {  	_ =	swait.ge [sflag:s23], $0x780  }
0x113: {  	[sflag:s23] =	ssyncset.done $0x0  }
0x114: {  	[sflag:s23] =	ssyncadd.s32 $0xFFFFF880  }
0x115: {  	_ =	swait.ge [sflag:s23], $0x780  }
0x116: {  	[sflag:s23] =	ssyncset.done $0x0  }
0x117: {  	[sflag:s23] =	ssyncadd.s32 $0xFFFFF880  }
0x118: {  	_ =	swait.ge [sflag:s30], $0x780  }
0x119: {  	[sflag:s30] =	ssyncset.done $0x0  }
0x11a: {  	[sflag:s30] =	ssyncadd.s32 $0xFFFFF880  }
0x11b: {  	_ =	swait.ge [sflag:s30], $0x780  }
0x11c: {  	[sflag:s30] =	ssyncset.done $0x0  }
0x11d: {  	[sflag:s30] =	ssyncadd.s32 $0xFFFFF880  }
0x11e: {  	[bflag:$0x0] =	sbarrier.arrive $0xFFFF  }
0x11f: {  	s20 =	rddreg [dreg:$0xc]  }
0x120: {  	s9 =	rddreg [dreg:$0xe]  }
0x121: {  	s14 =	rddreg [dreg:$0xf]  }
0x122: {  	[hbm:s20], [sflag:s9] =	dma.local [spmem:s14], $0x4F0  }
0x123: {  	s14 =	simm.s32 $0x7  }
0x124: {  	_ =	swait.ge [sflag:s14], $0x4F0  }
0x125: {  	s24 =	rddreg [dreg:$0xd]  }
0x126: {  	s25 =	rddreg [dreg:$0xb];
	s9 =	sadd.s32 $0x1, s24  }
0x127: {  	p0 =	sne.s32 s9, s25  }
.Ltmp4:
0x128: {  	_ = 	snop;
	(pc) =	sbr.rel @p0 .LBB2_1-.Ltmp4, $3  }
0x129: {  	_ =	sdelay $0x1  }
0x12a: {  	[sflag:s14] =	ssyncset.done $0x0  }
0x12b: {  	[sflag:s14] =	ssyncadd.s32 $0xFFFFFB10  }
0x12c: {  	_ =	sfence.sel $0x180000  }
0x12d: {  	[bflag:$0x0] =	sbarrier.arrive $0xFFFF  }
0x12e: {  	_ =	strace $0x9000004A  }
0x12f: {  	s0 =	stileid.u32;
	[bflag:$0x2] =	sbarrier.arrive $0xFFFF  }
0x130: {  	p0 =	sne.s32 s0, $0x0;
	s0 =	rddreg [dreg:$0x2]  }
0x131: {  	s0 =	sadd.s32 @!p0 $0x100000, s0  }
0x132: {  	[sflag:s0] =	ssyncadd.tile.s32 @!p0 $0x1;
	_ =	shalt  }
.Lfunc_end2:
_tile_overlayer_lowered:
.L_overlay_start_2:
0x133: {  	(tag) =	ssettag $0x2  }
0x134: {  	s0 =	rddreg [dreg:$0x0];
	s2 =	stileid.u32  }
0x135: {  	s1 =	rddreg [dreg:$0x1];
	p0 =	sne.s32 s2, $0x0  }
0x136: {  	s3 =	rddreg [dreg:$0x2];
	[bflag:$0x3] =	sbarrier.arrive $0xFFFF;
	s2 =	simm.s32 @!p0 $0x1C07  }
0x137: {  	[timem:s3], [sflag:s2] =	dma.local @!p0 [hbm:s0], s1  }
0x138: {  	s0 =	simm.s32 @!p0 $0x7  }
0x139: {  	_ =	swait.ge @!p0 [sflag:s0], s1  }
0x13a: {  	s1 =	ssub.s32 @!p0 $0x0, s1;
	[sflag:s0] =	ssyncset.done @!p0 $0x0  }
0x13b: {  	[sflag:s0] =	ssyncadd.s32 @!p0 s1  }
0x13c: {  	[bflag:$0x3] =	sbarrier.arrive $0xFFFF  }
0x13d: {  	_ =	shalt  }

// kernel: kernel.7.cloned.1.call-start
scs
__scs_entry_jumppad:
0x0: {  	(pc) =	sbr.rel $0x88, $3  }
0x1: {  	(tag) =	ssettag $0x0;
	lr =	simm.s32 $0x1  }
0x2: {  	[smem:$0x3F96] =	sst lr;
	_ =	strace $0xD0000000  }
0x3: {  	_ = 	snop  }
0x4: {  	_ = 	snop  }
0x5: {  	_ = 	snop  }
0x6: {  	_ = 	snop  }
0x7: {  	_ = 	snop  }
__scs_overlays_trampoline_lowered:
0x8: {  	[smem:$0x3FA5] =	sst s0  }
0x9: {  	[smem:$0x3FA6] =	sst s1  }
0xa: {  	[smem:$0x3FA7] =	sst s2  }
0xb: {  	[smem:$0x3FA8] =	sst s3  }
0xc: {  	[smem:$0x3FA9] =	sst s4  }
0xd: {  	[smem:$0x3FAA] =	sst s5  }
0xe: {  	[smem:$0x3FAB] =	sst s6  }
0xf: {  	[smem:$0x3FAC] =	sst s7  }
0x10: {  	[smem:$0x3FAD] =	sst s8  }
0x11: {  	[smem:$0x3FAE] =	sst s9;
	s0 =	simm.s32 @!p0 $0x0  }
0x12: {  	s1 =	sld [smem:$0x3F94];
	s0 =	simm.s32 @p0 $0x1  }
0x13: {  	[smem:$0x3FAF] =	sst s0;
	s0 =	simm.s32 @!p1 $0x0  }
0x14: {  	s2 =	sld [smem:$0x3F93];
	s0 =	simm.s32 @p1 $0x1  }
0x15: {  	[smem:$0x3FB0] =	sst s0;
	s0 =	simm.s32 @!p2 $0x0  }
0x16: {  	s3 =	sld [smem:$0x3FDB];
	s0 =	simm.s32 @p2 $0x1  }
0x17: {  	s4 =	simm.s32 $0x1BF5;
	[smem:$0x3FB2] =	sst s0  }
0x18: {  	s0 =	sld [smem:$0x3F95];
	_ =	swait.ge [sflag:s4], $0x0  }
0x19: {  	s7 =	sld [smem:$0x3F96]  }
0x1a: {  	s8 =	sadd.s32 $0xFFFFE003, lr  }
0x1b: {  	s9 =	sadd.s32 $0xFFFFFEF7, lr;
	s5 =	simm.s32 $0xFFFFFFFF;
	p2 =	slt.u32 s8, $0xFFFFF086  }
0x1c: {  	p1 =	slt.u32 s9, $0xF7A;
	s5 =	simm.s32 @!p2 $0x0  }
0x1d: {  	s5 =	simm.s32 @p1 $0x1;
	p0 =	seq.s32 s7, s2  }
0x1e: {  	s7 =	smul.u32 @!p0 $0xF7A, s2;
	p2 =	seq.s32 @!p0 s5, $0x0  }
0x1f: {  	s9 =	smul.u32 $0xF7A, s1;
	s8 =	simm.s32 @!p0 $0x1BF5;
	p2 =	por !p2, p0  }
0x20: {  	[sflag:s8] =	ssyncset.s32 @!p0 $0xFFFFF086;
	s6 =	sadd.s32 @!p0 s3, s7;
	s7 =	simm.s32 @!p0 $0x108  }
0x21: {  	s3 =	sadd.s32 s3, s9;
	s6 =	sadd.s32 @!p0 $0x88, s6;
	s7 =	simm.s32 @p2 $0x1082  }
0x22: {  	[simem:s7], [sflag:s8] =	dma.local @!p0 [hbm:s6], $0xF7A  }
0x23: {  	s9 =	sor.u32 $0xD0000000, s2;
	s6 =	simm.s32 $0x108;
	_ =	swait.ge @!p0 [sflag:s8], $0x0  }
0x24: {  	s3 =	sadd.s32 $0x88, s3;
	s6 =	simm.s32 @!p1 $0x1082;
	[sflag:s4] =	ssyncset.s32 $0xFFFFF086  }
0x25: {  	[simem:s6], [sflag:s4] =	dma.local [hbm:s3], $0xF7A  }
0x26: {  	[smem:$0x3F96] =	sst s1;
	(tag) =	ssettag s2;
	_ =	strace s9  }
0x27: {  	s1 =	sld [smem:$0x3FA6]  }
0x28: {  	s2 =	sld [smem:$0x3FA7]  }
0x29: {  	s4 =	sld [smem:$0x3FA9]  }
0x2a: {  	p0 =	seq.s32 s5, $0x0;
	s5 =	sld [smem:$0x3FAA]  }
0x2b: {  	s6 =	sld [smem:$0x3FAB]  }
0x2c: {  	s7 =	sld [smem:$0x3FAC]  }
0x2d: {  	s3 =	simm.s32 $0x108;
	s8 =	sld [smem:$0x3FAD]  }
0x2e: {  	s3 =	simm.s32 @!p0 $0x1082;
	s9 =	sld [smem:$0x3FAE]  }
0x2f: {  	lr =	sadd.s32 s0, s3;
	s0 =	sld [smem:$0x3FA5]  }
0x30: {  	s3 =	sld [smem:$0x3FA8]  }
0x31: {  	[smem:$0x3FB1] =	sst s10  }
0x32: {  	s10 =	sld [smem:$0x3FAF];
	_ =	sdelay $0x3  }
0x33: {  	p0 =	seq.s32 s10, $0x1;
	s10 =	sld [smem:$0x3FB1];
	_ =	sdelay $0x3  }
0x34: {  	[smem:$0x3FB1] =	sst s10  }
0x35: {  	s10 =	sld [smem:$0x3FB0];
	_ =	sdelay $0x3  }
0x36: {  	p1 =	seq.s32 s10, $0x1;
	s10 =	sld [smem:$0x3FB1];
	_ =	sdelay $0x3  }
0x37: {  	[smem:$0x3FB1] =	sst s10  }
0x38: {  	s10 =	sld [smem:$0x3FB2]  }
0x39: {  	_ = 	snop;
	(pc) =	sbr.ind lr, $3  }
0x3a: {  	_ = 	snop  }
0x3b: {  	_ = 	snop  }
0x3c: {  	p2 =	seq.s32 s10, $0x1;
	s10 =	sld [smem:$0x3FB1]  }
0x3d: {  	_ =	shalt  }
0x3e: {  	_ =	shalt  }
0x3f: {  	_ =	shalt  }
0x40: {  	_ =	shalt  }
0x41: {  	_ =	shalt  }
0x42: {  	_ =	shalt  }
0x43: {  	_ =	shalt  }
0x44: {  	_ =	shalt  }
0x45: {  	_ =	shalt  }
0x46: {  	_ =	shalt  }
0x47: {  	_ =	shalt  }
0x48: {  	_ =	shalt  }
0x49: {  	_ =	shalt  }
0x4a: {  	_ =	shalt  }
0x4b: {  	_ =	shalt  }
0x4c: {  	_ =	shalt  }
0x4d: {  	_ =	shalt  }
0x4e: {  	_ =	shalt  }
0x4f: {  	_ =	shalt  }
0x50: {  	_ =	shalt  }
0x51: {  	_ =	shalt  }
0x52: {  	_ =	shalt  }
0x53: {  	_ =	shalt  }
0x54: {  	_ =	shalt  }
0x55: {  	_ =	shalt  }
0x56: {  	_ =	shalt  }
0x57: {  	_ =	shalt  }
0x58: {  	_ =	shalt  }
0x59: {  	_ =	shalt  }
0x5a: {  	_ =	shalt  }
0x5b: {  	_ =	shalt  }
0x5c: {  	_ =	shalt  }
0x5d: {  	_ =	shalt  }
0x5e: {  	_ =	shalt  }
0x5f: {  	_ =	shalt  }
0x60: {  	_ =	shalt  }
0x61: {  	_ =	shalt  }
0x62: {  	_ =	shalt  }
0x63: {  	_ =	shalt  }
0x64: {  	_ =	shalt  }
0x65: {  	_ =	shalt  }
0x66: {  	_ =	shalt  }
0x67: {  	_ =	shalt  }
0x68: {  	_ =	shalt  }
0x69: {  	_ =	shalt  }
0x6a: {  	_ =	shalt  }
0x6b: {  	_ =	shalt  }
0x6c: {  	_ =	shalt  }
0x6d: {  	_ =	shalt  }
0x6e: {  	_ =	shalt  }
0x6f: {  	_ =	shalt  }
0x70: {  	_ =	shalt  }
0x71: {  	_ =	shalt  }
0x72: {  	_ =	shalt  }
0x73: {  	_ =	shalt  }
0x74: {  	_ =	shalt  }
0x75: {  	_ =	shalt  }
0x76: {  	_ =	shalt  }
0x77: {  	_ =	shalt  }
0x78: {  	_ =	shalt  }
0x79: {  	_ =	shalt  }
0x7a: {  	_ =	shalt  }
0x7b: {  	_ =	shalt  }
0x7c: {  	_ =	shalt  }
0x7d: {  	_ =	shalt  }
0x7e: {  	_ =	shalt  }
0x7f: {  	_ =	shalt  }
0x80: {  	_ =	shalt  }
0x81: {  	_ =	shalt  }
0x82: {  	_ =	shalt  }
0x83: {  	_ =	shalt  }
0x84: {  	_ =	shalt  }
0x85: {  	_ =	shalt  }
0x86: {  	_ =	shalt  }
0x87: {  	_ =	shalt  }
.Lfunc_end0:
.L_simem_size_0:
called_computation_lowered:
.L_overlay_start_0:
0x88: {  	s2 =	sld [smem:$0x3FD9]  }
0x89: {  	s3 =	sld [smem:$0x3FFE];
	_ =	sdelay $0x1  }
0x8a: {  	s1 =	srdreg.scid  }
0x8b: {  	s0 =	sand.u32 $0x1, s1  }
0x8c: {  	s16 =	sshll.u32 s0, $0xA;
	s2 =	sadd.s32 s3, s2  }
0x8d: {  	s2 =	sadd.s32 s2, s16  }
0x8e: {  	[smem:$0x3FBD] =	sst s2  }
0x8f: {  	_ = 	snop  }
0x90: {  	(tm) =	ssettm $0x1  }
0x91: {  	s17 =	sld [smem:$0x3FFB];
	_ =	sdelay $0x3  }
0x92: {  	_ =	strace s17  }
0x93: {  	s2 =	sld [smem:$0x3FFC];
	_ =	sdelay $0x3  }
0x94: {  	_ =	strace s2  }
0x95: {  	s2 =	sld [smem:$0x3FFD];
	_ =	sdelay $0x3  }
0x96: {  	_ =	strace s2  }
0x97: {  	_ =	strace $0x8FFFFFFF  }
0x98: {  	s18 =	sld [smem:$0x3FDB];
	_ =	sdelay $0x1  }
0x99: {  	s19 =	simm.s32 $_scs_section_size  }
0x9a: {  	s4 =	simm.s32 $_size__tile_overlayer_lowered;
	s5 =	simm.s32 $_tile_overlayer_lowered  }
0x9b: {  	s22 =	simm.s32 $0x1BFF;
	s21 =	sshll.u32 s5, $0x1;
	s2 =	sadd.s32 s19, s18  }
0x9c: {  	s6 =	simm.s32 $0x0;
	s20 =	sshll.u32 s4, $0x1;
	s4 =	sadd.s32 s21, s2  }
0x9d: {  	[timem:s6], [sflag:s22] =	dma.local [hbm:s4], s20  }
0x9e: {  	_ =	swait.ge [sflag:s22], s20  }
0x9f: {  	s3 =	ssub.s32 $0x0, s20;
	[sflag:s22] =	ssyncset.done $0x0  }
0xa0: {  	[sflag:s22] =	ssyncadd.s32 s3;
	_ =	sdelay $0x1  }
0xa1: {  	s23 =	simm.s32 $0x1B8B  }
0xa2: {  	_ =	swait.ge [sflag:s23], $0x1  }
0xa3: {  	[sflag:s23] =	ssyncset.done $0x0  }
0xa4: {  	s25 =	simm.s32 $0x1B8E;
	s24 =	sld [smem:$0x3FFE];
	[sflag:s23] =	ssyncadd.s32 $0xFFFFFFFF  }
0xa5: {  	s26 =	simm.s32 $execute0_lowered;
	[smem:$0x3FD2] =	sst s25  }
0xa6: {  	s4 =	sshll.u32 s26, $0x1;
	_ =	strace $0x80000046;
	[dreg:$0x1] =	wrdreg $0xFFFFFFFF  }
0xa7: {  	s28 =	simm.s32 $_size_execute0_lowered;
	s2 =	sadd.s32 s2, s4;
	[dreg:$0x0] =	wrdreg $0x0  }
0xa8: {  	s4 =	sshll.u32 s28, $0x1;
	[dreg:$0x2] =	wrdreg s2  }
0xa9: {  	[dreg:$0x3] =	wrdreg s4  }
0xaa: {  	[dreg:$0x4] =	wrdreg $0xC0  }
0xab: {  	_ =	task [dreg:s6], $0x5FFFF  }
0xac: {  	[dreg:$0x1] =	wrdreg $0xFFFFFFFF  }
0xad: {  	[dreg:$0x0] =	wrdreg $0x60  }
0xae: {  	[dreg:$0x2] =	wrdreg s24  }
0xaf: {  	[dreg:$0x3] =	wrdreg $0x97E00  }
0xb0: {  	[dreg:$0x4] =	wrdreg $0x9  }
0xb1: {  	_ =	task.clear_ibuf [dreg:s6], $0x5FFFF;
	_ =	strace $0x90000046  }
0xb2: {  	s29 =	simm.s32 $0x9;
	_ =	strace $0x80000048  }
0xb3: {  	_ =	swait.ge [sflag:s29], $0x1  }
0xb4: {  	[sflag:s29] =	ssyncadd.s32 $0xFFFFFFFF  }
0xb5: {  	_ =	strace $0x90000048  }
0xb6: {  	_ =	sfence  }
0xb7: {  	s30 =	sld [smem:$0x0];
	_ =	sdelay $0x2  }
0xb8: {  	s31 =	sshll.u32 s1, $0xD;
	s1 =	sshrl.u32 s1, $0x2  }
0xb9: {  	s3 =	sand.u32 $0x4000, s31;
	s1 =	sadd.s32 s1, s30  }
0xba: {  	s0 =	sor.u32 s3, s0;
	s1 =	sshll.u32 s1, $0x11  }
0xbb: {  	s0 =	sor.u32 s1, s0  }
0xbc: {  	s0 =	sadd.s32 $0x8F2B, s0  }
0xbd: {  	[sflag:s0] =	ssyncadd.remote.s32 $0x1  }
0xbe: {  	_ =	sfence.sel $0xFFFF  }
0xbf: {  	[dreg:$0x0] =	wrdreg $0xFFFFFFFF;
	(pc) =	sbr.abs _section_cstart, $3  }
0xc0: {  	[dreg:$0x1] =	wrdreg $0xFFFFFFFF  }
0xc1: {  	_ =	task.clear_ibuf [dreg:s6], $0x2FFFF;
	_ =	strace $0x9FFFFFFF  }
0xc2: {  	(tm) =	ssettm $0x7FFFFFFF  }
0xc3: {  	_ =	shalt  }
tec
execute0_lowered:
.L_overlay_start_1:
0x0: {  	(tag) =	ssettag $0x1  }
0x1: {  	s0 =	rddreg [dreg:$0x0]  }
0x2: {  	s1 =	rddreg [dreg:$0x1];
	s2 =	simm.s32 $0x0;
	s14 =	stileid.u32  }
0x3: {  	s3 =	srdreg.scid;
	s18 =	simm.s32 $0x7;
	s28 =	simm.s32 $0x2  }
0x4: {  	s29 =	simm.s32 $0x3340;
	s30 =	simm.s32 $0x6040;
	s31 =	simm.s32 $0x6540  }
0x5: {  	[smem:$0x7FF] =	sst s2;
	s4 =	sadd.s32 $0x5400, s0;
	s5 =	sadd.s32 $0x400, s0  }
0x6: {  	s6 =	sadd.s32 $0x31400, s0;
	s7 =	sadd.s32 $0x3B200, s0;
	s8 =	smul.u32 $0x16380, s14  }
0x7: {  	s3 =	sand.u32 $0x1, s3;
	s9 =	sshll.u32 s14, $0x1;
	s21 =	sshll.u32 s14, $0x6  }
0x8: {  	_ =	strace $0x80000047;
	s10 =	smul.u32 $0x2C700, s3;
	s11 =	ssub.s32 $0x2, s3  }
0x9: {  	s3 =	sor.u32 s3, s9;
	s19 =	sshrl.u32 s8, $0x3;
	s12 =	sshrl.u32 s11, $0x1  }
0xa: {  	s3 =	smul.u32 $0x2760, s3;
	s8 =	sadd.s32 s8, s1;
	s13 =	sadd.s32 s19, s0  }
0xb: {  	s0 =	sadd.s32 s10, s0;
	s20 =	ssub.s32 s11, s12;
	s17 =	sshrl.u32 s8, $0x3  }
0xc: {  	s8 =	simm.s32 $0x65E0;
	s10 =	simm.s32 $0x92E0;
	s22 =	sshrl.u32 s3, $0x3  }
0xd: {  	s13 =	sadd.s32 $0x45000, s13;
	s14 =	sadd.s32 $0xA0, s3;
	s15 =	sadd.s32 $0xF0, s3  }
0xe: {  	s16 =	sadd.s32 $0x140, s3;
	s0 =	sadd.s32 $0x71800, s0;
	s26 =	smax.u32 s20, $0x1  }
0xf: {  	s20 =	simm.s32 $0x50;
	s3 =	simm.s32 $0x3;
	[dreg:$0xa] =	wrdreg s17  }
0x10: {  	[dreg:$0x3] =	wrdreg s13;
	s13 =	sor.u32 $0x1C07, s21;
	s23 =	sadd.s32 $0xA, s22  }
0x11: {  	s24 =	sadd.s32 s6, s22;
	s12 =	sadd.s32 s7, s22;
	[dreg:$0x9] =	wrdreg s26  }
0x12: {  	s21 =	simm.s32 $0x1;
	s22 =	simm.s32 $0xA0;
	[dreg:$0x5] =	wrdreg s24  }
0x13: {  	s0 =	sadd.s32 s19, s0;
	s26 =	simm.s32 $0x32F0;
	[dreg:$0x6] =	wrdreg s12  }
0x14: {  	s19 =	simm.s32 $0x0;
	s25 =	sadd.s32 s6, s23;
	[dreg:$0xb] =	wrdreg s0  }
0x15: {  	s11 =	sadd.s32 s7, s23;
	s23 =	simm.s32 $0x2DA0;
	[dreg:$0x4] =	wrdreg s13  }
0x16: {  	s0 =	simm.s32 $0x6590;
	s12 =	simm.s32 $0x5;
	[dreg:$0x7] =	wrdreg s25  }
0x17: {  	[dreg:$0x8] =	wrdreg s11;
	s25 =	simm.s32 $0x32A0;
	s11 =	simm.s32 $0x4  }
.LBB2_1:
0x18: {  	[dreg:$0xc] =	wrdreg s19  }
0x19: {  	s9 =	rddreg [dreg:$0x3]  }
0x1a: {  	[spmem:s17], [sflag:s13] =	dma.local [hbm:s9], $0x2C70  }
0x1b: {  	_ =	swait.ge [sflag:s18], $0x2C70  }
0x1c: {  	[sflag:s18] =	ssyncset.done $0x0  }
0x1d: {  	[sflag:s18] =	ssyncadd.s32 $0xFFFFD390  }
0x1e: {  	[bflag:$0x0] =	sbarrier.arrive $0xFFFF  }
0x1f: {  	s17 =	rddreg [dreg:$0x5]  }
0x20: {  	[tilespmem:s2], [sflag:$0x1] =	stream.linear.gather [hbm4b:s17+s2], $0x50, $0x38;
	[tilespmem:$0x1FB60] =	vst v63  }
0x21: {  	s18 =	rddreg [dreg:$0x6]  }
0x22: {  	[tilespmem:s20], [sflag:$0x1] =	stream.linear.gather [hbm4b:s18+s2], $0x50, $0x38;
	[tilespmem:$0x1FB60] =	vst v63  }
0x23: {  	_ =	swait.ge [sflag:s21], $0x50  }
0x24: {  	[sflag:s21] =	ssyncset.done $0x0  }
0x25: {  	[sflag:s21] =	ssyncadd.s32 $0xFFFFFFB0  }
0x26: {  	_ =	swait.ge [sflag:s21], $0x50  }
0x27: {  	[sflag:s21] =	ssyncset.done $0x0  }
0x28: {  	[sflag:s21] =	ssyncadd.s32 $0xFFFFFFB0  }
0x29: {  	[tilespmem:s22], [sflag:$0x1] =	stream.indirect.gather [hbm4b:s4+s20], $0x90, s2, s20, $0xb8;
	[tilespmem:$0x1FB60] =	vst v63  }
0x2a: {  	_ = 	snop  }
0x2b: {  	[tilespmem:s23], [sflag:$0x1] =	stream.indirect.gather [hbm4b:s5+s20], $0x10, s20, s20, $0xb8;
	[tilespmem:$0x1FB60] =	vst v63  }
0x2c: {  	s19 =	rddreg [dreg:$0x7]  }
0x2d: {  	[tilespmem:s25], [sflag:$0x2] =	stream.linear.gather [hbm4b:s19+s2], $0x50, $0x38;
	[tilespmem:$0x1FB60] =	vst v63  }
0x2e: {  	s24 =	rddreg [dreg:$0x8]  }
0x2f: {  	[tilespmem:s26], [sflag:$0x2] =	stream.linear.gather [hbm4b:s24+s2], $0x50, $0x38;
	[tilespmem:$0x1FB60] =	vst v63  }
0x30: {  	_ =	swait.ge [sflag:s28], $0x50  }
0x31: {  	[sflag:s28] =	ssyncset.done $0x0  }
0x32: {  	[sflag:s28] =	ssyncadd.s32 $0xFFFFFFB0  }
0x33: {  	_ =	swait.ge [sflag:s28], $0x50  }
0x34: {  	[sflag:s28] =	ssyncset.done $0x0  }
0x35: {  	[sflag:s28] =	ssyncadd.s32 $0xFFFFFFB0  }
0x36: {  	[tilespmem:s29], [sflag:$0x2] =	stream.indirect.gather [hbm4b:s4+s20], $0x90, s25, s20, $0xb8;
	[tilespmem:$0x1FB60] =	vst v63  }
0x37: {  	s24 =	simm.s32 $0x0  }
0x38: {  	[tilespmem:s30], [sflag:$0x2] =	stream.indirect.gather [hbm4b:s5+s20], $0x10, s26, s20, $0xb8;
	[tilespmem:$0x1FB60] =	vst v63  }
.LBB2_2:
0x39: {  	_ =	swait.ge [sflag:s21], $0x2D00  }
0x3a: {  	[sflag:s21] =	ssyncset.done $0x0  }
0x3b: {  	[sflag:s21] =	ssyncadd.s32 $0xFFFFD300  }
0x3c: {  	_ =	swait.ge [sflag:s21], $0x500  }
0x3d: {  	[sflag:s21] =	ssyncset.done $0x0  }
0x3e: {  	s13 =	simm.s32 $0xE0;
	[sflag:s21] =	ssyncadd.s32 $0xFFFFFB00  }
0x3f: {  	s19 =	simm.s32 $0x0;
	s18 =	simm.s32 $0x40;
	s9 =	simm.s32 $0xE0;
	v0 =	vld [tilespmem:s13+$0x40]  }
.LBB2_3:
0x40: {  	p0 =	sne.s32 s18, $0x13C0;
	v1 =	vld [tilespmem:s19+$0x2DA0];
	_ =	sdelay $0x4  }
0x41: {  	v0 =	vadd.f32 v1, v0;
	_ =	sdelay $0x1  }
0x42: {  	v1 =	vmul.f32 $2.000000030e-01, v0;
	_ =	sdelay $0x1  }
0x43: {  	v0 =	vmax.f32 v0, v1  }
0x44: {  	v0 =	vmul.f32 $1.442695020e+00, v0;
	_ =	sdelay $0x1  }
0x45: {  	(erf) = vpow2.f32 v0;
	_ =	sdelay $0x4  }
0x46: {  	v0 =	vld [tilespmem:s13+$0xFFFFFFF0]  }
0x47: {  	v1 =	vld [tilespmem:s13+$0xFFFFFFD0]  }
0x48: {  	v2 =	vld [tilespmem:s13+$0xFFFFFFC0]  }
0x49: {  	v3 =	vld [tilespmem:s13+$0xFFFFFFE0]  }
0x4a: {  	v4 =	vld [tilespmem:s13+$0x30];
	v5 =	vpop (erf)  }
0x4b: {  	[tilespmem:s13+$0x40] =	vst v5;
	v6 =	vbroadcast v5, $0x0;
	v7 =	vbroadcast v5, $0x1;
	v8 =	vld [tilespmem:s13+$0x10]  }
0x4c: {  	v9 =	vbroadcast v5, $0x2;
	v10 =	vbroadcast v5, $0x3;
	v11 =	vld [tilespmem:s13+$0x0]  }
0x4d: {  	v2 =	vmul.f32 v6, v2;
	v1 =	vmul.f32 v7, v1;
	v6 =	vld [tilespmem:s13+$0x20]  }
0x4e: {  	v0 =	vmul.f32 v0, v10;
	v3 =	vmul.f32 v9, v3  }
0x4f: {  	v7 =	vbroadcast v5, $0x5;
	[tilespmem:s13+$0xFFFFFFC0] =	vst v2;
	v2 =	vbroadcast v5, $0x4  }
0x50: {  	[tilespmem:s13+$0xFFFFFFD0] =	vst v1;
	v1 =	vbroadcast v5, $0x6;
	v5 =	vbroadcast v5, $0x7  }
0x51: {  	[tilespmem:s13+$0xFFFFFFE0] =	vst v3;
	v2 =	vmul.f32 v11, v2;
	v3 =	vmul.f32 v8, v7  }
.Ltmp0:
0x52: {  	[tilespmem:s13+$0xFFFFFFF0] =	vst v0;
	v0 =	vmul.f32 v6, v1;
	v1 =	vmul.f32 v4, v5;
	(pc) =	sbr.rel @p0 .LBB2_3-.Ltmp0, $4  }
0x53: {  	[tilespmem:s13+$0x0] =	vst v2  }
0x54: {  	[tilespmem:s13+$0x10] =	vst v3  }
0x55: {  	s13 =	sadd.s32 $0x90, s13;
	[tilespmem:s9+$0x20] =	vst v0  }
0x56: {  	s19 =	sshra.s32 s18, $0x2;
	s18 =	sadd.s32 $0x40, s18;
	v0 =	vld [tilespmem:s13+$0x40];
	[tilespmem:s9+$0x30] =	vst v1;
	s9 =	smov.u32 s13  }
0x57: {  	v1 =	vld [tilespmem:s19+$0x2DA0];
	_ =	sdelay $0x4  }
0x58: {  	v0 =	vadd.f32 v1, v0;
	_ =	sdelay $0x1  }
0x59: {  	v1 =	vmul.f32 $2.000000030e-01, v0;
	_ =	sdelay $0x1  }
0x5a: {  	v0 =	vmax.f32 v0, v1  }
0x5b: {  	v0 =	vmul.f32 $1.442695020e+00, v0;
	_ =	sdelay $0x1  }
0x5c: {  	(erf) = vpow2.f32 v0;
	_ =	sdelay $0x6  }
0x5d: {  	v1 =	vld [tilespmem:s13+$0xFFFFFFC0]  }
0x5e: {  	v2 =	vld [tilespmem:s13+$0xFFFFFFD0]  }
0x5f: {  	v3 =	vld [tilespmem:s13+$0xFFFFFFE0];
	v4 =	vpop (erf)  }
0x60: {  	v0 =	vld [tilespmem:s13+$0xFFFFFFF0];
	v6 =	vbroadcast v4, $0x0  }
0x61: {  	v9 =	vld [tilespmem:s13+$0x10];
	v7 =	vbroadcast v4, $0x1  }
0x62: {  	v8 =	vld [tilespmem:s13+$0x0];
	v10 =	vbroadcast v4, $0x2;
	v1 =	vmul.f32 v6, v1  }
0x63: {  	v61 =	vld [tilespmem:s13+$0x20];
	[tilespmem:s13+$0x40] =	vst v4;
	v60 =	vbroadcast v4, $0x3;
	v2 =	vmul.f32 v7, v2  }
0x64: {  	v5 =	vld [tilespmem:s13+$0x30];
	v62 =	vbroadcast v4, $0x5;
	v3 =	vmul.f32 v10, v3;
	[tilespmem:s13+$0xFFFFFFC0] =	vst v1  }
0x65: {  	v0 =	vmul.f32 v0, v60;
	v1 =	vbroadcast v4, $0x4;
	[tilespmem:s13+$0xFFFFFFD0] =	vst v2  }
0x66: {  	v63 =	vmul.f32 v9, v62;
	v2 =	vbroadcast v4, $0x6;
	[tilespmem:s13+$0xFFFFFFE0] =	vst v3  }
0x67: {  	v3 =	vbroadcast v4, $0x7;
	[tilespmem:s13+$0xFFFFFFF0] =	vst v0;
	v1 =	vmul.f32 v8, v1  }
0x68: {  	[tilespmem:s13+$0x10] =	vst v63;
	v0 =	vmul.f32 v61, v2  }
0x69: {  	[tilespmem:s13+$0x0] =	vst v1;
	v1 =	vmul.f32 v5, v3  }
0x6a: {  	p0 =	seq.s32 s24, $0x0;
	[tilespmem:s9+$0x20] =	vst v0  }
0x6b: {  	s13 =	smul.u32 $0xF0, s24;
	[tilespmem:s9+$0x30] =	vst v1;
	s9 =	simm.s32 @!p0 $0x6  }
0x6c: {  	[spmem:s1] =	stream.indirect.scatter.add.f32 [tilespmem:s22], [sflag:$0x4], $0x90, s20, s20, $0xb8;
	[tilespmem:$0x1FB60] =	vst v63  }
0x6d: {  	s17 =	sadd.s32 s13, s14;
	_ =	swait.ge @!p0 [sflag:s9], $0x2D00  }
0x6e: {  	s17 =	sshrl.u32 s17, $0x3;
	[sflag:s9] =	ssyncset.done @!p0 $0x0  }
0x6f: {  	s18 =	simm.s32 $0x0;
	s19 =	sadd.s32 s6, s17;
	[sflag:s9] =	ssyncadd.s32 @!p0 $0xFFFFD300  }
0x70: {  	[tilespmem:s31], [sflag:$0x3] =	stream.linear.gather [hbm4b:s19+s18], $0x50, $0x38;
	[tilespmem:$0x1FB60] =	vst v63  }
0x71: {  	s19 =	sadd.s32 s7, s17  }
0x72: {  	[tilespmem:s0], [sflag:$0x3] =	stream.linear.gather [hbm4b:s19+s18], $0x50, $0x38;
	[tilespmem:$0x1FB60] =	vst v63  }
0x73: {  	_ =	swait.ge [sflag:s3], $0x50  }
0x74: {  	[sflag:s3] =	ssyncset.done $0x0  }
0x75: {  	[sflag:s3] =	ssyncadd.s32 $0xFFFFFFB0  }
0x76: {  	_ =	swait.ge [sflag:s3], $0x50  }
0x77: {  	[sflag:s3] =	ssyncset.done $0x0  }
0x78: {  	[sflag:s3] =	ssyncadd.s32 $0xFFFFFFB0  }
0x79: {  	[tilespmem:s8], [sflag:$0x3] =	stream.indirect.gather [hbm4b:s4+s20], $0x90, s31, s20, $0xb8;
	[tilespmem:$0x1FB60] =	vst v63  }
0x7a: {  	_ = 	snop  }
0x7b: {  	[tilespmem:s10], [sflag:$0x3] =	stream.indirect.gather [hbm4b:s5+s20], $0x10, s0, s20, $0xb8;
	[tilespmem:$0x1FB60] =	vst v63  }
0x7c: {  	_ =	swait.ge [sflag:s28], $0x2D00  }
0x7d: {  	[sflag:s28] =	ssyncset.done $0x0  }
0x7e: {  	[sflag:s28] =	ssyncadd.s32 $0xFFFFD300  }
0x7f: {  	_ =	swait.ge [sflag:s28], $0x500  }
0x80: {  	[sflag:s28] =	ssyncset.done $0x0  }
0x81: {  	s9 =	simm.s32 $0x3380;
	[sflag:s28] =	ssyncadd.s32 $0xFFFFFB00  }
0x82: {  	s17 =	simm.s32 $0x0;
	s19 =	simm.s32 $0x40;
	s18 =	simm.s32 $0x3380;
	v0 =	vld [tilespmem:s9+$0x40]  }
.LBB2_5:
0x83: {  	p0 =	sne.s32 s19, $0x13C0;
	v1 =	vld [tilespmem:s17+$0x6040];
	_ =	sdelay $0x4  }
0x84: {  	v0 =	vadd.f32 v1, v0;
	_ =	sdelay $0x1  }
0x85: {  	v1 =	vmul.f32 $2.000000030e-01, v0;
	_ =	sdelay $0x1  }
0x86: {  	v0 =	vmax.f32 v0, v1  }
0x87: {  	v0 =	vmul.f32 $1.442695020e+00, v0;
	_ =	sdelay $0x1  }
0x88: {  	(erf) = vpow2.f32 v0;
	_ =	sdelay $0x4  }
0x89: {  	v0 =	vld [tilespmem:s9+$0xFFFFFFF0]  }
0x8a: {  	v1 =	vld [tilespmem:s9+$0xFFFFFFD0]  }
0x8b: {  	v2 =	vld [tilespmem:s9+$0xFFFFFFC0]  }
0x8c: {  	v3 =	vld [tilespmem:s9+$0xFFFFFFE0]  }
0x8d: {  	v4 =	vld [tilespmem:s9+$0x30];
	v5 =	vpop (erf)  }
0x8e: {  	[tilespmem:s9+$0x40] =	vst v5;
	v6 =	vbroadcast v5, $0x0;
	v7 =	vbroadcast v5, $0x1;
	v8 =	vld [tilespmem:s9+$0x10]  }
0x8f: {  	v9 =	vbroadcast v5, $0x2;
	v10 =	vbroadcast v5, $0x3;
	v11 =	vld [tilespmem:s9+$0x0]  }
0x90: {  	v2 =	vmul.f32 v6, v2;
	v1 =	vmul.f32 v7, v1;
	v6 =	vld [tilespmem:s9+$0x20]  }
0x91: {  	v0 =	vmul.f32 v0, v10;
	v3 =	vmul.f32 v9, v3  }
0x92: {  	v7 =	vbroadcast v5, $0x5;
	[tilespmem:s9+$0xFFFFFFC0] =	vst v2;
	v2 =	vbroadcast v5, $0x4  }
0x93: {  	[tilespmem:s9+$0xFFFFFFD0] =	vst v1;
	v1 =	vbroadcast v5, $0x6;
	v5 =	vbroadcast v5, $0x7  }
0x94: {  	[tilespmem:s9+$0xFFFFFFE0] =	vst v3;
	v2 =	vmul.f32 v11, v2;
	v3 =	vmul.f32 v8, v7  }
.Ltmp1:
0x95: {  	[tilespmem:s9+$0xFFFFFFF0] =	vst v0;
	v0 =	vmul.f32 v6, v1;
	v1 =	vmul.f32 v4, v5;
	(pc) =	sbr.rel @p0 .LBB2_5-.Ltmp1, $4  }
0x96: {  	[tilespmem:s9+$0x0] =	vst v2  }
0x97: {  	[tilespmem:s9+$0x10] =	vst v3  }
0x98: {  	s9 =	sadd.s32 $0x90, s9;
	[tilespmem:s18+$0x20] =	vst v0  }
0x99: {  	s17 =	sshra.s32 s19, $0x2;
	s19 =	sadd.s32 $0x40, s19;
	v0 =	vld [tilespmem:s9+$0x40];
	[tilespmem:s18+$0x30] =	vst v1;
	s18 =	smov.u32 s9  }
0x9a: {  	v1 =	vld [tilespmem:s17+$0x6040];
	_ =	sdelay $0x4  }
0x9b: {  	v0 =	vadd.f32 v1, v0;
	_ =	sdelay $0x1  }
0x9c: {  	v1 =	vmul.f32 $2.000000030e-01, v0;
	_ =	sdelay $0x1  }
0x9d: {  	v0 =	vmax.f32 v0, v1  }
0x9e: {  	v0 =	vmul.f32 $1.442695020e+00, v0;
	_ =	sdelay $0x1  }
0x9f: {  	(erf) = vpow2.f32 v0;
	_ =	sdelay $0x6  }
0xa0: {  	v1 =	vld [tilespmem:s9+$0xFFFFFFC0]  }
0xa1: {  	v2 =	vld [tilespmem:s9+$0xFFFFFFD0]  }
0xa2: {  	v3 =	vld [tilespmem:s9+$0xFFFFFFE0];
	v4 =	vpop (erf)  }
0xa3: {  	v0 =	vld [tilespmem:s9+$0xFFFFFFF0];
	v6 =	vbroadcast v4, $0x0  }
0xa4: {  	v9 =	vld [tilespmem:s9+$0x10];
	v7 =	vbroadcast v4, $0x1  }
0xa5: {  	v8 =	vld [tilespmem:s9+$0x0];
	v10 =	vbroadcast v4, $0x2;
	v1 =	vmul.f32 v6, v1  }
0xa6: {  	v61 =	vld [tilespmem:s9+$0x20];
	[tilespmem:s9+$0x40] =	vst v4;
	v60 =	vbroadcast v4, $0x3;
	v2 =	vmul.f32 v7, v2  }
0xa7: {  	v5 =	vld [tilespmem:s9+$0x30];
	v62 =	vbroadcast v4, $0x5;
	v3 =	vmul.f32 v10, v3;
	[tilespmem:s9+$0xFFFFFFC0] =	vst v1  }
0xa8: {  	v0 =	vmul.f32 v0, v60;
	v1 =	vbroadcast v4, $0x4;
	[tilespmem:s9+$0xFFFFFFD0] =	vst v2  }
0xa9: {  	v63 =	vmul.f32 v9, v62;
	v2 =	vbroadcast v4, $0x6;
	[tilespmem:s9+$0xFFFFFFE0] =	vst v3  }
0xaa: {  	v3 =	vbroadcast v4, $0x7;
	[tilespmem:s9+$0xFFFFFFF0] =	vst v0;
	v1 =	vmul.f32 v8, v1  }
0xab: {  	[tilespmem:s9+$0x10] =	vst v63;
	v0 =	vmul.f32 v61, v2  }
0xac: {  	[tilespmem:s9+$0x0] =	vst v1;
	v1 =	vmul.f32 v5, v3  }
0xad: {  	[tilespmem:s18+$0x20] =	vst v0  }
0xae: {  	[tilespmem:s18+$0x30] =	vst v1  }
0xaf: {  	[spmem:s1] =	stream.indirect.scatter.add.f32 [tilespmem:s29], [sflag:$0x5], $0x90, s26, s20, $0xb8;
	[tilespmem:$0x1FB60] =	vst v63  }
0xb0: {  	s17 =	sadd.s32 s13, s15;
	_ =	swait.ge [sflag:s11], $0x2D00  }
0xb1: {  	s9 =	sshrl.u32 s17, $0x3;
	[sflag:s11] =	ssyncset.done $0x0  }
0xb2: {  	s19 =	simm.s32 $0x0;
	s18 =	sadd.s32 s6, s9;
	[sflag:s11] =	ssyncadd.s32 $0xFFFFD300  }
0xb3: {  	[tilespmem:s19], [sflag:$0x1] =	stream.linear.gather [hbm4b:s18+s19], $0x50, $0x38;
	[tilespmem:$0x1FB60] =	vst v63  }
0xb4: {  	s9 =	sadd.s32 s7, s9  }
0xb5: {  	[tilespmem:s20], [sflag:$0x1] =	stream.linear.gather [hbm4b:s9+s19], $0x50, $0x38;
	[tilespmem:$0x1FB60] =	vst v63  }
0xb6: {  	_ =	swait.ge [sflag:s21], $0x50  }
0xb7: {  	[sflag:s21] =	ssyncset.done $0x0  }
0xb8: {  	[sflag:s21] =	ssyncadd.s32 $0xFFFFFFB0  }
0xb9: {  	_ =	swait.ge [sflag:s21], $0x50  }
0xba: {  	[sflag:s21] =	ssyncset.done $0x0  }
0xbb: {  	[sflag:s21] =	ssyncadd.s32 $0xFFFFFFB0  }
0xbc: {  	[tilespmem:s22], [sflag:$0x1] =	stream.indirect.gather [hbm4b:s4+s20], $0x90, s19, s20, $0xb8;
	[tilespmem:$0x1FB60] =	vst v63  }
0xbd: {  	_ = 	snop  }
0xbe: {  	[tilespmem:s23], [sflag:$0x1] =	stream.indirect.gather [hbm4b:s5+s20], $0x10, s20, s20, $0xb8;
	[tilespmem:$0x1FB60] =	vst v63  }
0xbf: {  	_ =	swait.ge [sflag:s3], $0x2D00  }
0xc0: {  	[sflag:s3] =	ssyncset.done $0x0  }
0xc1: {  	[sflag:s3] =	ssyncadd.s32 $0xFFFFD300  }
0xc2: {  	_ =	swait.ge [sflag:s3], $0x500  }
0xc3: {  	[sflag:s3] =	ssyncset.done $0x0  }
0xc4: {  	s9 =	simm.s32 $0x6620;
	[sflag:s3] =	ssyncadd.s32 $0xFFFFFB00  }
0xc5: {  	s17 =	simm.s32 $0x0;
	s18 =	simm.s32 $0x6620;
	s19 =	simm.s32 $0x40;
	v0 =	vld [tilespmem:s9+$0x40]  }
.LBB2_7:
0xc6: {  	p0 =	sne.s32 s19, $0x13C0;
	v1 =	vld [tilespmem:s17+$0x92E0];
	_ =	sdelay $0x4  }
0xc7: {  	v0 =	vadd.f32 v1, v0;
	_ =	sdelay $0x1  }
0xc8: {  	v1 =	vmul.f32 $2.000000030e-01, v0;
	_ =	sdelay $0x1  }
0xc9: {  	v0 =	vmax.f32 v0, v1  }
0xca: {  	v0 =	vmul.f32 $1.442695020e+00, v0;
	_ =	sdelay $0x1  }
0xcb: {  	(erf) = vpow2.f32 v0;
	_ =	sdelay $0x4  }
0xcc: {  	v0 =	vld [tilespmem:s9+$0xFFFFFFF0]  }
0xcd: {  	v1 =	vld [tilespmem:s9+$0xFFFFFFD0]  }
0xce: {  	v2 =	vld [tilespmem:s9+$0xFFFFFFC0]  }
0xcf: {  	v3 =	vld [tilespmem:s9+$0xFFFFFFE0]  }
0xd0: {  	v4 =	vld [tilespmem:s9+$0x30];
	v5 =	vpop (erf)  }
0xd1: {  	[tilespmem:s9+$0x40] =	vst v5;
	v6 =	vbroadcast v5, $0x0;
	v7 =	vbroadcast v5, $0x1;
	v8 =	vld [tilespmem:s9+$0x10]  }
0xd2: {  	v9 =	vbroadcast v5, $0x2;
	v10 =	vbroadcast v5, $0x3;
	v11 =	vld [tilespmem:s9+$0x0]  }
0xd3: {  	v2 =	vmul.f32 v6, v2;
	v1 =	vmul.f32 v7, v1;
	v6 =	vld [tilespmem:s9+$0x20]  }
0xd4: {  	v0 =	vmul.f32 v0, v10;
	v3 =	vmul.f32 v9, v3  }
0xd5: {  	v7 =	vbroadcast v5, $0x5;
	[tilespmem:s9+$0xFFFFFFC0] =	vst v2;
	v2 =	vbroadcast v5, $0x4  }
0xd6: {  	[tilespmem:s9+$0xFFFFFFD0] =	vst v1;
	v1 =	vbroadcast v5, $0x6;
	v5 =	vbroadcast v5, $0x7  }
0xd7: {  	[tilespmem:s9+$0xFFFFFFE0] =	vst v3;
	v2 =	vmul.f32 v11, v2;
	v3 =	vmul.f32 v8, v7  }
.Ltmp2:
0xd8: {  	[tilespmem:s9+$0xFFFFFFF0] =	vst v0;
	v0 =	vmul.f32 v6, v1;
	v1 =	vmul.f32 v4, v5;
	(pc) =	sbr.rel @p0 .LBB2_7-.Ltmp2, $4  }
0xd9: {  	[tilespmem:s9+$0x0] =	vst v2  }
0xda: {  	[tilespmem:s9+$0x10] =	vst v3  }
0xdb: {  	s9 =	sadd.s32 $0x90, s9;
	[tilespmem:s18+$0x20] =	vst v0  }
0xdc: {  	s17 =	sshra.s32 s19, $0x2;
	s19 =	sadd.s32 $0x40, s19;
	v0 =	vld [tilespmem:s9+$0x40];
	[tilespmem:s18+$0x30] =	vst v1;
	s18 =	smov.u32 s9  }
0xdd: {  	v1 =	vld [tilespmem:s17+$0x92E0];
	_ =	sdelay $0x4  }
0xde: {  	v0 =	vadd.f32 v1, v0;
	_ =	sdelay $0x1  }
0xdf: {  	v1 =	vmul.f32 $2.000000030e-01, v0;
	_ =	sdelay $0x1  }
0xe0: {  	v0 =	vmax.f32 v0, v1  }
0xe1: {  	v0 =	vmul.f32 $1.442695020e+00, v0;
	_ =	sdelay $0x1  }
0xe2: {  	(erf) = vpow2.f32 v0;
	_ =	sdelay $0x6  }
0xe3: {  	v54 =	vld [tilespmem:s9+$0xFFFFFFC0]  }
0xe4: {  	v2 =	vld [tilespmem:s9+$0xFFFFFFD0]  }
0xe5: {  	v3 =	vld [tilespmem:s9+$0xFFFFFFE0];
	v4 =	vpop (erf)  }
0xe6: {  	v53 =	vld [tilespmem:s9+$0xFFFFFFF0];
	v6 =	vbroadcast v4, $0x0  }
0xe7: {  	v9 =	vld [tilespmem:s9+$0x10];
	v7 =	vbroadcast v4, $0x1  }
0xe8: {  	v8 =	vld [tilespmem:s9+$0x0];
	v10 =	vbroadcast v4, $0x2;
	v1 =	vmul.f32 v6, v54  }
0xe9: {  	v56 =	vld [tilespmem:s9+$0x20];
	[tilespmem:s9+$0x40] =	vst v4;
	v55 =	vbroadcast v4, $0x3;
	v2 =	vmul.f32 v7, v2  }
0xea: {  	v5 =	vld [tilespmem:s9+$0x30];
	v58 =	vbroadcast v4, $0x5;
	v3 =	vmul.f32 v10, v3;
	[tilespmem:s9+$0xFFFFFFC0] =	vst v1  }
0xeb: {  	v57 =	vbroadcast v4, $0x4;
	v0 =	vmul.f32 v53, v55;
	[tilespmem:s9+$0xFFFFFFD0] =	vst v2  }
0xec: {  	v59 =	vbroadcast v4, $0x6;
	v61 =	vmul.f32 v9, v58;
	[tilespmem:s9+$0xFFFFFFE0] =	vst v3  }
0xed: {  	v60 =	vbroadcast v4, $0x7;
	v1 =	vmul.f32 v8, v57;
	[tilespmem:s9+$0xFFFFFFF0] =	vst v0  }
0xee: {  	v62 =	vmul.f32 v56, v59;
	[tilespmem:s9+$0x10] =	vst v61  }
0xef: {  	v63 =	vmul.f32 v5, v60;
	[tilespmem:s9+$0x0] =	vst v1  }
0xf0: {  	[tilespmem:s18+$0x20] =	vst v62  }
0xf1: {  	[tilespmem:s18+$0x30] =	vst v63  }
0xf2: {  	[spmem:s1] =	stream.indirect.scatter.add.f32 [tilespmem:s8], [sflag:$0x6], $0x90, s0, s20, $0xb8;
	[tilespmem:$0x1FB60] =	vst v63  }
0xf3: {  	s18 =	sadd.s32 s13, s16;
	_ =	swait.ge [sflag:s12], $0x2D00  }
0xf4: {  	s9 =	sshrl.u32 s18, $0x3;
	[sflag:s12] =	ssyncset.done $0x0  }
0xf5: {  	s19 =	sadd.s32 s6, s9;
	[sflag:s12] =	ssyncadd.s32 $0xFFFFD300  }
0xf6: {  	[tilespmem:s25], [sflag:$0x2] =	stream.linear.gather [hbm4b:s19+s2], $0x50, $0x38;
	[tilespmem:$0x1FB60] =	vst v63  }
0xf7: {  	s9 =	sadd.s32 s7, s9  }
0xf8: {  	[tilespmem:s26], [sflag:$0x2] =	stream.linear.gather [hbm4b:s9+s2], $0x50, $0x38;
	[tilespmem:$0x1FB60] =	vst v63  }
0xf9: {  	_ =	swait.ge [sflag:s28], $0x50  }
0xfa: {  	[sflag:s28] =	ssyncset.done $0x0  }
0xfb: {  	s24 =	sadd.s32 $0x1, s24;
	[sflag:s28] =	ssyncadd.s32 $0xFFFFFFB0  }
0xfc: {  	p0 =	sne.s32 s24, $0x2A;
	_ =	swait.ge [sflag:s28], $0x50  }
.Ltmp3:
0xfd: {  	[sflag:s28] =	ssyncset.done $0x0;
	(pc) =	sbr.rel @p0 .LBB2_2-.Ltmp3, $4  }
0xfe: {  	[sflag:s28] =	ssyncadd.s32 $0xFFFFFFB0  }
0xff: {  	[tilespmem:s29], [sflag:$0x2] =	stream.indirect.gather [hbm4b:s4+s20], $0x90, s25, s20, $0xb8;
	[tilespmem:$0x1FB60] =	vst v63  }
0x100: {  	_ = 	snop  }
0x101: {  	[tilespmem:s30], [sflag:$0x2] =	stream.indirect.gather [hbm4b:s5+s20], $0x10, s26, s20, $0xb8;
	[tilespmem:$0x1FB60] =	vst v63  }
0x102: {  	s9 =	simm.s32 $0x6  }
0x103: {  	_ =	swait.ge [sflag:s9], $0x2D00  }
0x104: {  	[sflag:s9] =	ssyncset.done $0x0  }
0x105: {  	[sflag:s9] =	ssyncadd.s32 $0xFFFFD300  }
0x106: {  	_ =	swait.ge [sflag:s21], $0x2D00  }
0x107: {  	[sflag:s21] =	ssyncset.done $0x0  }
0x108: {  	[sflag:s21] =	ssyncadd.s32 $0xFFFFD300  }
0x109: {  	_ =	swait.ge [sflag:s21], $0x500  }
0x10a: {  	[sflag:s21] =	ssyncset.done $0x0  }
0x10b: {  	[sflag:s21] =	ssyncadd.s32 $0xFFFFFB00  }
0x10c: {  	_ =	swait.ge [sflag:s28], $0x2D00  }
0x10d: {  	[sflag:s28] =	ssyncset.done $0x0  }
0x10e: {  	[sflag:s28] =	ssyncadd.s32 $0xFFFFD300  }
0x10f: {  	_ =	swait.ge [sflag:s28], $0x500  }
0x110: {  	[sflag:s28] =	ssyncset.done $0x0  }
0x111: {  	[sflag:s28] =	ssyncadd.s32 $0xFFFFFB00  }
0x112: {  	[bflag:$0x0] =	sbarrier.arrive $0xFFFF  }
0x113: {  	s13 =	rddreg [dreg:$0x4]  }
0x114: {  	s17 =	rddreg [dreg:$0xa]  }
0x115: {  	s18 =	simm.s32 $0x7;
	s19 =	rddreg [dreg:$0xb]  }
0x116: {  	[hbm:s19], [sflag:s13] =	dma.local [spmem:s17], $0x2C70  }
0x117: {  	_ =	swait.ge [sflag:s18], $0x2C70  }
0x118: {  	s19 =	rddreg [dreg:$0xc]  }
0x119: {  	s24 =	rddreg [dreg:$0x9];
	s19 =	sadd.s32 $0x1, s19  }
0x11a: {  	p0 =	sne.s32 s19, s24  }
.Ltmp4:
0x11b: {  	_ = 	snop;
	(pc) =	sbr.rel @p0 .LBB2_1-.Ltmp4, $3  }
0x11c: {  	_ =	sdelay $0x1  }
0x11d: {  	[sflag:s18] =	ssyncset.done $0x0  }
0x11e: {  	[sflag:s18] =	ssyncadd.s32 $0xFFFFD390  }
0x11f: {  	_ =	sfence.sel $0x180000  }
0x120: {  	[bflag:$0x0] =	sbarrier.arrive $0xFFFF  }
0x121: {  	_ =	strace $0x90000047  }
0x122: {  	s0 =	stileid.u32;
	[bflag:$0x2] =	sbarrier.arrive $0xFFFF  }
0x123: {  	p0 =	sne.s32 s0, $0x0;
	s0 =	rddreg [dreg:$0x2]  }
0x124: {  	s0 =	sadd.s32 @!p0 $0x100000, s0  }
0x125: {  	[sflag:s0] =	ssyncadd.tile.s32 @!p0 $0x1;
	_ =	shalt  }
.Lfunc_end2:
_tile_overlayer_lowered:
.L_overlay_start_2:
0x126: {  	(tag) =	ssettag $0x2  }
0x127: {  	s0 =	rddreg [dreg:$0x0];
	s2 =	stileid.u32  }
0x128: {  	s1 =	rddreg [dreg:$0x1];
	p0 =	sne.s32 s2, $0x0  }
0x129: {  	s3 =	rddreg [dreg:$0x2];
	[bflag:$0x3] =	sbarrier.arrive $0xFFFF;
	s2 =	simm.s32 @!p0 $0x1C07  }
0x12a: {  	[timem:s3], [sflag:s2] =	dma.local @!p0 [hbm:s0], s1  }
0x12b: {  	s0 =	simm.s32 @!p0 $0x7  }
0x12c: {  	_ =	swait.ge @!p0 [sflag:s0], s1  }
0x12d: {  	s1 =	ssub.s32 @!p0 $0x0, s1;
	[sflag:s0] =	ssyncset.done @!p0 $0x0  }
0x12e: {  	[sflag:s0] =	ssyncadd.s32 @!p0 s1  }
0x12f: {  	[bflag:$0x3] =	sbarrier.arrive $0xFFFF  }
0x130: {  	_ =	shalt  }

</sc_bundles>
